<compile_context>
chip_gen: v7x
topology: tpu7x:2x2x1
jax: 0.10.2.dev20260603
libtpu: 0.0.44.dev20260713+nightly
codegen_flags: <defaults>
</compile_context>

<pallas_src>
import jax
import jax.numpy as jnp
from jax import lax
from jax.experimental import pallas as pl
from jax.experimental.pallas import tpu as pltpu
from jax.experimental.pallas import tpu_sc as plsc

N = 10000
E = 320000
D = 128
G = 64
GSZ = 5

NC = 2
NS = 16
NW = NC * NS
CHUNK = 128
NCHUNKS = E // CHUNK
RB = 200
NB = N // RB


def _sc_agg_body(table_hbm, edge_hbm, out_hbm,
                 src0_v, src1_v, src2_v, src3_v, src4_v, src5_v,
                 dst0_v, dst1_v, dst2_v, dst3_v, dst4_v, dst5_v,
                 rows0_v, rows1_v, rows2_v, acc_sh,
                 gsem0, gsem1, gsem2,
                 isem0, isem1, isem2, isem3, isem4, isem5,
                 ssem0, ssem1, ssem2):
    c = lax.axis_index("c")
    s = lax.axis_index("s")
    w = s * NC + c

    zero16 = jnp.zeros((16,), jnp.float32)

    def _zero_body(i, carry):
        for j in range(D // 16):
            rows0_v[i, pl.ds(j * 16, 16)] = zero16
        return carry

    lax.fori_loop(0, CHUNK, _zero_body, 0)

    nzb = N // CHUNK

    def _zinit(k, carry):
        bid = s + NS * k

        @pl.when(bid < nzb)
        def _():
            off = pl.multiple_of(bid * CHUNK, 8)

            @pl.when(c == 0)
            def _():
                pltpu.sync_copy(table_hbm.at[pl.ds(off, CHUNK)],
                                acc_sh.at[pl.ds(off, CHUNK)])

            @pl.when(c == 1)
            def _():
                pltpu.sync_copy(rows0_v, acc_sh.at[pl.ds(off, CHUNK)])

        return carry

    lax.fori_loop(0, (nzb + NS - 1) // NS, _zinit, 0)

    @pl.when(s == 0)
    def _():
        toff = pl.multiple_of(nzb * CHUNK, 8)

        @pl.when(c == 0)
        def _():
            pltpu.sync_copy(table_hbm.at[pl.ds(toff, 16)],
                            acc_sh.at[pl.ds(toff, 16)])

        @pl.when(c == 1)
        def _():
            pltpu.sync_copy(rows0_v.at[pl.ds(0, 16)],
                            acc_sh.at[pl.ds(toff, 16)])

    plsc.subcore_barrier()

    sbufs = (src0_v, src1_v, src2_v, src3_v, src4_v, src5_v)
    dbufs = (dst0_v, dst1_v, dst2_v, dst3_v, dst4_v, dst5_v)
    isems = (isem0, isem1, isem2, isem3, isem4, isem5)
    rbufs = (rows0_v, rows1_v, rows2_v)
    gsems = (gsem0, gsem1, gsem2)
    ssems = (ssem0, ssem1, ssem2)
    NSLOT = NCHUNKS // NW

    def _ldidx(slot, u):
        off = pl.multiple_of((w + slot * NW) * CHUNK, 8)
        pltpu.async_copy(edge_hbm.at[0, pl.ds(off, CHUNK)], sbufs[u],
                         isems[u])
        pltpu.async_copy(edge_hbm.at[1, pl.ds(off, CHUNK)], dbufs[u],
                         isems[u])

    def _iwait(slot, u):
        off = pl.multiple_of((w + slot * NW) * CHUNK, 8)
        pltpu.make_async_copy(edge_hbm.at[0, pl.ds(off, CHUNK)], sbufs[u],
                              isems[u]).wait()
        pltpu.make_async_copy(edge_hbm.at[1, pl.ds(off, CHUNK)], dbufs[u],
                              isems[u]).wait()

    def _gather(u, r):
        pltpu.async_copy(table_hbm.at[sbufs[u]], rbufs[r], gsems[r])

    def _gwait(u, r):
        pltpu.make_async_copy(table_hbm.at[sbufs[u]], rbufs[r],
                              gsems[r]).wait()

    def _scat(u, r):
        pltpu.async_copy(rbufs[r], acc_sh.at[dbufs[u]], ssems[r], add=True)

    def _swait(u, r):
        pltpu.make_async_copy(rbufs[r], acc_sh.at[dbufs[u]],
                              ssems[r]).wait()

    for j in range(4):
        _ldidx(j, j)
    for j in range(2):
        _iwait(j, j)
        _gather(j, j)

    def _edge_body(i, carry):
        for u in range(6):
            slot = 6 * i + u
            r = u % 3
            _gwait(u, r)
            _scat(u, r)

            @pl.when(slot + 4 < NSLOT)
            def _():
                _ldidx(slot + 4, (u + 4) % 6)

            @pl.when(slot + 2 < NSLOT)
            def _():
                _iwait(slot + 2, (u + 2) % 6)

                @pl.when(slot >= 1)
                def _():
                    _swait((u + 5) % 6, (r + 2) % 3)

                _gather((u + 2) % 6, (r + 2) % 3)

        return carry

    lax.fori_loop(0, NSLOT // 6, _edge_body, 0)
    for t in (NSLOT - 3, NSLOT - 2, NSLOT - 1):
        _swait(t % 6, t % 3)

    @pl.when(w + NSLOT * NW < NCHUNKS)
    def _():
        off = pl.multiple_of((w + NSLOT * NW) * CHUNK, 8)
        pltpu.sync_copy(edge_hbm.at[0, pl.ds(off, CHUNK)], src0_v)
        pltpu.sync_copy(edge_hbm.at[1, pl.ds(off, CHUNK)], dst0_v)
        pltpu.async_copy(table_hbm.at[src0_v], rows0_v, gsem0).wait()
        pltpu.sync_copy(rows0_v, acc_sh.at[dst0_v], add=True)

    plsc.subcore_barrier()

    def _dump(k, carry):
        bid = s + NS * k

        @pl.when(bid < NB)
        def _():
            off = pl.multiple_of(bid * RB, 8)
            pltpu.sync_copy(acc_sh.at[pl.ds(off, RB)],
                            out_hbm.at[c, pl.ds(off, RB)])

        return carry

    lax.fori_loop(0, (NB + NS - 1) // NS, _dump, 0)


def _sc_pass(table, edge_index):
    mesh = plsc.VectorSubcoreMesh(core_axis_name="c", subcore_axis_name="s")
    kern = pl.kernel(
        _sc_agg_body,
        mesh=mesh,
        out_type=jax.ShapeDtypeStruct((NC, N, D), jnp.float32),
        scratch_types=(
            [pltpu.VMEM((CHUNK,), jnp.int32)] * 12
            + [pltpu.VMEM((CHUNK, D), jnp.float32)] * 3
            + [pltpu.VMEM_SHARED((N, D), jnp.float32)]
            + [pltpu.SemaphoreType.DMA] * 12
        ),
    )
    return kern(table, edge_index)


ROWS_BLK = 1000
GRID = N // ROWS_BLK


def _mlp1_body(pa_ref, w1_ref, b1_ref, w2_ref, b2_ref, out_ref):
    h = pa_ref[0] + pa_ref[1]
    t = jnp.maximum(
        jnp.dot(h, w1_ref[...], preferred_element_type=jnp.float32)
        + b1_ref[...], 0.0)
    o = (jnp.dot(t, w2_ref[...], preferred_element_type=jnp.float32)
         + b2_ref[...])
    out_ref[...] = jnp.maximum(o, 0.0)


def _mlp1(pa, w1, b1, w2, b2):
    return pl.pallas_call(
        _mlp1_body,
        grid=(GRID,),
        in_specs=[
            pl.BlockSpec((NC, ROWS_BLK, D), lambda i: (0, i, 0)),
            pl.BlockSpec((D, D), lambda i: (0, 0)),
            pl.BlockSpec((1, D), lambda i: (0, 0)),
            pl.BlockSpec((D, D), lambda i: (0, 0)),
            pl.BlockSpec((1, D), lambda i: (0, 0)),
        ],
        out_specs=pl.BlockSpec((ROWS_BLK, D), lambda i: (i, 0)),
        out_shape=jax.ShapeDtypeStruct((N, D), jnp.float32),
    )(pa, w1, b1, w2, b2)


def _mlp2_body(pa_ref, w1_ref, b1_ref, w2_ref, b2_ref,
               e_ref, g_ref, out_ref):
    i = pl.program_id(0)
    hin = pa_ref[0] + pa_ref[1]
    t = jnp.maximum(
        jnp.dot(hin, w1_ref[...], preferred_element_type=jnp.float32)
        + b1_ref[...], 0.0)
    h2 = (jnp.dot(t, w2_ref[...], preferred_element_type=jnp.float32)
          + b2_ref[...])
    contrib = lax.dot_general(e_ref[...], h2, (((0,), (0,)), ((), ())),
                              preferred_element_type=jnp.float32)

    @pl.when(i == 0)
    def _():
        out_ref[...] = jnp.zeros_like(out_ref)

    out_ref[...] += contrib

    @pl.when(i == pl.num_programs(0) - 1)
    def _():
        den = jnp.sum(g_ref[...], axis=1, keepdims=True) + 1e-4
        out_ref[...] = out_ref[...] / den


def _mlp2(pa, w1, b1, w2, b2, e_rep, ghg):
    return pl.pallas_call(
        _mlp2_body,
        grid=(GRID,),
        in_specs=[
            pl.BlockSpec((NC, ROWS_BLK, D), lambda i: (0, i, 0)),
            pl.BlockSpec((D, D), lambda i: (0, 0)),
            pl.BlockSpec((1, D), lambda i: (0, 0)),
            pl.BlockSpec((D, D), lambda i: (0, 0)),
            pl.BlockSpec((1, D), lambda i: (0, 0)),
            pl.BlockSpec((ROWS_BLK, G), lambda i: (i, 0)),
            pl.BlockSpec((G, N // GSZ), lambda i: (0, 0)),
        ],
        out_specs=pl.BlockSpec((G, D), lambda i: (0, 0)),
        out_shape=jax.ShapeDtypeStruct((G, D), jnp.float32),
    )(pa, w1, b1, w2, b2, e_rep, ghg)


def kernel(x, edge_index, graph_has_graphlet,
           W1a, b1a, W2a, b2a, W1b, b1b, W2b, b2b):
    b1a2 = b1a.reshape(1, D)
    b2a2 = b2a.reshape(1, D)
    b1b2 = b1b.reshape(1, D)
    b2b2 = b2b.reshape(1, D)
    ghg_rep_t = jnp.repeat(graph_has_graphlet.T, GSZ, axis=0)

    pa1 = _sc_pass(x, edge_index)
    h1r = _mlp1(pa1, W1a, b1a2, W2a, b2a2)
    pa2 = _sc_pass(h1r, edge_index)
    out = _mlp2(pa2, W1b, b1b2, W2b, b2b2, ghg_rep_t, graph_has_graphlet)
    return out

# --- scband reference (transcript-rebuilt; emitter-appended) ---
"""Pipeline reference for scband-kary-gnn-58205396795407 (READ-ONLY COPY).

The authoritative reference and input builder live on the scoring server;
editing this copy changes nothing except your own understanding.
"""

import jax, jax.numpy as jnp
import numpy as np

N = 10000
E = 320000
D = 128
G = 64
GRAPHLET_SZ = 5
NUM_GRAPHLETS = N // GRAPHLET_SZ


def setup_inputs(seed: int = 0) -> dict:
    key = jax.random.key(seed)
    ks = jax.random.split(key, 12)
    scale = 0.05
    x = jax.random.normal(ks[0], (N, D), dtype=jnp.float32)
    edge_index = jax.random.randint(ks[1], (2, E), 0, N, dtype=jnp.int32)
    graph_has_graphlet = jax.random.uniform(ks[2], (G, NUM_GRAPHLETS), dtype=jnp.float32)
    W1a = jax.random.normal(ks[3], (D, D), dtype=jnp.float32) * scale
    b1a = jnp.zeros((D,), dtype=jnp.float32)
    W2a = jax.random.normal(ks[4], (D, D), dtype=jnp.float32) * scale
    b2a = jnp.zeros((D,), dtype=jnp.float32)
    W1b = jax.random.normal(ks[5], (D, D), dtype=jnp.float32) * scale
    b1b = jnp.zeros((D,), dtype=jnp.float32)
    W2b = jax.random.normal(ks[6], (D, D), dtype=jnp.float32) * scale
    b2b = jnp.zeros((D,), dtype=jnp.float32)
    return {"x": x, "edge_index": edge_index, "graph_has_graphlet": graph_has_graphlet,
            "W1a": W1a, "b1a": b1a, "W2a": W2a, "b2a": b2a,
            "W1b": W1b, "b1b": b1b, "W2b": W2b, "b2b": b2b}


def _gin_layer(x, edge_index, W1, b1, W2, b2):
    # GIN aggregation: h_i = MLP((1+eps)*x_i + sum_{j in N(i)} x_j), eps=0
    src = edge_index[0]
    dst = edge_index[1]
    agg = jnp.zeros_like(x).at[dst].add(x[src])
    h = x + agg
    h = jnp.maximum(h @ W1 + b1, 0.0)
    h = h @ W2 + b2
    return h


def reference(x, edge_index, graph_has_graphlet, W1a, b1a, W2a, b2a, W1b, b1b, W2b, b2b):
    # gnn forward (2-layer GIN with ReLU between layers)
    h = _gin_layer(x, edge_index, W1a, b1a, W2a, b2a)
    h = jnp.maximum(h, 0.0)
    h = _gin_layer(h, edge_index, W1b, b1b, W2b, b2b)
    # graphlet representation: sum over graphlet_sz nodes per graphlet
    graphlets_repr = h.reshape(-1, GRAPHLET_SZ, h.shape[-1]).sum(axis=1)
    eps = 0.0001
    normalized_estimates = graph_has_graphlet / (graph_has_graphlet.sum(axis=-1, keepdims=True) + eps)
    return normalized_estimates @ graphlets_repr

if __name__ == "__main__":
    import jax
    _d = setup_inputs()
    print(jax.jit(kernel)(*tuple(_d.values())))

</pallas_src>

<mosaic_0001>
#map = affine_map<(d0, d1) -> (0, 0)>
#map1 = affine_map<(d0, d1) -> (0, 0, 0)>
module attributes {stable_mosaic.version = 14 : i64} {
  func.func @_sc_agg_body(%arg0: i32, %arg1: i32, %arg2: memref<10000x128xf32, #tpu.memory_space<hbm>>, %arg3: memref<2x320000xi32, #tpu.memory_space<hbm>>, %arg4: memref<2x10000x128xf32, #tpu.memory_space<hbm>>, %arg5: memref<128xi32, #tpu.memory_space<vmem>>, %arg6: memref<128xi32, #tpu.memory_space<vmem>>, %arg7: memref<128xi32, #tpu.memory_space<vmem>>, %arg8: memref<128xi32, #tpu.memory_space<vmem>>, %arg9: memref<128xi32, #tpu.memory_space<vmem>>, %arg10: memref<128xi32, #tpu.memory_space<vmem>>, %arg11: memref<128xi32, #tpu.memory_space<vmem>>, %arg12: memref<128xi32, #tpu.memory_space<vmem>>, %arg13: memref<128xi32, #tpu.memory_space<vmem>>, %arg14: memref<128xi32, #tpu.memory_space<vmem>>, %arg15: memref<128xi32, #tpu.memory_space<vmem>>, %arg16: memref<128xi32, #tpu.memory_space<vmem>>, %arg17: memref<128x128xf32, #tpu.memory_space<vmem>>, %arg18: memref<128x128xf32, #tpu.memory_space<vmem>>, %arg19: memref<128x128xf32, #tpu.memory_space<vmem>>, %arg20: memref<10000x128xf32, #tpu.memory_space<vmem_shared>>, %arg21: memref<!tpu.dma_semaphore, #tpu.memory_space<semaphore_mem>>, %arg22: memref<!tpu.dma_semaphore, #tpu.memory_space<semaphore_mem>>, %arg23: memref<!tpu.dma_semaphore, #tpu.memory_space<semaphore_mem>>, %arg24: memref<!tpu.dma_semaphore, #tpu.memory_space<semaphore_mem>>, %arg25: memref<!tpu.dma_semaphore, #tpu.memory_space<semaphore_mem>>, %arg26: memref<!tpu.dma_semaphore, #tpu.memory_space<semaphore_mem>>, %arg27: memref<!tpu.dma_semaphore, #tpu.memory_space<semaphore_mem>>, %arg28: memref<!tpu.dma_semaphore, #tpu.memory_space<semaphore_mem>>, %arg29: memref<!tpu.dma_semaphore, #tpu.memory_space<semaphore_mem>>, %arg30: memref<!tpu.dma_semaphore, #tpu.memory_space<semaphore_mem>>, %arg31: memref<!tpu.dma_semaphore, #tpu.memory_space<semaphore_mem>>, %arg32: memref<!tpu.dma_semaphore, #tpu.memory_space<semaphore_mem>>) attributes {dimension_semantics = [#tpu.dimension_semantics<core_parallel>, #tpu.dimension_semantics<subcore_parallel>], iteration_bounds = array<i64: 2, 16>, scalar_prefetch = 0 : i64, scratch_operands = 28 : i64, tpu.core_type = #tpu.core_type<sc_vector_subcore>, window_params = [{transform_indices = #map}, {transform_indices = #map}, {transform_indices = #map1}]} {
    %mul3A = arith.constant 2 : i32
    %mul3A_0 = arith.muli %arg1, %mul3A : i32
    %add3A = arith.addi %mul3A_0, %arg0 : i32
    %broadcast_in_dim3A = arith.constant 0.000000e+00 : f32
    %broadcast_in_dim3A_1 = vector.broadcast %broadcast_in_dim3A : f32 to vector<16xf32>
    %scan3A = arith.constant 0 : i32
    %scan3A_2 = arith.constant 0 : i32
    %scan3A_3 = arith.constant 128 : i32
    %scan3A_4 = arith.addi %scan3A_2, %scan3A_3 : i32
    %scan3A_5 = arith.constant 1 : i32
    scf.for %scan3A_136 = %scan3A_2 to %scan3A_4 step %scan3A_5  : i32 {
      %swap3A = arith.index_cast %scan3A_136 : i32 to index
      %swap3A_137 = arith.constant 0 : index
      %swap3A_138 = tpu.vector_load %arg17[%swap3A, %swap3A_137] {strides = array<i32>} : memref<128x128xf32, #tpu.memory_space<vmem>>, vector<1x16xf32>,
      %swap3A_139 = vector.shape_cast %swap3A_138 : vector<1x16xf32> to vector<16xf32>
      %swap3A_140 = vector.shape_cast %broadcast_in_dim3A_1 : vector<16xf32> to vector<1x16xf32>
      tpu.vector_store %arg17[%swap3A, %swap3A_137], %swap3A_140 {strides = array<i32>} : memref<128x128xf32, #tpu.memory_space<vmem>>, vector<1x16xf32>,
      %swap3A_141 = arith.index_cast %scan3A_136 : i32 to index
      %swap3A_142 = arith.constant 16 : index
      %swap3A_143 = tpu.vector_load %arg17[%swap3A_141, %swap3A_142] {strides = array<i32>} : memref<128x128xf32, #tpu.memory_space<vmem>>, vector<1x16xf32>,
      %swap3A_144 = vector.shape_cast %swap3A_143 : vector<1x16xf32> to vector<16xf32>
      %swap3A_145 = vector.shape_cast %broadcast_in_dim3A_1 : vector<16xf32> to vector<1x16xf32>
      tpu.vector_store %arg17[%swap3A_141, %swap3A_142], %swap3A_145 {strides = array<i32>} : memref<128x128xf32, #tpu.memory_space<vmem>>, vector<1x16xf32>,
      %swap3A_146 = arith.index_cast %scan3A_136 : i32 to index
      %swap3A_147 = arith.constant 32 : index
      %swap3A_148 = tpu.vector_load %arg17[%swap3A_146, %swap3A_147] {strides = array<i32>} : memref<128x128xf32, #tpu.memory_space<vmem>>, vector<1x16xf32>,
      %swap3A_149 = vector.shape_cast %swap3A_148 : vector<1x16xf32> to vector<16xf32>
      %swap3A_150 = vector.shape_cast %broadcast_in_dim3A_1 : vector<16xf32> to vector<1x16xf32>
      tpu.vector_store %arg17[%swap3A_146, %swap3A_147], %swap3A_150 {strides = array<i32>} : memref<128x128xf32, #tpu.memory_space<vmem>>, vector<1x16xf32>,
      %swap3A_151 = arith.index_cast %scan3A_136 : i32 to index
      %swap3A_152 = arith.constant 48 : index
      %swap3A_153 = tpu.vector_load %arg17[%swap3A_151, %swap3A_152] {strides = array<i32>} : memref<128x128xf32, #tpu.memory_space<vmem>>, vector<1x16xf32>,
      %swap3A_154 = vector.shape_cast %swap3A_153 : vector<1x16xf32> to vector<16xf32>
      %swap3A_155 = vector.shape_cast %broadcast_in_dim3A_1 : vector<16xf32> to vector<1x16xf32>
      tpu.vector_store %arg17[%swap3A_151, %swap3A_152], %swap3A_155 {strides = array<i32>} : memref<128x128xf32, #tpu.memory_space<vmem>>, vector<1x16xf32>,
      %swap3A_156 = arith.index_cast %scan3A_136 : i32 to index
      %swap3A_157 = arith.constant 64 : index
      %swap3A_158 = tpu.vector_load %arg17[%swap3A_156, %swap3A_157] {strides = array<i32>} : memref<128x128xf32, #tpu.memory_space<vmem>>, vector<1x16xf32>,
      %swap3A_159 = vector.shape_cast %swap3A_158 : vector<1x16xf32> to vector<16xf32>
      %swap3A_160 = vector.shape_cast %broadcast_in_dim3A_1 : vector<16xf32> to vector<1x16xf32>
      tpu.vector_store %arg17[%swap3A_156, %swap3A_157], %swap3A_160 {strides = array<i32>} : memref<128x128xf32, #tpu.memory_space<vmem>>, vector<1x16xf32>,
      %swap3A_161 = arith.index_cast %scan3A_136 : i32 to index
      %swap3A_162 = arith.constant 80 : index
      %swap3A_163 = tpu.vector_load %arg17[%swap3A_161, %swap3A_162] {strides = array<i32>} : memref<128x128xf32, #tpu.memory_space<vmem>>, vector<1x16xf32>,
      %swap3A_164 = vector.shape_cast %swap3A_163 : vector<1x16xf32> to vector<16xf32>
      %swap3A_165 = vector.shape_cast %broadcast_in_dim3A_1 : vector<16xf32> to vector<1x16xf32>
      tpu.vector_store %arg17[%swap3A_161, %swap3A_162], %swap3A_165 {strides = array<i32>} : memref<128x128xf32, #tpu.memory_space<vmem>>, vector<1x16xf32>,
      %swap3A_166 = arith.index_cast %scan3A_136 : i32 to index
      %swap3A_167 = arith.constant 96 : index
      %swap3A_168 = tpu.vector_load %arg17[%swap3A_166, %swap3A_167] {strides = array<i32>} : memref<128x128xf32, #tpu.memory_space<vmem>>, vector<1x16xf32>,
      %swap3A_169 = vector.shape_cast %swap3A_168 : vector<1x16xf32> to vector<16xf32>
      %swap3A_170 = vector.shape_cast %broadcast_in_dim3A_1 : vector<16xf32> to vector<1x16xf32>
      tpu.vector_store %arg17[%swap3A_166, %swap3A_167], %swap3A_170 {strides = array<i32>} : memref<128x128xf32, #tpu.memory_space<vmem>>, vector<1x16xf32>,
      %swap3A_171 = arith.index_cast %scan3A_136 : i32 to index
      %swap3A_172 = arith.constant 112 : index
      %swap3A_173 = tpu.vector_load %arg17[%swap3A_171, %swap3A_172] {strides = array<i32>} : memref<128x128xf32, #tpu.memory_space<vmem>>, vector<1x16xf32>,
      %swap3A_174 = vector.shape_cast %swap3A_173 : vector<1x16xf32> to vector<16xf32>
      %swap3A_175 = vector.shape_cast %broadcast_in_dim3A_1 : vector<16xf32> to vector<1x16xf32>
      tpu.vector_store %arg17[%swap3A_171, %swap3A_172], %swap3A_175 {strides = array<i32>} : memref<128x128xf32, #tpu.memory_space<vmem>>, vector<1x16xf32>,
    }
    %scan3A_6 = arith.constant 128 : i32
    %scan3A_7 = arith.constant 0 : i32
    %scan3A_8 = arith.constant 0 : i32
    %scan3A_9 = arith.constant 5 : i32
    %scan3A_10 = arith.addi %scan3A_8, %scan3A_9 : i32
    %scan3A_11 = arith.constant 1 : i32
    scf.for %scan3A_136 = %scan3A_8 to %scan3A_10 step %scan3A_11  : i32 {
      %mul3A_137 = arith.constant 16 : i32
      %mul3A_138 = arith.muli %mul3A_137, %scan3A_136 : i32
      %add3A_139 = arith.addi %arg1, %mul3A_138 : i32
      %lt3A_140 = arith.constant 78 : i32
      %lt3A_141 = arith.cmpi slt, %add3A_139, %lt3A_140 : i32
      %convert_element_type3A_142 = arith.extui %lt3A_141 : i1 to i32
      %cond3A_143 = arith.constant 0 : i32
      %cond3A_144 = arith.cmpi ne, %convert_element_type3A_142, %cond3A_143 : i32
      scf.if %cond3A_144 {
        %mul3A_145 = arith.constant 128 : i32
        %mul3A_146 = arith.muli %add3A_139, %mul3A_145 : i32
        %multiple_of3A_147 = tpu.assume_multiple %mul3A_146, 8 : i32
        %eq3A_148 = arith.constant 0 : i32
        %eq3A_149 = arith.cmpi eq, %arg0, %eq3A_148 : i32
        %convert_element_type3A_150 = arith.extui %eq3A_149 : i1 to i32
        %cond3A_151 = arith.constant 0 : i32
        %cond3A_152 = arith.cmpi ne, %convert_element_type3A_150, %cond3A_151 : i32
        scf.if %cond3A_152 {
          "tpu.region"() ({
            %run_scoped3A = tpu.sem_alloc : memref<!tpu.dma_semaphore, #tpu.memory_space<semaphore_mem>>
            %dma_start3A_158 = arith.constant 0 : i32
            %dma_start3A_159 = tpu.memref_slice %arg20[%multiple_of3A_147, %dma_start3A_158] : memref<10000x128xf32, #tpu.memory_space<vmem_shared>> -> memref<128x128xf32, #tpu.memory_space<vmem_shared>>
            %dma_start3A_160 = arith.constant 0 : i32
            %dma_start3A_161 = tpu.memref_slice %arg2[%multiple_of3A_147, %dma_start3A_160] : memref<10000x128xf32, #tpu.memory_space<hbm>> -> memref<128x128xf32, #tpu.memory_space<hbm>>
            tpu.enqueue_dma source(%dma_start3A_161 : memref<128x128xf32, #tpu.memory_space<hbm>>) target(%dma_start3A_159 : memref<128x128xf32, #tpu.memory_space<vmem_shared>>) target_semaphore(%run_scoped3A : memref<!tpu.dma_semaphore, #tpu.memory_space<semaphore_mem>>)
            %dma_wait3A_162 = arith.constant 0 : i32
            %dma_wait3A_163 = tpu.memref_slice %arg20[%multiple_of3A_147, %dma_wait3A_162] : memref<10000x128xf32, #tpu.memory_space<vmem_shared>> -> memref<128x128xf32, #tpu.memory_space<vmem_shared>>
            %dma_wait3A_164 = arith.constant 0 : i32
            %dma_wait3A_165 = tpu.memref_slice %arg2[%multiple_of3A_147, %dma_wait3A_164] : memref<10000x128xf32, #tpu.memory_space<hbm>> -> memref<128x128xf32, #tpu.memory_space<hbm>>
            tpu.wait_dma2 semaphore(%run_scoped3A : memref<!tpu.dma_semaphore, #tpu.memory_space<semaphore_mem>>) src(%dma_wait3A_165 : memref<128x128xf32, #tpu.memory_space<hbm>>) dst(%dma_wait3A_163 : memref<128x128xf32, #tpu.memory_space<vmem_shared>>)
            tpu.yield
          }) : () -> ()
        } else {
        }
        %eq3A_153 = arith.constant 1 : i32
        %eq3A_154 = arith.cmpi eq, %arg0, %eq3A_153 : i32
        %convert_element_type3A_155 = arith.extui %eq3A_154 : i1 to i32
        %cond3A_156 = arith.constant 0 : i32
        %cond3A_157 = arith.cmpi ne, %convert_element_type3A_155, %cond3A_156 : i32
        scf.if %cond3A_157 {
          "tpu.region"() ({
            %run_scoped3A = tpu.sem_alloc : memref<!tpu.dma_semaphore, #tpu.memory_space<semaphore_mem>>
            %dma_start3A_158 = arith.constant 0 : i32
            %dma_start3A_159 = tpu.memref_slice %arg20[%multiple_of3A_147, %dma_start3A_158] : memref<10000x128xf32, #tpu.memory_space<vmem_shared>> -> memref<128x128xf32, #tpu.memory_space<vmem_shared>>
            %dma_start3A_160 = arith.constant 0 : i32
            %dma_start3A_161 = tpu.memref_slice %arg20[%multiple_of3A_147, %dma_start3A_160] : memref<10000x128xf32, #tpu.memory_space<vmem_shared>> -> memref<128x128xf32, #tpu.memory_space<vmem_shared>>
            tpu.enqueue_dma source(%arg17 : memref<128x128xf32, #tpu.memory_space<vmem>>) target(%dma_start3A_161 : memref<128x128xf32, #tpu.memory_space<vmem_shared>>) target_semaphore(%run_scoped3A : memref<!tpu.dma_semaphore, #tpu.memory_space<semaphore_mem>>)
            %dma_wait3A_162 = arith.constant 0 : i32
            %dma_wait3A_163 = tpu.memref_slice %arg20[%multiple_of3A_147, %dma_wait3A_162] : memref<10000x128xf32, #tpu.memory_space<vmem_shared>> -> memref<128x128xf32, #tpu.memory_space<vmem_shared>>
            %dma_wait3A_164 = arith.constant 0 : i32
            %dma_wait3A_165 = tpu.memref_slice %arg20[%multiple_of3A_147, %dma_wait3A_164] : memref<10000x128xf32, #tpu.memory_space<vmem_shared>> -> memref<128x128xf32, #tpu.memory_space<vmem_shared>>
            tpu.wait_dma2 semaphore(%run_scoped3A : memref<!tpu.dma_semaphore, #tpu.memory_space<semaphore_mem>>) src(%arg17 : memref<128x128xf32, #tpu.memory_space<vmem>>) dst(%dma_wait3A_165 : memref<128x128xf32, #tpu.memory_space<vmem_shared>>)
            tpu.yield
          }) : () -> ()
        } else {
        }
      } else {
      }
    }
    %scan3A_12 = arith.constant 5 : i32
    %eq3A = arith.constant 0 : i32
    %eq3A_13 = arith.cmpi eq, %arg1, %eq3A : i32
    %convert_element_type3A = arith.extui %eq3A_13 : i1 to i32
    %cond3A = arith.constant 0 : i32
    %cond3A_14 = arith.cmpi ne, %convert_element_type3A, %cond3A : i32
    scf.if %cond3A_14 {
      %multiple_of3A_136 = arith.constant 9984 : i32
      %multiple_of3A_137 = tpu.assume_multiple %multiple_of3A_136, 8 : i32
      %eq3A_138 = arith.constant 0 : i32
      %eq3A_139 = arith.cmpi eq, %arg0, %eq3A_138 : i32
      %convert_element_type3A_140 = arith.extui %eq3A_139 : i1 to i32
      %cond3A_141 = arith.constant 0 : i32
      %cond3A_142 = arith.cmpi ne, %convert_element_type3A_140, %cond3A_141 : i32
      scf.if %cond3A_142 {
        "tpu.region"() ({
          %run_scoped3A = tpu.sem_alloc : memref<!tpu.dma_semaphore, #tpu.memory_space<semaphore_mem>>
          %dma_start3A_148 = arith.constant 0 : i32
          %dma_start3A_149 = tpu.memref_slice %arg20[%multiple_of3A_137, %dma_start3A_148] : memref<10000x128xf32, #tpu.memory_space<vmem_shared>> -> memref<16x128xf32, #tpu.memory_space<vmem_shared>>
          %dma_start3A_150 = arith.constant 0 : i32
          %dma_start3A_151 = tpu.memref_slice %arg2[%multiple_of3A_137, %dma_start3A_150] : memref<10000x128xf32, #tpu.memory_space<hbm>> -> memref<16x128xf32, #tpu.memory_space<hbm>>
          tpu.enqueue_dma source(%dma_start3A_151 : memref<16x128xf32, #tpu.memory_space<hbm>>) target(%dma_start3A_149 : memref<16x128xf32, #tpu.memory_space<vmem_shared>>) target_semaphore(%run_scoped3A : memref<!tpu.dma_semaphore, #tpu.memory_space<semaphore_mem>>)
          %dma_wait3A_152 = arith.constant 0 : i32
          %dma_wait3A_153 = tpu.memref_slice %arg20[%multiple_of3A_137, %dma_wait3A_152] : memref<10000x128xf32, #tpu.memory_space<vmem_shared>> -> memref<16x128xf32, #tpu.memory_space<vmem_shared>>
          %dma_wait3A_154 = arith.constant 0 : i32
          %dma_wait3A_155 = tpu.memref_slice %arg2[%multiple_of3A_137, %dma_wait3A_154] : memref<10000x128xf32, #tpu.memory_space<hbm>> -> memref<16x128xf32, #tpu.memory_space<hbm>>
          tpu.wait_dma2 semaphore(%run_scoped3A : memref<!tpu.dma_semaphore, #tpu.memory_space<semaphore_mem>>) src(%dma_wait3A_155 : memref<16x128xf32, #tpu.memory_space<hbm>>) dst(%dma_wait3A_153 : memref<16x128xf32, #tpu.memory_space<vmem_shared>>)
          tpu.yield
        }) : () -> ()
      } else {
      }
      %eq3A_143 = arith.constant 1 : i32
      %eq3A_144 = arith.cmpi eq, %arg0, %eq3A_143 : i32
      %convert_element_type3A_145 = arith.extui %eq3A_144 : i1 to i32
      %cond3A_146 = arith.constant 0 : i32
      %cond3A_147 = arith.cmpi ne, %convert_element_type3A_145, %cond3A_146 : i32
      scf.if %cond3A_147 {
        "tpu.region"() ({
          %run_scoped3A = tpu.sem_alloc : memref<!tpu.dma_semaphore, #tpu.memory_space<semaphore_mem>>
          %dma_start3A_148 = arith.constant 0 : i32
          %dma_start3A_149 = arith.constant 0 : i32
          %dma_start3A_150 = tpu.memref_slice %arg17[%dma_start3A_148, %dma_start3A_149] : memref<128x128xf32, #tpu.memory_space<vmem>> -> memref<16x128xf32, #tpu.memory_space<vmem>>
          %dma_start3A_151 = arith.constant 0 : i32
          %dma_start3A_152 = tpu.memref_slice %arg20[%multiple_of3A_137, %dma_start3A_151] : memref<10000x128xf32, #tpu.memory_space<vmem_shared>> -> memref<16x128xf32, #tpu.memory_space<vmem_shared>>
          %dma_start3A_153 = arith.constant 0 : i32
          %dma_start3A_154 = tpu.memref_slice %arg20[%multiple_of3A_137, %dma_start3A_153] : memref<10000x128xf32, #tpu.memory_space<vmem_shared>> -> memref<16x128xf32, #tpu.memory_space<vmem_shared>>
          %dma_start3A_155 = arith.constant 0 : i32
          %dma_start3A_156 = arith.constant 0 : i32
          %dma_start3A_157 = tpu.memref_slice %arg17[%dma_start3A_155, %dma_start3A_156] : memref<128x128xf32, #tpu.memory_space<vmem>> -> memref<16x128xf32, #tpu.memory_space<vmem>>
          tpu.enqueue_dma source(%dma_start3A_157 : memref<16x128xf32, #tpu.memory_space<vmem>>) target(%dma_start3A_154 : memref<16x128xf32, #tpu.memory_space<vmem_shared>>) target_semaphore(%run_scoped3A : memref<!tpu.dma_semaphore, #tpu.memory_space<semaphore_mem>>)
          %dma_wait3A_158 = arith.constant 0 : i32
          %dma_wait3A_159 = arith.constant 0 : i32
          %dma_wait3A_160 = tpu.memref_slice %arg17[%dma_wait3A_158, %dma_wait3A_159] : memref<128x128xf32, #tpu.memory_space<vmem>> -> memref<16x128xf32, #tpu.memory_space<vmem>>
          %dma_wait3A_161 = arith.constant 0 : i32
          %dma_wait3A_162 = tpu.memref_slice %arg20[%multiple_of3A_137, %dma_wait3A_161] : memref<10000x128xf32, #tpu.memory_space<vmem_shared>> -> memref<16x128xf32, #tpu.memory_space<vmem_shared>>
          %dma_wait3A_163 = arith.constant 0 : i32
          %dma_wait3A_164 = tpu.memref_slice %arg20[%multiple_of3A_137, %dma_wait3A_163] : memref<10000x128xf32, #tpu.memory_space<vmem_shared>> -> memref<16x128xf32, #tpu.memory_space<vmem_shared>>
          %dma_wait3A_165 = arith.constant 0 : i32
          %dma_wait3A_166 = arith.constant 0 : i32
          %dma_wait3A_167 = tpu.memref_slice %arg17[%dma_wait3A_165, %dma_wait3A_166] : memref<128x128xf32, #tpu.memory_space<vmem>> -> memref<16x128xf32, #tpu.memory_space<vmem>>
          tpu.wait_dma2 semaphore(%run_scoped3A : memref<!tpu.dma_semaphore, #tpu.memory_space<semaphore_mem>>) src(%dma_wait3A_167 : memref<16x128xf32, #tpu.memory_space<vmem>>) dst(%dma_wait3A_164 : memref<16x128xf32, #tpu.memory_space<vmem_shared>>)
          tpu.yield
        }) : () -> ()
      } else {
      }
    } else {
    }
    %barrier3A = arith.constant 0 : index
    tpu.barrier barrier_id(%barrier3A)
    %add3A_15 = arith.constant 0 : i32
    %add3A_16 = arith.addi %add3A, %add3A_15 : i32
    %mul3A_17 = arith.constant 128 : i32
    %mul3A_18 = arith.muli %add3A_16, %mul3A_17 : i32
    %multiple_of3A = tpu.assume_multiple %mul3A_18, 8 : i32
    %dma_start3A = arith.constant 0 : i32
    %dma_start3A_19 = tpu.memref_slice %arg3[%dma_start3A, %multiple_of3A] : memref<2x320000xi32, #tpu.memory_space<hbm>> -> memref<1x128xi32, #tpu.memory_space<hbm>>
    %dma_start3A_20 = tpu.memref_squeeze %dma_start3A_19 : memref<1x128xi32, #tpu.memory_space<hbm>> -> memref<128xi32, #tpu.memory_space<hbm>>
    %dma_start3A_21 = tpu.memref_slice %arg3[%dma_start3A, %multiple_of3A] : memref<2x320000xi32, #tpu.memory_space<hbm>> -> memref<1x128xi32, #tpu.memory_space<hbm>>
    %dma_start3A_22 = tpu.memref_squeeze %dma_start3A_21 : memref<1x128xi32, #tpu.memory_space<hbm>> -> memref<128xi32, #tpu.memory_space<hbm>>
    tpu.enqueue_dma source(%dma_start3A_22 : memref<128xi32, #tpu.memory_space<hbm>>) target(%arg5 : memref<128xi32, #tpu.memory_space<vmem>>) target_semaphore(%arg24 : memref<!tpu.dma_semaphore, #tpu.memory_space<semaphore_mem>>)
    %dma_start3A_23 = arith.constant 1 : i32
    %dma_start3A_24 = tpu.memref_slice %arg3[%dma_start3A_23, %multiple_of3A] : memref<2x320000xi32, #tpu.memory_space<hbm>> -> memref<1x128xi32, #tpu.memory_space<hbm>>
    %dma_start3A_25 = tpu.memref_squeeze %dma_start3A_24 : memref<1x128xi32, #tpu.memory_space<hbm>> -> memref<128xi32, #tpu.memory_space<hbm>>
    %dma_start3A_26 = tpu.memref_slice %arg3[%dma_start3A_23, %multiple_of3A] : memref<2x320000xi32, #tpu.memory_space<hbm>> -> memref<1x128xi32, #tpu.memory_space<hbm>>
    %dma_start3A_27 = tpu.memref_squeeze %dma_start3A_26 : memref<1x128xi32, #tpu.memory_space<hbm>> -> memref<128xi32, #tpu.memory_space<hbm>>
    tpu.enqueue_dma source(%dma_start3A_27 : memref<128xi32, #tpu.memory_space<hbm>>) target(%arg11 : memref<128xi32, #tpu.memory_space<vmem>>) target_semaphore(%arg24 : memref<!tpu.dma_semaphore, #tpu.memory_space<semaphore_mem>>)
    %add3A_28 = arith.constant 32 : i32
    %add3A_29 = arith.addi %add3A, %add3A_28 : i32
    %mul3A_30 = arith.constant 128 : i32
    %mul3A_31 = arith.muli %add3A_29, %mul3A_30 : i32
    %multiple_of3A_32 = tpu.assume_multiple %mul3A_31, 8 : i32
    %dma_start3A_33 = arith.constant 0 : i32
    %dma_start3A_34 = tpu.memref_slice %arg3[%dma_start3A_33, %multiple_of3A_32] : memref<2x320000xi32, #tpu.memory_space<hbm>> -> memref<1x128xi32, #tpu.memory_space<hbm>>
    %dma_start3A_35 = tpu.memref_squeeze %dma_start3A_34 : memref<1x128xi32, #tpu.memory_space<hbm>> -> memref<128xi32, #tpu.memory_space<hbm>>
    %dma_start3A_36 = tpu.memref_slice %arg3[%dma_start3A_33, %multiple_of3A_32] : memref<2x320000xi32, #tpu.memory_space<hbm>> -> memref<1x128xi32, #tpu.memory_space<hbm>>
    %dma_start3A_37 = tpu.memref_squeeze %dma_start3A_36 : memref<1x128xi32, #tpu.memory_space<hbm>> -> memref<128xi32, #tpu.memory_space<hbm>>
    tpu.enqueue_dma source(%dma_start3A_37 : memref<128xi32, #tpu.memory_space<hbm>>) target(%arg6 : memref<128xi32, #tpu.memory_space<vmem>>) target_semaphore(%arg25 : memref<!tpu.dma_semaphore, #tpu.memory_space<semaphore_mem>>)
    %dma_start3A_38 = arith.constant 1 : i32
    %dma_start3A_39 = tpu.memref_slice %arg3[%dma_start3A_38, %multiple_of3A_32] : memref<2x320000xi32, #tpu.memory_space<hbm>> -> memref<1x128xi32, #tpu.memory_space<hbm>>
    %dma_start3A_40 = tpu.memref_squeeze %dma_start3A_39 : memref<1x128xi32, #tpu.memory_space<hbm>> -> memref<128xi32, #tpu.memory_space<hbm>>
    %dma_start3A_41 = tpu.memref_slice %arg3[%dma_start3A_38, %multiple_of3A_32] : memref<2x320000xi32, #tpu.memory_space<hbm>> -> memref<1x128xi32, #tpu.memory_space<hbm>>
    %dma_start3A_42 = tpu.memref_squeeze %dma_start3A_41 : memref<1x128xi32, #tpu.memory_space<hbm>> -> memref<128xi32, #tpu.memory_space<hbm>>
    tpu.enqueue_dma source(%dma_start3A_42 : memref<128xi32, #tpu.memory_space<hbm>>) target(%arg12 : memref<128xi32, #tpu.memory_space<vmem>>) target_semaphore(%arg25 : memref<!tpu.dma_semaphore, #tpu.memory_space<semaphore_mem>>)
    %add3A_43 = arith.constant 64 : i32
    %add3A_44 = arith.addi %add3A, %add3A_43 : i32
    %mul3A_45 = arith.constant 128 : i32
    %mul3A_46 = arith.muli %add3A_44, %mul3A_45 : i32
    %multiple_of3A_47 = tpu.assume_multiple %mul3A_46, 8 : i32
    %dma_start3A_48 = arith.constant 0 : i32
    %dma_start3A_49 = tpu.memref_slice %arg3[%dma_start3A_48, %multiple_of3A_47] : memref<2x320000xi32, #tpu.memory_space<hbm>> -> memref<1x128xi32, #tpu.memory_space<hbm>>
    %dma_start3A_50 = tpu.memref_squeeze %dma_start3A_49 : memref<1x128xi32, #tpu.memory_space<hbm>> -> memref<128xi32, #tpu.memory_space<hbm>>
    %dma_start3A_51 = tpu.memref_slice %arg3[%dma_start3A_48, %multiple_of3A_47] : memref<2x320000xi32, #tpu.memory_space<hbm>> -> memref<1x128xi32, #tpu.memory_space<hbm>>
    %dma_start3A_52 = tpu.memref_squeeze %dma_start3A_51 : memref<1x128xi32, #tpu.memory_space<hbm>> -> memref<128xi32, #tpu.memory_space<hbm>>
    tpu.enqueue_dma source(%dma_start3A_52 : memref<128xi32, #tpu.memory_space<hbm>>) target(%arg7 : memref<128xi32, #tpu.memory_space<vmem>>) target_semaphore(%arg26 : memref<!tpu.dma_semaphore, #tpu.memory_space<semaphore_mem>>)
    %dma_start3A_53 = arith.constant 1 : i32
    %dma_start3A_54 = tpu.memref_slice %arg3[%dma_start3A_53, %multiple_of3A_47] : memref<2x320000xi32, #tpu.memory_space<hbm>> -> memref<1x128xi32, #tpu.memory_space<hbm>>
    %dma_start3A_55 = tpu.memref_squeeze %dma_start3A_54 : memref<1x128xi32, #tpu.memory_space<hbm>> -> memref<128xi32, #tpu.memory_space<hbm>>
    %dma_start3A_56 = tpu.memref_slice %arg3[%dma_start3A_53, %multiple_of3A_47] : memref<2x320000xi32, #tpu.memory_space<hbm>> -> memref<1x128xi32, #tpu.memory_space<hbm>>
    %dma_start3A_57 = tpu.memref_squeeze %dma_start3A_56 : memref<1x128xi32, #tpu.memory_space<hbm>> -> memref<128xi32, #tpu.memory_space<hbm>>
    tpu.enqueue_dma source(%dma_start3A_57 : memref<128xi32, #tpu.memory_space<hbm>>) target(%arg13 : memref<128xi32, #tpu.memory_space<vmem>>) target_semaphore(%arg26 : memref<!tpu.dma_semaphore, #tpu.memory_space<semaphore_mem>>)
    %add3A_58 = arith.constant 96 : i32
    %add3A_59 = arith.addi %add3A, %add3A_58 : i32
    %mul3A_60 = arith.constant 128 : i32
    %mul3A_61 = arith.muli %add3A_59, %mul3A_60 : i32
    %multiple_of3A_62 = tpu.assume_multiple %mul3A_61, 8 : i32
    %dma_start3A_63 = arith.constant 0 : i32
    %dma_start3A_64 = tpu.memref_slice %arg3[%dma_start3A_63, %multiple_of3A_62] : memref<2x320000xi32, #tpu.memory_space<hbm>> -> memref<1x128xi32, #tpu.memory_space<hbm>>
    %dma_start3A_65 = tpu.memref_squeeze %dma_start3A_64 : memref<1x128xi32, #tpu.memory_space<hbm>> -> memref<128xi32, #tpu.memory_space<hbm>>
    %dma_start3A_66 = tpu.memref_slice %arg3[%dma_start3A_63, %multiple_of3A_62] : memref<2x320000xi32, #tpu.memory_space<hbm>> -> memref<1x128xi32, #tpu.memory_space<hbm>>
    %dma_start3A_67 = tpu.memref_squeeze %dma_start3A_66 : memref<1x128xi32, #tpu.memory_space<hbm>> -> memref<128xi32, #tpu.memory_space<hbm>>
    tpu.enqueue_dma source(%dma_start3A_67 : memref<128xi32, #tpu.memory_space<hbm>>) target(%arg8 : memref<128xi32, #tpu.memory_space<vmem>>) target_semaphore(%arg27 : memref<!tpu.dma_semaphore, #tpu.memory_space<semaphore_mem>>)
    %dma_start3A_68 = arith.constant 1 : i32
    %dma_start3A_69 = tpu.memref_slice %arg3[%dma_start3A_68, %multiple_of3A_62] : memref<2x320000xi32, #tpu.memory_space<hbm>> -> memref<1x128xi32, #tpu.memory_space<hbm>>
    %dma_start3A_70 = tpu.memref_squeeze %dma_start3A_69 : memref<1x128xi32, #tpu.memory_space<hbm>> -> memref<128xi32, #tpu.memory_space<hbm>>
    %dma_start3A_71 = tpu.memref_slice %arg3[%dma_start3A_68, %multiple_of3A_62] : memref<2x320000xi32, #tpu.memory_space<hbm>> -> memref<1x128xi32, #tpu.memory_space<hbm>>
    %dma_start3A_72 = tpu.memref_squeeze %dma_start3A_71 : memref<1x128xi32, #tpu.memory_space<hbm>> -> memref<128xi32, #tpu.memory_space<hbm>>
    tpu.enqueue_dma source(%dma_start3A_72 : memref<128xi32, #tpu.memory_space<hbm>>) target(%arg14 : memref<128xi32, #tpu.memory_space<vmem>>) target_semaphore(%arg27 : memref<!tpu.dma_semaphore, #tpu.memory_space<semaphore_mem>>)
    %add3A_73 = arith.constant 0 : i32
    %add3A_74 = arith.addi %add3A, %add3A_73 : i32
    %mul3A_75 = arith.constant 128 : i32
    %mul3A_76 = arith.muli %add3A_74, %mul3A_75 : i32
    %multiple_of3A_77 = tpu.assume_multiple %mul3A_76, 8 : i32
    %dma_wait3A = arith.constant 0 : i32
    %dma_wait3A_78 = tpu.memref_slice %arg3[%dma_wait3A, %multiple_of3A_77] : memref<2x320000xi32, #tpu.memory_space<hbm>> -> memref<1x128xi32, #tpu.memory_space<hbm>>
    %dma_wait3A_79 = tpu.memref_squeeze %dma_wait3A_78 : memref<1x128xi32, #tpu.memory_space<hbm>> -> memref<128xi32, #tpu.memory_space<hbm>>
    %dma_wait3A_80 = tpu.memref_slice %arg3[%dma_wait3A, %multiple_of3A_77] : memref<2x320000xi32, #tpu.memory_space<hbm>> -> memref<1x128xi32, #tpu.memory_space<hbm>>
    %dma_wait3A_81 = tpu.memref_squeeze %dma_wait3A_80 : memref<1x128xi32, #tpu.memory_space<hbm>> -> memref<128xi32, #tpu.memory_space<hbm>>
    tpu.wait_dma2 semaphore(%arg24 : memref<!tpu.dma_semaphore, #tpu.memory_space<semaphore_mem>>) src(%dma_wait3A_81 : memref<128xi32, #tpu.memory_space<hbm>>) dst(%arg5 : memref<128xi32, #tpu.memory_space<vmem>>)
    %dma_wait3A_82 = arith.constant 1 : i32
    %dma_wait3A_83 = tpu.memref_slice %arg3[%dma_wait3A_82, %multiple_of3A_77] : memref<2x320000xi32, #tpu.memory_space<hbm>> -> memref<1x128xi32, #tpu.memory_space<hbm>>
    %dma_wait3A_84 = tpu.memref_squeeze %dma_wait3A_83 : memref<1x128xi32, #tpu.memory_space<hbm>> -> memref<128xi32, #tpu.memory_space<hbm>>
    %dma_wait3A_85 = tpu.memref_slice %arg3[%dma_wait3A_82, %multiple_of3A_77] : memref<2x320000xi32, #tpu.memory_space<hbm>> -> memref<1x128xi32, #tpu.memory_space<hbm>>
    %dma_wait3A_86 = tpu.memref_squeeze %dma_wait3A_85 : memref<1x128xi32, #tpu.memory_space<hbm>> -> memref<128xi32, #tpu.memory_space<hbm>>
    tpu.wait_dma2 semaphore(%arg24 : memref<!tpu.dma_semaphore, #tpu.memory_space<semaphore_mem>>) src(%dma_wait3A_86 : memref<128xi32, #tpu.memory_space<hbm>>) dst(%arg11 : memref<128xi32, #tpu.memory_space<vmem>>)
    %dma_start3A_87 = arith.constant 0 : i32
    %dma_start3A_88 = arith.constant 0 : i32
    %dma_start3A_89 = tpu.memref_slice %arg2[%dma_start3A_87, %dma_start3A_88] : memref<10000x128xf32, #tpu.memory_space<hbm>> -> memref<10000x128xf32, #tpu.memory_space<hbm>>
    tpu.enqueue_indirect_dma source(%dma_start3A_89 : memref<10000x128xf32, #tpu.memory_space<hbm>>) target(%arg17 : memref<128x128xf32, #tpu.memory_space<vmem>>) offsets(%arg5 : memref<128xi32, #tpu.memory_space<vmem>>) semaphore(%arg21 : memref<!tpu.dma_semaphore, #tpu.memory_space<semaphore_mem>>)
    %add3A_90 = arith.constant 32 : i32
    %add3A_91 = arith.addi %add3A, %add3A_90 : i32
    %mul3A_92 = arith.constant 128 : i32
    %mul3A_93 = arith.muli %add3A_91, %mul3A_92 : i32
    %multiple_of3A_94 = tpu.assume_multiple %mul3A_93, 8 : i32
    %dma_wait3A_95 = arith.constant 0 : i32
    %dma_wait3A_96 = tpu.memref_slice %arg3[%dma_wait3A_95, %multiple_of3A_94] : memref<2x320000xi32, #tpu.memory_space<hbm>> -> memref<1x128xi32, #tpu.memory_space<hbm>>
    %dma_wait3A_97 = tpu.memref_squeeze %dma_wait3A_96 : memref<1x128xi32, #tpu.memory_space<hbm>> -> memref<128xi32, #tpu.memory_space<hbm>>
    %dma_wait3A_98 = tpu.memref_slice %arg3[%dma_wait3A_95, %multiple_of3A_94] : memref<2x320000xi32, #tpu.memory_space<hbm>> -> memref<1x128xi32, #tpu.memory_space<hbm>>
    %dma_wait3A_99 = tpu.memref_squeeze %dma_wait3A_98 : memref<1x128xi32, #tpu.memory_space<hbm>> -> memref<128xi32, #tpu.memory_space<hbm>>
    tpu.wait_dma2 semaphore(%arg25 : memref<!tpu.dma_semaphore, #tpu.memory_space<semaphore_mem>>) src(%dma_wait3A_99 : memref<128xi32, #tpu.memory_space<hbm>>) dst(%arg6 : memref<128xi32, #tpu.memory_space<vmem>>)
    %dma_wait3A_100 = arith.constant 1 : i32
    %dma_wait3A_101 = tpu.memref_slice %arg3[%dma_wait3A_100, %multiple_of3A_94] : memref<2x320000xi32, #tpu.memory_space<hbm>> -> memref<1x128xi32, #tpu.memory_space<hbm>>
    %dma_wait3A_102 = tpu.memref_squeeze %dma_wait3A_101 : memref<1x128xi32, #tpu.memory_space<hbm>> -> memref<128xi32, #tpu.memory_space<hbm>>
    %dma_wait3A_103 = tpu.memref_slice %arg3[%dma_wait3A_100, %multiple_of3A_94] : memref<2x320000xi32, #tpu.memory_space<hbm>> -> memref<1x128xi32, #tpu.memory_space<hbm>>
    %dma_wait3A_104 = tpu.memref_squeeze %dma_wait3A_103 : memref<1x128xi32, #tpu.memory_space<hbm>> -> memref<128xi32, #tpu.memory_space<hbm>>
    tpu.wait_dma2 semaphore(%arg25 : memref<!tpu.dma_semaphore, #tpu.memory_space<semaphore_mem>>) src(%dma_wait3A_104 : memref<128xi32, #tpu.memory_space<hbm>>) dst(%arg12 : memref<128xi32, #tpu.memory_space<vmem>>)
    %dma_start3A_105 = arith.constant 0 : i32
    %dma_start3A_106 = arith.constant 0 : i32
    %dma_start3A_107 = tpu.memref_slice %arg2[%dma_start3A_105, %dma_start3A_106] : memref<10000x128xf32, #tpu.memory_space<hbm>> -> memref<10000x128xf32, #tpu.memory_space<hbm>>
    tpu.enqueue_indirect_dma source(%dma_start3A_107 : memref<10000x128xf32, #tpu.memory_space<hbm>>) target(%arg18 : memref<128x128xf32, #tpu.memory_space<vmem>>) offsets(%arg6 : memref<128xi32, #tpu.memory_space<vmem>>) semaphore(%arg22 : memref<!tpu.dma_semaphore, #tpu.memory_space<semaphore_mem>>)
    %scan3A_108 = arith.constant 0 : i32
    %scan3A_109 = arith.constant 0 : i32
    %scan3A_110 = arith.constant 13 : i32
    %scan3A_111 = arith.addi %scan3A_109, %scan3A_110 : i32
    %scan3A_112 = arith.constant 1 : i32
    scf.for %scan3A_136 = %scan3A_109 to %scan3A_111 step %scan3A_112  : i32 {
      %mul3A_137 = arith.constant 6 : i32
      %mul3A_138 = arith.muli %mul3A_137, %scan3A_136 : i32
      %add3A_139 = arith.constant 0 : i32
      %add3A_140 = arith.addi %mul3A_138, %add3A_139 : i32
      %dma_wait3A_141 = arith.constant 0 : i32
      %dma_wait3A_142 = arith.constant 0 : i32
      %dma_wait3A_143 = tpu.memref_slice %arg2[%dma_wait3A_141, %dma_wait3A_142] : memref<10000x128xf32, #tpu.memory_space<hbm>> -> memref<10000x128xf32, #tpu.memory_space<hbm>>
      tpu.wait_indirect_dma semaphore(%arg21 : memref<!tpu.dma_semaphore, #tpu.memory_space<semaphore_mem>>) src(%dma_wait3A_143 : memref<10000x128xf32, #tpu.memory_space<hbm>>) dst(%arg17 : memref<128x128xf32, #tpu.memory_space<vmem>>)
      %dma_start3A_144 = arith.constant 0 : i32
      %dma_start3A_145 = arith.constant 0 : i32
      %dma_start3A_146 = tpu.memref_slice %arg20[%dma_start3A_144, %dma_start3A_145] : memref<10000x128xf32, #tpu.memory_space<vmem_shared>> -> memref<10000x128xf32, #tpu.memory_space<vmem_shared>>
      tpu.enqueue_indirect_dma source(%arg17 : memref<128x128xf32, #tpu.memory_space<vmem>>) target(%dma_start3A_146 : memref<10000x128xf32, #tpu.memory_space<vmem_shared>>) offsets(%arg11 : memref<128xi32, #tpu.memory_space<vmem>>) semaphore(%arg30 : memref<!tpu.dma_semaphore, #tpu.memory_space<semaphore_mem>>) {add = true}
      %add3A_147 = arith.constant 4 : i32
      %add3A_148 = arith.addi %add3A_140, %add3A_147 : i32
      %lt3A_149 = arith.constant 78 : i32
      %lt3A_150 = arith.cmpi slt, %add3A_148, %lt3A_149 : i32
      %convert_element_type3A_151 = arith.extui %lt3A_150 : i1 to i32
      %cond3A_152 = arith.constant 0 : i32
      %cond3A_153 = arith.cmpi ne, %convert_element_type3A_151, %cond3A_152 : i32
      scf.if %cond3A_153 {
        %add3A_281 = arith.constant 4 : i32
        %add3A_282 = arith.addi %add3A_140, %add3A_281 : i32
        %mul3A_283 = arith.constant 32 : i32
        %mul3A_284 = arith.muli %add3A_282, %mul3A_283 : i32
        %add3A_285 = arith.addi %add3A, %mul3A_284 : i32
        %mul3A_286 = arith.constant 128 : i32
        %mul3A_287 = arith.muli %add3A_285, %mul3A_286 : i32
        %multiple_of3A_288 = tpu.assume_multiple %mul3A_287, 8 : i32
        %dma_start3A_289 = arith.constant 0 : i32
        %dma_start3A_290 = tpu.memref_slice %arg3[%dma_start3A_289, %multiple_of3A_288] : memref<2x320000xi32, #tpu.memory_space<hbm>> -> memref<1x128xi32, #tpu.memory_space<hbm>>
        %dma_start3A_291 = tpu.memref_squeeze %dma_start3A_290 : memref<1x128xi32, #tpu.memory_space<hbm>> -> memref<128xi32, #tpu.memory_space<hbm>>
        %dma_start3A_292 = tpu.memref_slice %arg3[%dma_start3A_289, %multiple_of3A_288] : memref<2x320000xi32, #tpu.memory_space<hbm>> -> memref<1x128xi32, #tpu.memory_space<hbm>>
        %dma_start3A_293 = tpu.memref_squeeze %dma_start3A_292 : memref<1x128xi32, #tpu.memory_space<hbm>> -> memref<128xi32, #tpu.memory_space<hbm>>
        tpu.enqueue_dma source(%dma_start3A_293 : memref<128xi32, #tpu.memory_space<hbm>>) target(%arg9 : memref<128xi32, #tpu.memory_space<vmem>>) target_semaphore(%arg28 : memref<!tpu.dma_semaphore, #tpu.memory_space<semaphore_mem>>)
        %dma_start3A_294 = arith.constant 1 : i32
        %dma_start3A_295 = tpu.memref_slice %arg3[%dma_start3A_294, %multiple_of3A_288] : memref<2x320000xi32, #tpu.memory_space<hbm>> -> memref<1x128xi32, #tpu.memory_space<hbm>>
        %dma_start3A_296 = tpu.memref_squeeze %dma_start3A_295 : memref<1x128xi32, #tpu.memory_space<hbm>> -> memref<128xi32, #tpu.memory_space<hbm>>
        %dma_start3A_297 = tpu.memref_slice %arg3[%dma_start3A_294, %multiple_of3A_288] : memref<2x320000xi32, #tpu.memory_space<hbm>> -> memref<1x128xi32, #tpu.memory_space<hbm>>
        %dma_start3A_298 = tpu.memref_squeeze %dma_start3A_297 : memref<1x128xi32, #tpu.memory_space<hbm>> -> memref<128xi32, #tpu.memory_space<hbm>>
        tpu.enqueue_dma source(%dma_start3A_298 : memref<128xi32, #tpu.memory_space<hbm>>) target(%arg15 : memref<128xi32, #tpu.memory_space<vmem>>) target_semaphore(%arg28 : memref<!tpu.dma_semaphore, #tpu.memory_space<semaphore_mem>>)
      } else {
      }
      %add3A_154 = arith.constant 2 : i32
      %add3A_155 = arith.addi %add3A_140, %add3A_154 : i32
      %lt3A_156 = arith.constant 78 : i32
      %lt3A_157 = arith.cmpi slt, %add3A_155, %lt3A_156 : i32
      %convert_element_type3A_158 = arith.extui %lt3A_157 : i1 to i32
      %cond3A_159 = arith.constant 0 : i32
      %cond3A_160 = arith.cmpi ne, %convert_element_type3A_158, %cond3A_159 : i32
      scf.if %cond3A_160 {
        %add3A_281 = arith.constant 2 : i32
        %add3A_282 = arith.addi %add3A_140, %add3A_281 : i32
        %mul3A_283 = arith.constant 32 : i32
        %mul3A_284 = arith.muli %add3A_282, %mul3A_283 : i32
        %add3A_285 = arith.addi %add3A, %mul3A_284 : i32
        %mul3A_286 = arith.constant 128 : i32
        %mul3A_287 = arith.muli %add3A_285, %mul3A_286 : i32
        %multiple_of3A_288 = tpu.assume_multiple %mul3A_287, 8 : i32
        %dma_wait3A_289 = arith.constant 0 : i32
        %dma_wait3A_290 = tpu.memref_slice %arg3[%dma_wait3A_289, %multiple_of3A_288] : memref<2x320000xi32, #tpu.memory_space<hbm>> -> memref<1x128xi32, #tpu.memory_space<hbm>>
        %dma_wait3A_291 = tpu.memref_squeeze %dma_wait3A_290 : memref<1x128xi32, #tpu.memory_space<hbm>> -> memref<128xi32, #tpu.memory_space<hbm>>
        %dma_wait3A_292 = tpu.memref_slice %arg3[%dma_wait3A_289, %multiple_of3A_288] : memref<2x320000xi32, #tpu.memory_space<hbm>> -> memref<1x128xi32, #tpu.memory_space<hbm>>
        %dma_wait3A_293 = tpu.memref_squeeze %dma_wait3A_292 : memref<1x128xi32, #tpu.memory_space<hbm>> -> memref<128xi32, #tpu.memory_space<hbm>>
        tpu.wait_dma2 semaphore(%arg26 : memref<!tpu.dma_semaphore, #tpu.memory_space<semaphore_mem>>) src(%dma_wait3A_293 : memref<128xi32, #tpu.memory_space<hbm>>) dst(%arg7 : memref<128xi32, #tpu.memory_space<vmem>>)
        %dma_wait3A_294 = arith.constant 1 : i32
        %dma_wait3A_295 = tpu.memref_slice %arg3[%dma_wait3A_294, %multiple_of3A_288] : memref<2x320000xi32, #tpu.memory_space<hbm>> -> memref<1x128xi32, #tpu.memory_space<hbm>>
        %dma_wait3A_296 = tpu.memref_squeeze %dma_wait3A_295 : memref<1x128xi32, #tpu.memory_space<hbm>> -> memref<128xi32, #tpu.memory_space<hbm>>
        %dma_wait3A_297 = tpu.memref_slice %arg3[%dma_wait3A_294, %multiple_of3A_288] : memref<2x320000xi32, #tpu.memory_space<hbm>> -> memref<1x128xi32, #tpu.memory_space<hbm>>
        %dma_wait3A_298 = tpu.memref_squeeze %dma_wait3A_297 : memref<1x128xi32, #tpu.memory_space<hbm>> -> memref<128xi32, #tpu.memory_space<hbm>>
        tpu.wait_dma2 semaphore(%arg26 : memref<!tpu.dma_semaphore, #tpu.memory_space<semaphore_mem>>) src(%dma_wait3A_298 : memref<128xi32, #tpu.memory_space<hbm>>) dst(%arg13 : memref<128xi32, #tpu.memory_space<vmem>>)
        %ge3A = arith.constant 1 : i32
        %ge3A_299 = arith.cmpi sge, %add3A_140, %ge3A : i32
        %convert_element_type3A_300 = arith.extui %ge3A_299 : i1 to i32
        %cond3A_301 = arith.constant 0 : i32
        %cond3A_302 = arith.cmpi ne, %convert_element_type3A_300, %cond3A_301 : i32
        scf.if %cond3A_302 {
          %dma_wait3A_306 = arith.constant 0 : i32
          %dma_wait3A_307 = arith.constant 0 : i32
          %dma_wait3A_308 = tpu.memref_slice %arg20[%dma_wait3A_306, %dma_wait3A_307] : memref<10000x128xf32, #tpu.memory_space<vmem_shared>> -> memref<10000x128xf32, #tpu.memory_space<vmem_shared>>
          tpu.wait_indirect_dma semaphore(%arg32 : memref<!tpu.dma_semaphore, #tpu.memory_space<semaphore_mem>>) src(%arg19 : memref<128x128xf32, #tpu.memory_space<vmem>>) dst(%dma_wait3A_308 : memref<10000x128xf32, #tpu.memory_space<vmem_shared>>)
        } else {
        }
        %dma_start3A_303 = arith.constant 0 : i32
        %dma_start3A_304 = arith.constant 0 : i32
        %dma_start3A_305 = tpu.memref_slice %arg2[%dma_start3A_303, %dma_start3A_304] : memref<10000x128xf32, #tpu.memory_space<hbm>> -> memref<10000x128xf32, #tpu.memory_space<hbm>>
        tpu.enqueue_indirect_dma source(%dma_start3A_305 : memref<10000x128xf32, #tpu.memory_space<hbm>>) target(%arg19 : memref<128x128xf32, #tpu.memory_space<vmem>>) offsets(%arg7 : memref<128xi32, #tpu.memory_space<vmem>>) semaphore(%arg23 : memref<!tpu.dma_semaphore, #tpu.memory_space<semaphore_mem>>)
      } else {
      }
      %mul3A_161 = arith.constant 6 : i32
      %mul3A_162 = arith.muli %mul3A_161, %scan3A_136 : i32
      %add3A_163 = arith.constant 1 : i32
      %add3A_164 = arith.addi %mul3A_162, %add3A_163 : i32
      %dma_wait3A_165 = arith.constant 0 : i32
      %dma_wait3A_166 = arith.constant 0 : i32
      %dma_wait3A_167 = tpu.memref_slice %arg2[%dma_wait3A_165, %dma_wait3A_166] : memref<10000x128xf32, #tpu.memory_space<hbm>> -> memref<10000x128xf32, #tpu.memory_space<hbm>>
      tpu.wait_indirect_dma semaphore(%arg22 : memref<!tpu.dma_semaphore, #tpu.memory_space<semaphore_mem>>) src(%dma_wait3A_167 : memref<10000x128xf32, #tpu.memory_space<hbm>>) dst(%arg18 : memref<128x128xf32, #tpu.memory_space<vmem>>)
      %dma_start3A_168 = arith.constant 0 : i32
      %dma_start3A_169 = arith.constant 0 : i32
      %dma_start3A_170 = tpu.memref_slice %arg20[%dma_start3A_168, %dma_start3A_169] : memref<10000x128xf32, #tpu.memory_space<vmem_shared>> -> memref<10000x128xf32, #tpu.memory_space<vmem_shared>>
      tpu.enqueue_indirect_dma source(%arg18 : memref<128x128xf32, #tpu.memory_space<vmem>>) target(%dma_start3A_170 : memref<10000x128xf32, #tpu.memory_space<vmem_shared>>) offsets(%arg12 : memref<128xi32, #tpu.memory_space<vmem>>) semaphore(%arg31 : memref<!tpu.dma_semaphore, #tpu.memory_space<semaphore_mem>>) {add = true}
      %add3A_171 = arith.constant 4 : i32
      %add3A_172 = arith.addi %add3A_164, %add3A_171 : i32
      %lt3A_173 = arith.constant 78 : i32
      %lt3A_174 = arith.cmpi slt, %add3A_172, %lt3A_173 : i32
      %convert_element_type3A_175 = arith.extui %lt3A_174 : i1 to i32
      %cond3A_176 = arith.constant 0 : i32
      %cond3A_177 = arith.cmpi ne, %convert_element_type3A_175, %cond3A_176 : i32
      scf.if %cond3A_177 {
        %add3A_281 = arith.constant 4 : i32
        %add3A_282 = arith.addi %add3A_164, %add3A_281 : i32
        %mul3A_283 = arith.constant 32 : i32
        %mul3A_284 = arith.muli %add3A_282, %mul3A_283 : i32
        %add3A_285 = arith.addi %add3A, %mul3A_284 : i32
        %mul3A_286 = arith.constant 128 : i32
        %mul3A_287 = arith.muli %add3A_285, %mul3A_286 : i32
        %multiple_of3A_288 = tpu.assume_multiple %mul3A_287, 8 : i32
        %dma_start3A_289 = arith.constant 0 : i32
        %dma_start3A_290 = tpu.memref_slice %arg3[%dma_start3A_289, %multiple_of3A_288] : memref<2x320000xi32, #tpu.memory_space<hbm>> -> memref<1x128xi32, #tpu.memory_space<hbm>>
        %dma_start3A_291 = tpu.memref_squeeze %dma_start3A_290 : memref<1x128xi32, #tpu.memory_space<hbm>> -> memref<128xi32, #tpu.memory_space<hbm>>
        %dma_start3A_292 = tpu.memref_slice %arg3[%dma_start3A_289, %multiple_of3A_288] : memref<2x320000xi32, #tpu.memory_space<hbm>> -> memref<1x128xi32, #tpu.memory_space<hbm>>
        %dma_start3A_293 = tpu.memref_squeeze %dma_start3A_292 : memref<1x128xi32, #tpu.memory_space<hbm>> -> memref<128xi32, #tpu.memory_space<hbm>>
        tpu.enqueue_dma source(%dma_start3A_293 : memref<128xi32, #tpu.memory_space<hbm>>) target(%arg10 : memref<128xi32, #tpu.memory_space<vmem>>) target_semaphore(%arg29 : memref<!tpu.dma_semaphore, #tpu.memory_space<semaphore_mem>>)
        %dma_start3A_294 = arith.constant 1 : i32
        %dma_start3A_295 = tpu.memref_slice %arg3[%dma_start3A_294, %multiple_of3A_288] : memref<2x320000xi32, #tpu.memory_space<hbm>> -> memref<1x128xi32, #tpu.memory_space<hbm>>
        %dma_start3A_296 = tpu.memref_squeeze %dma_start3A_295 : memref<1x128xi32, #tpu.memory_space<hbm>> -> memref<128xi32, #tpu.memory_space<hbm>>
        %dma_start3A_297 = tpu.memref_slice %arg3[%dma_start3A_294, %multiple_of3A_288] : memref<2x320000xi32, #tpu.memory_space<hbm>> -> memref<1x128xi32, #tpu.memory_space<hbm>>
        %dma_start3A_298 = tpu.memref_squeeze %dma_start3A_297 : memref<1x128xi32, #tpu.memory_space<hbm>> -> memref<128xi32, #tpu.memory_space<hbm>>
        tpu.enqueue_dma source(%dma_start3A_298 : memref<128xi32, #tpu.memory_space<hbm>>) target(%arg16 : memref<128xi32, #tpu.memory_space<vmem>>) target_semaphore(%arg29 : memref<!tpu.dma_semaphore, #tpu.memory_space<semaphore_mem>>)
      } else {
      }
      %add3A_178 = arith.constant 2 : i32
      %add3A_179 = arith.addi %add3A_164, %add3A_178 : i32
      %lt3A_180 = arith.constant 78 : i32
      %lt3A_181 = arith.cmpi slt, %add3A_179, %lt3A_180 : i32
      %convert_element_type3A_182 = arith.extui %lt3A_181 : i1 to i32
      %cond3A_183 = arith.constant 0 : i32
      %cond3A_184 = arith.cmpi ne, %convert_element_type3A_182, %cond3A_183 : i32
      scf.if %cond3A_184 {
        %add3A_281 = arith.constant 2 : i32
        %add3A_282 = arith.addi %add3A_164, %add3A_281 : i32
        %mul3A_283 = arith.constant 32 : i32
        %mul3A_284 = arith.muli %add3A_282, %mul3A_283 : i32
        %add3A_285 = arith.addi %add3A, %mul3A_284 : i32
        %mul3A_286 = arith.constant 128 : i32
        %mul3A_287 = arith.muli %add3A_285, %mul3A_286 : i32
        %multiple_of3A_288 = tpu.assume_multiple %mul3A_287, 8 : i32
        %dma_wait3A_289 = arith.constant 0 : i32
        %dma_wait3A_290 = tpu.memref_slice %arg3[%dma_wait3A_289, %multiple_of3A_288] : memref<2x320000xi32, #tpu.memory_space<hbm>> -> memref<1x128xi32, #tpu.memory_space<hbm>>
        %dma_wait3A_291 = tpu.memref_squeeze %dma_wait3A_290 : memref<1x128xi32, #tpu.memory_space<hbm>> -> memref<128xi32, #tpu.memory_space<hbm>>
        %dma_wait3A_292 = tpu.memref_slice %arg3[%dma_wait3A_289, %multiple_of3A_288] : memref<2x320000xi32, #tpu.memory_space<hbm>> -> memref<1x128xi32, #tpu.memory_space<hbm>>
        %dma_wait3A_293 = tpu.memref_squeeze %dma_wait3A_292 : memref<1x128xi32, #tpu.memory_space<hbm>> -> memref<128xi32, #tpu.memory_space<hbm>>
        tpu.wait_dma2 semaphore(%arg27 : memref<!tpu.dma_semaphore, #tpu.memory_space<semaphore_mem>>) src(%dma_wait3A_293 : memref<128xi32, #tpu.memory_space<hbm>>) dst(%arg8 : memref<128xi32, #tpu.memory_space<vmem>>)
        %dma_wait3A_294 = arith.constant 1 : i32
        %dma_wait3A_295 = tpu.memref_slice %arg3[%dma_wait3A_294, %multiple_of3A_288] : memref<2x320000xi32, #tpu.memory_space<hbm>> -> memref<1x128xi32, #tpu.memory_space<hbm>>
        %dma_wait3A_296 = tpu.memref_squeeze %dma_wait3A_295 : memref<1x128xi32, #tpu.memory_space<hbm>> -> memref<128xi32, #tpu.memory_space<hbm>>
        %dma_wait3A_297 = tpu.memref_slice %arg3[%dma_wait3A_294, %multiple_of3A_288] : memref<2x320000xi32, #tpu.memory_space<hbm>> -> memref<1x128xi32, #tpu.memory_space<hbm>>
        %dma_wait3A_298 = tpu.memref_squeeze %dma_wait3A_297 : memref<1x128xi32, #tpu.memory_space<hbm>> -> memref<128xi32, #tpu.memory_space<hbm>>
        tpu.wait_dma2 semaphore(%arg27 : memref<!tpu.dma_semaphore, #tpu.memory_space<semaphore_mem>>) src(%dma_wait3A_298 : memref<128xi32, #tpu.memory_space<hbm>>) dst(%arg14 : memref<128xi32, #tpu.memory_space<vmem>>)
        %ge3A = arith.constant 1 : i32
        %ge3A_299 = arith.cmpi sge, %add3A_164, %ge3A : i32
        %convert_element_type3A_300 = arith.extui %ge3A_299 : i1 to i32
        %cond3A_301 = arith.constant 0 : i32
        %cond3A_302 = arith.cmpi ne, %convert_element_type3A_300, %cond3A_301 : i32
        scf.if %cond3A_302 {
          %dma_wait3A_306 = arith.constant 0 : i32
          %dma_wait3A_307 = arith.constant 0 : i32
          %dma_wait3A_308 = tpu.memref_slice %arg20[%dma_wait3A_306, %dma_wait3A_307] : memref<10000x128xf32, #tpu.memory_space<vmem_shared>> -> memref<10000x128xf32, #tpu.memory_space<vmem_shared>>
          tpu.wait_indirect_dma semaphore(%arg30 : memref<!tpu.dma_semaphore, #tpu.memory_space<semaphore_mem>>) src(%arg17 : memref<128x128xf32, #tpu.memory_space<vmem>>) dst(%dma_wait3A_308 : memref<10000x128xf32, #tpu.memory_space<vmem_shared>>)
        } else {
        }
        %dma_start3A_303 = arith.constant 0 : i32
        %dma_start3A_304 = arith.constant 0 : i32
        %dma_start3A_305 = tpu.memref_slice %arg2[%dma_start3A_303, %dma_start3A_304] : memref<10000x128xf32, #tpu.memory_space<hbm>> -> memref<10000x128xf32, #tpu.memory_space<hbm>>
        tpu.enqueue_indirect_dma source(%dma_start3A_305 : memref<10000x128xf32, #tpu.memory_space<hbm>>) target(%arg17 : memref<128x128xf32, #tpu.memory_space<vmem>>) offsets(%arg8 : memref<128xi32, #tpu.memory_space<vmem>>) semaphore(%arg21 : memref<!tpu.dma_semaphore, #tpu.memory_space<semaphore_mem>>)
      } else {
      }
      %mul3A_185 = arith.constant 6 : i32
      %mul3A_186 = arith.muli %mul3A_185, %scan3A_136 : i32
      %add3A_187 = arith.constant 2 : i32
      %add3A_188 = arith.addi %mul3A_186, %add3A_187 : i32
      %dma_wait3A_189 = arith.constant 0 : i32
      %dma_wait3A_190 = arith.constant 0 : i32
      %dma_wait3A_191 = tpu.memref_slice %arg2[%dma_wait3A_189, %dma_wait3A_190] : memref<10000x128xf32, #tpu.memory_space<hbm>> -> memref<10000x128xf32, #tpu.memory_space<hbm>>
      tpu.wait_indirect_dma semaphore(%arg23 : memref<!tpu.dma_semaphore, #tpu.memory_space<semaphore_mem>>) src(%dma_wait3A_191 : memref<10000x128xf32, #tpu.memory_space<hbm>>) dst(%arg19 : memref<128x128xf32, #tpu.memory_space<vmem>>)
      %dma_start3A_192 = arith.constant 0 : i32
      %dma_start3A_193 = arith.constant 0 : i32
      %dma_start3A_194 = tpu.memref_slice %arg20[%dma_start3A_192, %dma_start3A_193] : memref<10000x128xf32, #tpu.memory_space<vmem_shared>> -> memref<10000x128xf32, #tpu.memory_space<vmem_shared>>
      tpu.enqueue_indirect_dma source(%arg19 : memref<128x128xf32, #tpu.memory_space<vmem>>) target(%dma_start3A_194 : memref<10000x128xf32, #tpu.memory_space<vmem_shared>>) offsets(%arg13 : memref<128xi32, #tpu.memory_space<vmem>>) semaphore(%arg32 : memref<!tpu.dma_semaphore, #tpu.memory_space<semaphore_mem>>) {add = true}
      %add3A_195 = arith.constant 4 : i32
      %add3A_196 = arith.addi %add3A_188, %add3A_195 : i32
      %lt3A_197 = arith.constant 78 : i32
      %lt3A_198 = arith.cmpi slt, %add3A_196, %lt3A_197 : i32
      %convert_element_type3A_199 = arith.extui %lt3A_198 : i1 to i32
      %cond3A_200 = arith.constant 0 : i32
      %cond3A_201 = arith.cmpi ne, %convert_element_type3A_199, %cond3A_200 : i32
      scf.if %cond3A_201 {
        %add3A_281 = arith.constant 4 : i32
        %add3A_282 = arith.addi %add3A_188, %add3A_281 : i32
        %mul3A_283 = arith.constant 32 : i32
        %mul3A_284 = arith.muli %add3A_282, %mul3A_283 : i32
        %add3A_285 = arith.addi %add3A, %mul3A_284 : i32
        %mul3A_286 = arith.constant 128 : i32
        %mul3A_287 = arith.muli %add3A_285, %mul3A_286 : i32
        %multiple_of3A_288 = tpu.assume_multiple %mul3A_287, 8 : i32
        %dma_start3A_289 = arith.constant 0 : i32
        %dma_start3A_290 = tpu.memref_slice %arg3[%dma_start3A_289, %multiple_of3A_288] : memref<2x320000xi32, #tpu.memory_space<hbm>> -> memref<1x128xi32, #tpu.memory_space<hbm>>
        %dma_start3A_291 = tpu.memref_squeeze %dma_start3A_290 : memref<1x128xi32, #tpu.memory_space<hbm>> -> memref<128xi32, #tpu.memory_space<hbm>>
        %dma_start3A_292 = tpu.memref_slice %arg3[%dma_start3A_289, %multiple_of3A_288] : memref<2x320000xi32, #tpu.memory_space<hbm>> -> memref<1x128xi32, #tpu.memory_space<hbm>>
        %dma_start3A_293 = tpu.memref_squeeze %dma_start3A_292 : memref<1x128xi32, #tpu.memory_space<hbm>> -> memref<128xi32, #tpu.memory_space<hbm>>
        tpu.enqueue_dma source(%dma_start3A_293 : memref<128xi32, #tpu.memory_space<hbm>>) target(%arg5 : memref<128xi32, #tpu.memory_space<vmem>>) target_semaphore(%arg24 : memref<!tpu.dma_semaphore, #tpu.memory_space<semaphore_mem>>)
        %dma_start3A_294 = arith.constant 1 : i32
        %dma_start3A_295 = tpu.memref_slice %arg3[%dma_start3A_294, %multiple_of3A_288] : memref<2x320000xi32, #tpu.memory_space<hbm>> -> memref<1x128xi32, #tpu.memory_space<hbm>>
        %dma_start3A_296 = tpu.memref_squeeze %dma_start3A_295 : memref<1x128xi32, #tpu.memory_space<hbm>> -> memref<128xi32, #tpu.memory_space<hbm>>
        %dma_start3A_297 = tpu.memref_slice %arg3[%dma_start3A_294, %multiple_of3A_288] : memref<2x320000xi32, #tpu.memory_space<hbm>> -> memref<1x128xi32, #tpu.memory_space<hbm>>
        %dma_start3A_298 = tpu.memref_squeeze %dma_start3A_297 : memref<1x128xi32, #tpu.memory_space<hbm>> -> memref<128xi32, #tpu.memory_space<hbm>>
        tpu.enqueue_dma source(%dma_start3A_298 : memref<128xi32, #tpu.memory_space<hbm>>) target(%arg11 : memref<128xi32, #tpu.memory_space<vmem>>) target_semaphore(%arg24 : memref<!tpu.dma_semaphore, #tpu.memory_space<semaphore_mem>>)
      } else {
      }
      %add3A_202 = arith.constant 2 : i32
      %add3A_203 = arith.addi %add3A_188, %add3A_202 : i32
      %lt3A_204 = arith.constant 78 : i32
      %lt3A_205 = arith.cmpi slt, %add3A_203, %lt3A_204 : i32
      %convert_element_type3A_206 = arith.extui %lt3A_205 : i1 to i32
      %cond3A_207 = arith.constant 0 : i32
      %cond3A_208 = arith.cmpi ne, %convert_element_type3A_206, %cond3A_207 : i32
      scf.if %cond3A_208 {
        %add3A_281 = arith.constant 2 : i32
        %add3A_282 = arith.addi %add3A_188, %add3A_281 : i32
        %mul3A_283 = arith.constant 32 : i32
        %mul3A_284 = arith.muli %add3A_282, %mul3A_283 : i32
        %add3A_285 = arith.addi %add3A, %mul3A_284 : i32
        %mul3A_286 = arith.constant 128 : i32
        %mul3A_287 = arith.muli %add3A_285, %mul3A_286 : i32
        %multiple_of3A_288 = tpu.assume_multiple %mul3A_287, 8 : i32
        %dma_wait3A_289 = arith.constant 0 : i32
        %dma_wait3A_290 = tpu.memref_slice %arg3[%dma_wait3A_289, %multiple_of3A_288] : memref<2x320000xi32, #tpu.memory_space<hbm>> -> memref<1x128xi32, #tpu.memory_space<hbm>>
        %dma_wait3A_291 = tpu.memref_squeeze %dma_wait3A_290 : memref<1x128xi32, #tpu.memory_space<hbm>> -> memref<128xi32, #tpu.memory_space<hbm>>
        %dma_wait3A_292 = tpu.memref_slice %arg3[%dma_wait3A_289, %multiple_of3A_288] : memref<2x320000xi32, #tpu.memory_space<hbm>> -> memref<1x128xi32, #tpu.memory_space<hbm>>
        %dma_wait3A_293 = tpu.memref_squeeze %dma_wait3A_292 : memref<1x128xi32, #tpu.memory_space<hbm>> -> memref<128xi32, #tpu.memory_space<hbm>>
        tpu.wait_dma2 semaphore(%arg28 : memref<!tpu.dma_semaphore, #tpu.memory_space<semaphore_mem>>) src(%dma_wait3A_293 : memref<128xi32, #tpu.memory_space<hbm>>) dst(%arg9 : memref<128xi32, #tpu.memory_space<vmem>>)
        %dma_wait3A_294 = arith.constant 1 : i32
        %dma_wait3A_295 = tpu.memref_slice %arg3[%dma_wait3A_294, %multiple_of3A_288] : memref<2x320000xi32, #tpu.memory_space<hbm>> -> memref<1x128xi32, #tpu.memory_space<hbm>>
        %dma_wait3A_296 = tpu.memref_squeeze %dma_wait3A_295 : memref<1x128xi32, #tpu.memory_space<hbm>> -> memref<128xi32, #tpu.memory_space<hbm>>
        %dma_wait3A_297 = tpu.memref_slice %arg3[%dma_wait3A_294, %multiple_of3A_288] : memref<2x320000xi32, #tpu.memory_space<hbm>> -> memref<1x128xi32, #tpu.memory_space<hbm>>
        %dma_wait3A_298 = tpu.memref_squeeze %dma_wait3A_297 : memref<1x128xi32, #tpu.memory_space<hbm>> -> memref<128xi32, #tpu.memory_space<hbm>>
        tpu.wait_dma2 semaphore(%arg28 : memref<!tpu.dma_semaphore, #tpu.memory_space<semaphore_mem>>) src(%dma_wait3A_298 : memref<128xi32, #tpu.memory_space<hbm>>) dst(%arg15 : memref<128xi32, #tpu.memory_space<vmem>>)
        %ge3A = arith.constant 1 : i32
        %ge3A_299 = arith.cmpi sge, %add3A_188, %ge3A : i32
        %convert_element_type3A_300 = arith.extui %ge3A_299 : i1 to i32
        %cond3A_301 = arith.constant 0 : i32
        %cond3A_302 = arith.cmpi ne, %convert_element_type3A_300, %cond3A_301 : i32
        scf.if %cond3A_302 {
          %dma_wait3A_306 = arith.constant 0 : i32
          %dma_wait3A_307 = arith.constant 0 : i32
          %dma_wait3A_308 = tpu.memref_slice %arg20[%dma_wait3A_306, %dma_wait3A_307] : memref<10000x128xf32, #tpu.memory_space<vmem_shared>> -> memref<10000x128xf32, #tpu.memory_space<vmem_shared>>
          tpu.wait_indirect_dma semaphore(%arg31 : memref<!tpu.dma_semaphore, #tpu.memory_space<semaphore_mem>>) src(%arg18 : memref<128x128xf32, #tpu.memory_space<vmem>>) dst(%dma_wait3A_308 : memref<10000x128xf32, #tpu.memory_space<vmem_shared>>)
        } else {
        }
        %dma_start3A_303 = arith.constant 0 : i32
        %dma_start3A_304 = arith.constant 0 : i32
        %dma_start3A_305 = tpu.memref_slice %arg2[%dma_start3A_303, %dma_start3A_304] : memref<10000x128xf32, #tpu.memory_space<hbm>> -> memref<10000x128xf32, #tpu.memory_space<hbm>>
        tpu.enqueue_indirect_dma source(%dma_start3A_305 : memref<10000x128xf32, #tpu.memory_space<hbm>>) target(%arg18 : memref<128x128xf32, #tpu.memory_space<vmem>>) offsets(%arg9 : memref<128xi32, #tpu.memory_space<vmem>>) semaphore(%arg22 : memref<!tpu.dma_semaphore, #tpu.memory_space<semaphore_mem>>)
      } else {
      }
      %mul3A_209 = arith.constant 6 : i32
      %mul3A_210 = arith.muli %mul3A_209, %scan3A_136 : i32
      %add3A_211 = arith.constant 3 : i32
      %add3A_212 = arith.addi %mul3A_210, %add3A_211 : i32
      %dma_wait3A_213 = arith.constant 0 : i32
      %dma_wait3A_214 = arith.constant 0 : i32
      %dma_wait3A_215 = tpu.memref_slice %arg2[%dma_wait3A_213, %dma_wait3A_214] : memref<10000x128xf32, #tpu.memory_space<hbm>> -> memref<10000x128xf32, #tpu.memory_space<hbm>>
      tpu.wait_indirect_dma semaphore(%arg21 : memref<!tpu.dma_semaphore, #tpu.memory_space<semaphore_mem>>) src(%dma_wait3A_215 : memref<10000x128xf32, #tpu.memory_space<hbm>>) dst(%arg17 : memref<128x128xf32, #tpu.memory_space<vmem>>)
      %dma_start3A_216 = arith.constant 0 : i32
      %dma_start3A_217 = arith.constant 0 : i32
      %dma_start3A_218 = tpu.memref_slice %arg20[%dma_start3A_216, %dma_start3A_217] : memref<10000x128xf32, #tpu.memory_space<vmem_shared>> -> memref<10000x128xf32, #tpu.memory_space<vmem_shared>>
      tpu.enqueue_indirect_dma source(%arg17 : memref<128x128xf32, #tpu.memory_space<vmem>>) target(%dma_start3A_218 : memref<10000x128xf32, #tpu.memory_space<vmem_shared>>) offsets(%arg14 : memref<128xi32, #tpu.memory_space<vmem>>) semaphore(%arg30 : memref<!tpu.dma_semaphore, #tpu.memory_space<semaphore_mem>>) {add = true}
      %add3A_219 = arith.constant 4 : i32
      %add3A_220 = arith.addi %add3A_212, %add3A_219 : i32
      %lt3A_221 = arith.constant 78 : i32
      %lt3A_222 = arith.cmpi slt, %add3A_220, %lt3A_221 : i32
      %convert_element_type3A_223 = arith.extui %lt3A_222 : i1 to i32
      %cond3A_224 = arith.constant 0 : i32
      %cond3A_225 = arith.cmpi ne, %convert_element_type3A_223, %cond3A_224 : i32
      scf.if %cond3A_225 {
        %add3A_281 = arith.constant 4 : i32
        %add3A_282 = arith.addi %add3A_212, %add3A_281 : i32
        %mul3A_283 = arith.constant 32 : i32
        %mul3A_284 = arith.muli %add3A_282, %mul3A_283 : i32
        %add3A_285 = arith.addi %add3A, %mul3A_284 : i32
        %mul3A_286 = arith.constant 128 : i32
        %mul3A_287 = arith.muli %add3A_285, %mul3A_286 : i32
        %multiple_of3A_288 = tpu.assume_multiple %mul3A_287, 8 : i32
        %dma_start3A_289 = arith.constant 0 : i32
        %dma_start3A_290 = tpu.memref_slice %arg3[%dma_start3A_289, %multiple_of3A_288] : memref<2x320000xi32, #tpu.memory_space<hbm>> -> memref<1x128xi32, #tpu.memory_space<hbm>>
        %dma_start3A_291 = tpu.memref_squeeze %dma_start3A_290 : memref<1x128xi32, #tpu.memory_space<hbm>> -> memref<128xi32, #tpu.memory_space<hbm>>
        %dma_start3A_292 = tpu.memref_slice %arg3[%dma_start3A_289, %multiple_of3A_288] : memref<2x320000xi32, #tpu.memory_space<hbm>> -> memref<1x128xi32, #tpu.memory_space<hbm>>
        %dma_start3A_293 = tpu.memref_squeeze %dma_start3A_292 : memref<1x128xi32, #tpu.memory_space<hbm>> -> memref<128xi32, #tpu.memory_space<hbm>>
        tpu.enqueue_dma source(%dma_start3A_293 : memref<128xi32, #tpu.memory_space<hbm>>) target(%arg6 : memref<128xi32, #tpu.memory_space<vmem>>) target_semaphore(%arg25 : memref<!tpu.dma_semaphore, #tpu.memory_space<semaphore_mem>>)
        %dma_start3A_294 = arith.constant 1 : i32
        %dma_start3A_295 = tpu.memref_slice %arg3[%dma_start3A_294, %multiple_of3A_288] : memref<2x320000xi32, #tpu.memory_space<hbm>> -> memref<1x128xi32, #tpu.memory_space<hbm>>
        %dma_start3A_296 = tpu.memref_squeeze %dma_start3A_295 : memref<1x128xi32, #tpu.memory_space<hbm>> -> memref<128xi32, #tpu.memory_space<hbm>>
        %dma_start3A_297 = tpu.memref_slice %arg3[%dma_start3A_294, %multiple_of3A_288] : memref<2x320000xi32, #tpu.memory_space<hbm>> -> memref<1x128xi32, #tpu.memory_space<hbm>>
        %dma_start3A_298 = tpu.memref_squeeze %dma_start3A_297 : memref<1x128xi32, #tpu.memory_space<hbm>> -> memref<128xi32, #tpu.memory_space<hbm>>
        tpu.enqueue_dma source(%dma_start3A_298 : memref<128xi32, #tpu.memory_space<hbm>>) target(%arg12 : memref<128xi32, #tpu.memory_space<vmem>>) target_semaphore(%arg25 : memref<!tpu.dma_semaphore, #tpu.memory_space<semaphore_mem>>)
      } else {
      }
      %add3A_226 = arith.constant 2 : i32
      %add3A_227 = arith.addi %add3A_212, %add3A_226 : i32
      %lt3A_228 = arith.constant 78 : i32
      %lt3A_229 = arith.cmpi slt, %add3A_227, %lt3A_228 : i32
      %convert_element_type3A_230 = arith.extui %lt3A_229 : i1 to i32
      %cond3A_231 = arith.constant 0 : i32
      %cond3A_232 = arith.cmpi ne, %convert_element_type3A_230, %cond3A_231 : i32
      scf.if %cond3A_232 {
        %add3A_281 = arith.constant 2 : i32
        %add3A_282 = arith.addi %add3A_212, %add3A_281 : i32
        %mul3A_283 = arith.constant 32 : i32
        %mul3A_284 = arith.muli %add3A_282, %mul3A_283 : i32
        %add3A_285 = arith.addi %add3A, %mul3A_284 : i32
        %mul3A_286 = arith.constant 128 : i32
        %mul3A_287 = arith.muli %add3A_285, %mul3A_286 : i32
        %multiple_of3A_288 = tpu.assume_multiple %mul3A_287, 8 : i32
        %dma_wait3A_289 = arith.constant 0 : i32
        %dma_wait3A_290 = tpu.memref_slice %arg3[%dma_wait3A_289, %multiple_of3A_288] : memref<2x320000xi32, #tpu.memory_space<hbm>> -> memref<1x128xi32, #tpu.memory_space<hbm>>
        %dma_wait3A_291 = tpu.memref_squeeze %dma_wait3A_290 : memref<1x128xi32, #tpu.memory_space<hbm>> -> memref<128xi32, #tpu.memory_space<hbm>>
        %dma_wait3A_292 = tpu.memref_slice %arg3[%dma_wait3A_289, %multiple_of3A_288] : memref<2x320000xi32, #tpu.memory_space<hbm>> -> memref<1x128xi32, #tpu.memory_space<hbm>>
        %dma_wait3A_293 = tpu.memref_squeeze %dma_wait3A_292 : memref<1x128xi32, #tpu.memory_space<hbm>> -> memref<128xi32, #tpu.memory_space<hbm>>
        tpu.wait_dma2 semaphore(%arg29 : memref<!tpu.dma_semaphore, #tpu.memory_space<semaphore_mem>>) src(%dma_wait3A_293 : memref<128xi32, #tpu.memory_space<hbm>>) dst(%arg10 : memref<128xi32, #tpu.memory_space<vmem>>)
        %dma_wait3A_294 = arith.constant 1 : i32
        %dma_wait3A_295 = tpu.memref_slice %arg3[%dma_wait3A_294, %multiple_of3A_288] : memref<2x320000xi32, #tpu.memory_space<hbm>> -> memref<1x128xi32, #tpu.memory_space<hbm>>
        %dma_wait3A_296 = tpu.memref_squeeze %dma_wait3A_295 : memref<1x128xi32, #tpu.memory_space<hbm>> -> memref<128xi32, #tpu.memory_space<hbm>>
        %dma_wait3A_297 = tpu.memref_slice %arg3[%dma_wait3A_294, %multiple_of3A_288] : memref<2x320000xi32, #tpu.memory_space<hbm>> -> memref<1x128xi32, #tpu.memory_space<hbm>>
        %dma_wait3A_298 = tpu.memref_squeeze %dma_wait3A_297 : memref<1x128xi32, #tpu.memory_space<hbm>> -> memref<128xi32, #tpu.memory_space<hbm>>
        tpu.wait_dma2 semaphore(%arg29 : memref<!tpu.dma_semaphore, #tpu.memory_space<semaphore_mem>>) src(%dma_wait3A_298 : memref<128xi32, #tpu.memory_space<hbm>>) dst(%arg16 : memref<128xi32, #tpu.memory_space<vmem>>)
        %ge3A = arith.constant 1 : i32
        %ge3A_299 = arith.cmpi sge, %add3A_212, %ge3A : i32
        %convert_element_type3A_300 = arith.extui %ge3A_299 : i1 to i32
        %cond3A_301 = arith.constant 0 : i32
        %cond3A_302 = arith.cmpi ne, %convert_element_type3A_300, %cond3A_301 : i32
        scf.if %cond3A_302 {
          %dma_wait3A_306 = arith.constant 0 : i32
          %dma_wait3A_307 = arith.constant 0 : i32
          %dma_wait3A_308 = tpu.memref_slice %arg20[%dma_wait3A_306, %dma_wait3A_307] : memref<10000x128xf32, #tpu.memory_space<vmem_shared>> -> memref<10000x128xf32, #tpu.memory_space<vmem_shared>>
          tpu.wait_indirect_dma semaphore(%arg32 : memref<!tpu.dma_semaphore, #tpu.memory_space<semaphore_mem>>) src(%arg19 : memref<128x128xf32, #tpu.memory_space<vmem>>) dst(%dma_wait3A_308 : memref<10000x128xf32, #tpu.memory_space<vmem_shared>>)
        } else {
        }
        %dma_start3A_303 = arith.constant 0 : i32
        %dma_start3A_304 = arith.constant 0 : i32
        %dma_start3A_305 = tpu.memref_slice %arg2[%dma_start3A_303, %dma_start3A_304] : memref<10000x128xf32, #tpu.memory_space<hbm>> -> memref<10000x128xf32, #tpu.memory_space<hbm>>
        tpu.enqueue_indirect_dma source(%dma_start3A_305 : memref<10000x128xf32, #tpu.memory_space<hbm>>) target(%arg19 : memref<128x128xf32, #tpu.memory_space<vmem>>) offsets(%arg10 : memref<128xi32, #tpu.memory_space<vmem>>) semaphore(%arg23 : memref<!tpu.dma_semaphore, #tpu.memory_space<semaphore_mem>>)
      } else {
      }
      %mul3A_233 = arith.constant 6 : i32
      %mul3A_234 = arith.muli %mul3A_233, %scan3A_136 : i32
      %add3A_235 = arith.constant 4 : i32
      %add3A_236 = arith.addi %mul3A_234, %add3A_235 : i32
      %dma_wait3A_237 = arith.constant 0 : i32
      %dma_wait3A_238 = arith.constant 0 : i32
      %dma_wait3A_239 = tpu.memref_slice %arg2[%dma_wait3A_237, %dma_wait3A_238] : memref<10000x128xf32, #tpu.memory_space<hbm>> -> memref<10000x128xf32, #tpu.memory_space<hbm>>
      tpu.wait_indirect_dma semaphore(%arg22 : memref<!tpu.dma_semaphore, #tpu.memory_space<semaphore_mem>>) src(%dma_wait3A_239 : memref<10000x128xf32, #tpu.memory_space<hbm>>) dst(%arg18 : memref<128x128xf32, #tpu.memory_space<vmem>>)
      %dma_start3A_240 = arith.constant 0 : i32
      %dma_start3A_241 = arith.constant 0 : i32
      %dma_start3A_242 = tpu.memref_slice %arg20[%dma_start3A_240, %dma_start3A_241] : memref<10000x128xf32, #tpu.memory_space<vmem_shared>> -> memref<10000x128xf32, #tpu.memory_space<vmem_shared>>
      tpu.enqueue_indirect_dma source(%arg18 : memref<128x128xf32, #tpu.memory_space<vmem>>) target(%dma_start3A_242 : memref<10000x128xf32, #tpu.memory_space<vmem_shared>>) offsets(%arg15 : memref<128xi32, #tpu.memory_space<vmem>>) semaphore(%arg31 : memref<!tpu.dma_semaphore, #tpu.memory_space<semaphore_mem>>) {add = true}
      %add3A_243 = arith.constant 4 : i32
      %add3A_244 = arith.addi %add3A_236, %add3A_243 : i32
      %lt3A_245 = arith.constant 78 : i32
      %lt3A_246 = arith.cmpi slt, %add3A_244, %lt3A_245 : i32
      %convert_element_type3A_247 = arith.extui %lt3A_246 : i1 to i32
      %cond3A_248 = arith.constant 0 : i32
      %cond3A_249 = arith.cmpi ne, %convert_element_type3A_247, %cond3A_248 : i32
      scf.if %cond3A_249 {
        %add3A_281 = arith.constant 4 : i32
        %add3A_282 = arith.addi %add3A_236, %add3A_281 : i32
        %mul3A_283 = arith.constant 32 : i32
        %mul3A_284 = arith.muli %add3A_282, %mul3A_283 : i32
        %add3A_285 = arith.addi %add3A, %mul3A_284 : i32
        %mul3A_286 = arith.constant 128 : i32
        %mul3A_287 = arith.muli %add3A_285, %mul3A_286 : i32
        %multiple_of3A_288 = tpu.assume_multiple %mul3A_287, 8 : i32
        %dma_start3A_289 = arith.constant 0 : i32
        %dma_start3A_290 = tpu.memref_slice %arg3[%dma_start3A_289, %multiple_of3A_288] : memref<2x320000xi32, #tpu.memory_space<hbm>> -> memref<1x128xi32, #tpu.memory_space<hbm>>
        %dma_start3A_291 = tpu.memref_squeeze %dma_start3A_290 : memref<1x128xi32, #tpu.memory_space<hbm>> -> memref<128xi32, #tpu.memory_space<hbm>>
        %dma_start3A_292 = tpu.memref_slice %arg3[%dma_start3A_289, %multiple_of3A_288] : memref<2x320000xi32, #tpu.memory_space<hbm>> -> memref<1x128xi32, #tpu.memory_space<hbm>>
        %dma_start3A_293 = tpu.memref_squeeze %dma_start3A_292 : memref<1x128xi32, #tpu.memory_space<hbm>> -> memref<128xi32, #tpu.memory_space<hbm>>
        tpu.enqueue_dma source(%dma_start3A_293 : memref<128xi32, #tpu.memory_space<hbm>>) target(%arg7 : memref<128xi32, #tpu.memory_space<vmem>>) target_semaphore(%arg26 : memref<!tpu.dma_semaphore, #tpu.memory_space<semaphore_mem>>)
        %dma_start3A_294 = arith.constant 1 : i32
        %dma_start3A_295 = tpu.memref_slice %arg3[%dma_start3A_294, %multiple_of3A_288] : memref<2x320000xi32, #tpu.memory_space<hbm>> -> memref<1x128xi32, #tpu.memory_space<hbm>>
        %dma_start3A_296 = tpu.memref_squeeze %dma_start3A_295 : memref<1x128xi32, #tpu.memory_space<hbm>> -> memref<128xi32, #tpu.memory_space<hbm>>
        %dma_start3A_297 = tpu.memref_slice %arg3[%dma_start3A_294, %multiple_of3A_288] : memref<2x320000xi32, #tpu.memory_space<hbm>> -> memref<1x128xi32, #tpu.memory_space<hbm>>
        %dma_start3A_298 = tpu.memref_squeeze %dma_start3A_297 : memref<1x128xi32, #tpu.memory_space<hbm>> -> memref<128xi32, #tpu.memory_space<hbm>>
        tpu.enqueue_dma source(%dma_start3A_298 : memref<128xi32, #tpu.memory_space<hbm>>) target(%arg13 : memref<128xi32, #tpu.memory_space<vmem>>) target_semaphore(%arg26 : memref<!tpu.dma_semaphore, #tpu.memory_space<semaphore_mem>>)
      } else {
      }
      %add3A_250 = arith.constant 2 : i32
      %add3A_251 = arith.addi %add3A_236, %add3A_250 : i32
      %lt3A_252 = arith.constant 78 : i32
      %lt3A_253 = arith.cmpi slt, %add3A_251, %lt3A_252 : i32
      %convert_element_type3A_254 = arith.extui %lt3A_253 : i1 to i32
      %cond3A_255 = arith.constant 0 : i32
      %cond3A_256 = arith.cmpi ne, %convert_element_type3A_254, %cond3A_255 : i32
      scf.if %cond3A_256 {
        %add3A_281 = arith.constant 2 : i32
        %add3A_282 = arith.addi %add3A_236, %add3A_281 : i32
        %mul3A_283 = arith.constant 32 : i32
        %mul3A_284 = arith.muli %add3A_282, %mul3A_283 : i32
        %add3A_285 = arith.addi %add3A, %mul3A_284 : i32
        %mul3A_286 = arith.constant 128 : i32
        %mul3A_287 = arith.muli %add3A_285, %mul3A_286 : i32
        %multiple_of3A_288 = tpu.assume_multiple %mul3A_287, 8 : i32
        %dma_wait3A_289 = arith.constant 0 : i32
        %dma_wait3A_290 = tpu.memref_slice %arg3[%dma_wait3A_289, %multiple_of3A_288] : memref<2x320000xi32, #tpu.memory_space<hbm>> -> memref<1x128xi32, #tpu.memory_space<hbm>>
        %dma_wait3A_291 = tpu.memref_squeeze %dma_wait3A_290 : memref<1x128xi32, #tpu.memory_space<hbm>> -> memref<128xi32, #tpu.memory_space<hbm>>
        %dma_wait3A_292 = tpu.memref_slice %arg3[%dma_wait3A_289, %multiple_of3A_288] : memref<2x320000xi32, #tpu.memory_space<hbm>> -> memref<1x128xi32, #tpu.memory_space<hbm>>
        %dma_wait3A_293 = tpu.memref_squeeze %dma_wait3A_292 : memref<1x128xi32, #tpu.memory_space<hbm>> -> memref<128xi32, #tpu.memory_space<hbm>>
        tpu.wait_dma2 semaphore(%arg24 : memref<!tpu.dma_semaphore, #tpu.memory_space<semaphore_mem>>) src(%dma_wait3A_293 : memref<128xi32, #tpu.memory_space<hbm>>) dst(%arg5 : memref<128xi32, #tpu.memory_space<vmem>>)
        %dma_wait3A_294 = arith.constant 1 : i32
        %dma_wait3A_295 = tpu.memref_slice %arg3[%dma_wait3A_294, %multiple_of3A_288] : memref<2x320000xi32, #tpu.memory_space<hbm>> -> memref<1x128xi32, #tpu.memory_space<hbm>>
        %dma_wait3A_296 = tpu.memref_squeeze %dma_wait3A_295 : memref<1x128xi32, #tpu.memory_space<hbm>> -> memref<128xi32, #tpu.memory_space<hbm>>
        %dma_wait3A_297 = tpu.memref_slice %arg3[%dma_wait3A_294, %multiple_of3A_288] : memref<2x320000xi32, #tpu.memory_space<hbm>> -> memref<1x128xi32, #tpu.memory_space<hbm>>
        %dma_wait3A_298 = tpu.memref_squeeze %dma_wait3A_297 : memref<1x128xi32, #tpu.memory_space<hbm>> -> memref<128xi32, #tpu.memory_space<hbm>>
        tpu.wait_dma2 semaphore(%arg24 : memref<!tpu.dma_semaphore, #tpu.memory_space<semaphore_mem>>) src(%dma_wait3A_298 : memref<128xi32, #tpu.memory_space<hbm>>) dst(%arg11 : memref<128xi32, #tpu.memory_space<vmem>>)
        %ge3A = arith.constant 1 : i32
        %ge3A_299 = arith.cmpi sge, %add3A_236, %ge3A : i32
        %convert_element_type3A_300 = arith.extui %ge3A_299 : i1 to i32
        %cond3A_301 = arith.constant 0 : i32
        %cond3A_302 = arith.cmpi ne, %convert_element_type3A_300, %cond3A_301 : i32
        scf.if %cond3A_302 {
          %dma_wait3A_306 = arith.constant 0 : i32
          %dma_wait3A_307 = arith.constant 0 : i32
          %dma_wait3A_308 = tpu.memref_slice %arg20[%dma_wait3A_306, %dma_wait3A_307] : memref<10000x128xf32, #tpu.memory_space<vmem_shared>> -> memref<10000x128xf32, #tpu.memory_space<vmem_shared>>
          tpu.wait_indirect_dma semaphore(%arg30 : memref<!tpu.dma_semaphore, #tpu.memory_space<semaphore_mem>>) src(%arg17 : memref<128x128xf32, #tpu.memory_space<vmem>>) dst(%dma_wait3A_308 : memref<10000x128xf32, #tpu.memory_space<vmem_shared>>)
        } else {
        }
        %dma_start3A_303 = arith.constant 0 : i32
        %dma_start3A_304 = arith.constant 0 : i32
        %dma_start3A_305 = tpu.memref_slice %arg2[%dma_start3A_303, %dma_start3A_304] : memref<10000x128xf32, #tpu.memory_space<hbm>> -> memref<10000x128xf32, #tpu.memory_space<hbm>>
        tpu.enqueue_indirect_dma source(%dma_start3A_305 : memref<10000x128xf32, #tpu.memory_space<hbm>>) target(%arg17 : memref<128x128xf32, #tpu.memory_space<vmem>>) offsets(%arg5 : memref<128xi32, #tpu.memory_space<vmem>>) semaphore(%arg21 : memref<!tpu.dma_semaphore, #tpu.memory_space<semaphore_mem>>)
      } else {
      }
      %mul3A_257 = arith.constant 6 : i32
      %mul3A_258 = arith.muli %mul3A_257, %scan3A_136 : i32
      %add3A_259 = arith.constant 5 : i32
      %add3A_260 = arith.addi %mul3A_258, %add3A_259 : i32
      %dma_wait3A_261 = arith.constant 0 : i32
      %dma_wait3A_262 = arith.constant 0 : i32
      %dma_wait3A_263 = tpu.memref_slice %arg2[%dma_wait3A_261, %dma_wait3A_262] : memref<10000x128xf32, #tpu.memory_space<hbm>> -> memref<10000x128xf32, #tpu.memory_space<hbm>>
      tpu.wait_indirect_dma semaphore(%arg23 : memref<!tpu.dma_semaphore, #tpu.memory_space<semaphore_mem>>) src(%dma_wait3A_263 : memref<10000x128xf32, #tpu.memory_space<hbm>>) dst(%arg19 : memref<128x128xf32, #tpu.memory_space<vmem>>)
      %dma_start3A_264 = arith.constant 0 : i32
      %dma_start3A_265 = arith.constant 0 : i32
      %dma_start3A_266 = tpu.memref_slice %arg20[%dma_start3A_264, %dma_start3A_265] : memref<10000x128xf32, #tpu.memory_space<vmem_shared>> -> memref<10000x128xf32, #tpu.memory_space<vmem_shared>>
      tpu.enqueue_indirect_dma source(%arg19 : memref<128x128xf32, #tpu.memory_space<vmem>>) target(%dma_start3A_266 : memref<10000x128xf32, #tpu.memory_space<vmem_shared>>) offsets(%arg16 : memref<128xi32, #tpu.memory_space<vmem>>) semaphore(%arg32 : memref<!tpu.dma_semaphore, #tpu.memory_space<semaphore_mem>>) {add = true}
      %add3A_267 = arith.constant 4 : i32
      %add3A_268 = arith.addi %add3A_260, %add3A_267 : i32
      %lt3A_269 = arith.constant 78 : i32
      %lt3A_270 = arith.cmpi slt, %add3A_268, %lt3A_269 : i32
      %convert_element_type3A_271 = arith.extui %lt3A_270 : i1 to i32
      %cond3A_272 = arith.constant 0 : i32
      %cond3A_273 = arith.cmpi ne, %convert_element_type3A_271, %cond3A_272 : i32
      scf.if %cond3A_273 {
        %add3A_281 = arith.constant 4 : i32
        %add3A_282 = arith.addi %add3A_260, %add3A_281 : i32
        %mul3A_283 = arith.constant 32 : i32
        %mul3A_284 = arith.muli %add3A_282, %mul3A_283 : i32
        %add3A_285 = arith.addi %add3A, %mul3A_284 : i32
        %mul3A_286 = arith.constant 128 : i32
        %mul3A_287 = arith.muli %add3A_285, %mul3A_286 : i32
        %multiple_of3A_288 = tpu.assume_multiple %mul3A_287, 8 : i32
        %dma_start3A_289 = arith.constant 0 : i32
        %dma_start3A_290 = tpu.memref_slice %arg3[%dma_start3A_289, %multiple_of3A_288] : memref<2x320000xi32, #tpu.memory_space<hbm>> -> memref<1x128xi32, #tpu.memory_space<hbm>>
        %dma_start3A_291 = tpu.memref_squeeze %dma_start3A_290 : memref<1x128xi32, #tpu.memory_space<hbm>> -> memref<128xi32, #tpu.memory_space<hbm>>
        %dma_start3A_292 = tpu.memref_slice %arg3[%dma_start3A_289, %multiple_of3A_288] : memref<2x320000xi32, #tpu.memory_space<hbm>> -> memref<1x128xi32, #tpu.memory_space<hbm>>
        %dma_start3A_293 = tpu.memref_squeeze %dma_start3A_292 : memref<1x128xi32, #tpu.memory_space<hbm>> -> memref<128xi32, #tpu.memory_space<hbm>>
        tpu.enqueue_dma source(%dma_start3A_293 : memref<128xi32, #tpu.memory_space<hbm>>) target(%arg8 : memref<128xi32, #tpu.memory_space<vmem>>) target_semaphore(%arg27 : memref<!tpu.dma_semaphore, #tpu.memory_space<semaphore_mem>>)
        %dma_start3A_294 = arith.constant 1 : i32
        %dma_start3A_295 = tpu.memref_slice %arg3[%dma_start3A_294, %multiple_of3A_288] : memref<2x320000xi32, #tpu.memory_space<hbm>> -> memref<1x128xi32, #tpu.memory_space<hbm>>
        %dma_start3A_296 = tpu.memref_squeeze %dma_start3A_295 : memref<1x128xi32, #tpu.memory_space<hbm>> -> memref<128xi32, #tpu.memory_space<hbm>>
        %dma_start3A_297 = tpu.memref_slice %arg3[%dma_start3A_294, %multiple_of3A_288] : memref<2x320000xi32, #tpu.memory_space<hbm>> -> memref<1x128xi32, #tpu.memory_space<hbm>>
        %dma_start3A_298 = tpu.memref_squeeze %dma_start3A_297 : memref<1x128xi32, #tpu.memory_space<hbm>> -> memref<128xi32, #tpu.memory_space<hbm>>
        tpu.enqueue_dma source(%dma_start3A_298 : memref<128xi32, #tpu.memory_space<hbm>>) target(%arg14 : memref<128xi32, #tpu.memory_space<vmem>>) target_semaphore(%arg27 : memref<!tpu.dma_semaphore, #tpu.memory_space<semaphore_mem>>)
      } else {
      }
      %add3A_274 = arith.constant 2 : i32
      %add3A_275 = arith.addi %add3A_260, %add3A_274 : i32
      %lt3A_276 = arith.constant 78 : i32
      %lt3A_277 = arith.cmpi slt, %add3A_275, %lt3A_276 : i32
      %convert_element_type3A_278 = arith.extui %lt3A_277 : i1 to i32
      %cond3A_279 = arith.constant 0 : i32
      %cond3A_280 = arith.cmpi ne, %convert_element_type3A_278, %cond3A_279 : i32
      scf.if %cond3A_280 {
        %add3A_281 = arith.constant 2 : i32
        %add3A_282 = arith.addi %add3A_260, %add3A_281 : i32
        %mul3A_283 = arith.constant 32 : i32
        %mul3A_284 = arith.muli %add3A_282, %mul3A_283 : i32
        %add3A_285 = arith.addi %add3A, %mul3A_284 : i32
        %mul3A_286 = arith.constant 128 : i32
        %mul3A_287 = arith.muli %add3A_285, %mul3A_286 : i32
        %multiple_of3A_288 = tpu.assume_multiple %mul3A_287, 8 : i32
        %dma_wait3A_289 = arith.constant 0 : i32
        %dma_wait3A_290 = tpu.memref_slice %arg3[%dma_wait3A_289, %multiple_of3A_288] : memref<2x320000xi32, #tpu.memory_space<hbm>> -> memref<1x128xi32, #tpu.memory_space<hbm>>
        %dma_wait3A_291 = tpu.memref_squeeze %dma_wait3A_290 : memref<1x128xi32, #tpu.memory_space<hbm>> -> memref<128xi32, #tpu.memory_space<hbm>>
        %dma_wait3A_292 = tpu.memref_slice %arg3[%dma_wait3A_289, %multiple_of3A_288] : memref<2x320000xi32, #tpu.memory_space<hbm>> -> memref<1x128xi32, #tpu.memory_space<hbm>>
        %dma_wait3A_293 = tpu.memref_squeeze %dma_wait3A_292 : memref<1x128xi32, #tpu.memory_space<hbm>> -> memref<128xi32, #tpu.memory_space<hbm>>
        tpu.wait_dma2 semaphore(%arg25 : memref<!tpu.dma_semaphore, #tpu.memory_space<semaphore_mem>>) src(%dma_wait3A_293 : memref<128xi32, #tpu.memory_space<hbm>>) dst(%arg6 : memref<128xi32, #tpu.memory_space<vmem>>)
        %dma_wait3A_294 = arith.constant 1 : i32
        %dma_wait3A_295 = tpu.memref_slice %arg3[%dma_wait3A_294, %multiple_of3A_288] : memref<2x320000xi32, #tpu.memory_space<hbm>> -> memref<1x128xi32, #tpu.memory_space<hbm>>
        %dma_wait3A_296 = tpu.memref_squeeze %dma_wait3A_295 : memref<1x128xi32, #tpu.memory_space<hbm>> -> memref<128xi32, #tpu.memory_space<hbm>>
        %dma_wait3A_297 = tpu.memref_slice %arg3[%dma_wait3A_294, %multiple_of3A_288] : memref<2x320000xi32, #tpu.memory_space<hbm>> -> memref<1x128xi32, #tpu.memory_space<hbm>>
        %dma_wait3A_298 = tpu.memref_squeeze %dma_wait3A_297 : memref<1x128xi32, #tpu.memory_space<hbm>> -> memref<128xi32, #tpu.memory_space<hbm>>
        tpu.wait_dma2 semaphore(%arg25 : memref<!tpu.dma_semaphore, #tpu.memory_space<semaphore_mem>>) src(%dma_wait3A_298 : memref<128xi32, #tpu.memory_space<hbm>>) dst(%arg12 : memref<128xi32, #tpu.memory_space<vmem>>)
        %ge3A = arith.constant 1 : i32
        %ge3A_299 = arith.cmpi sge, %add3A_260, %ge3A : i32
        %convert_element_type3A_300 = arith.extui %ge3A_299 : i1 to i32
        %cond3A_301 = arith.constant 0 : i32
        %cond3A_302 = arith.cmpi ne, %convert_element_type3A_300, %cond3A_301 : i32
        scf.if %cond3A_302 {
          %dma_wait3A_306 = arith.constant 0 : i32
          %dma_wait3A_307 = arith.constant 0 : i32
          %dma_wait3A_308 = tpu.memref_slice %arg20[%dma_wait3A_306, %dma_wait3A_307] : memref<10000x128xf32, #tpu.memory_space<vmem_shared>> -> memref<10000x128xf32, #tpu.memory_space<vmem_shared>>
          tpu.wait_indirect_dma semaphore(%arg31 : memref<!tpu.dma_semaphore, #tpu.memory_space<semaphore_mem>>) src(%arg18 : memref<128x128xf32, #tpu.memory_space<vmem>>) dst(%dma_wait3A_308 : memref<10000x128xf32, #tpu.memory_space<vmem_shared>>)
        } else {
        }
        %dma_start3A_303 = arith.constant 0 : i32
        %dma_start3A_304 = arith.constant 0 : i32
        %dma_start3A_305 = tpu.memref_slice %arg2[%dma_start3A_303, %dma_start3A_304] : memref<10000x128xf32, #tpu.memory_space<hbm>> -> memref<10000x128xf32, #tpu.memory_space<hbm>>
        tpu.enqueue_indirect_dma source(%dma_start3A_305 : memref<10000x128xf32, #tpu.memory_space<hbm>>) target(%arg18 : memref<128x128xf32, #tpu.memory_space<vmem>>) offsets(%arg6 : memref<128xi32, #tpu.memory_space<vmem>>) semaphore(%arg22 : memref<!tpu.dma_semaphore, #tpu.memory_space<semaphore_mem>>)
      } else {
      }
    }
    %scan3A_113 = arith.constant 13 : i32
    %dma_wait3A_114 = arith.constant 0 : i32
    %dma_wait3A_115 = arith.constant 0 : i32
    %dma_wait3A_116 = tpu.memref_slice %arg20[%dma_wait3A_114, %dma_wait3A_115] : memref<10000x128xf32, #tpu.memory_space<vmem_shared>> -> memref<10000x128xf32, #tpu.memory_space<vmem_shared>>
    tpu.wait_indirect_dma semaphore(%arg30 : memref<!tpu.dma_semaphore, #tpu.memory_space<semaphore_mem>>) src(%arg17 : memref<128x128xf32, #tpu.memory_space<vmem>>) dst(%dma_wait3A_116 : memref<10000x128xf32, #tpu.memory_space<vmem_shared>>)
    %dma_wait3A_117 = arith.constant 0 : i32
    %dma_wait3A_118 = arith.constant 0 : i32
    %dma_wait3A_119 = tpu.memref_slice %arg20[%dma_wait3A_117, %dma_wait3A_118] : memref<10000x128xf32, #tpu.memory_space<vmem_shared>> -> memref<10000x128xf32, #tpu.memory_space<vmem_shared>>
    tpu.wait_indirect_dma semaphore(%arg31 : memref<!tpu.dma_semaphore, #tpu.memory_space<semaphore_mem>>) src(%arg18 : memref<128x128xf32, #tpu.memory_space<vmem>>) dst(%dma_wait3A_119 : memref<10000x128xf32, #tpu.memory_space<vmem_shared>>)
    %dma_wait3A_120 = arith.constant 0 : i32
    %dma_wait3A_121 = arith.constant 0 : i32
    %dma_wait3A_122 = tpu.memref_slice %arg20[%dma_wait3A_120, %dma_wait3A_121] : memref<10000x128xf32, #tpu.memory_space<vmem_shared>> -> memref<10000x128xf32, #tpu.memory_space<vmem_shared>>
    tpu.wait_indirect_dma semaphore(%arg32 : memref<!tpu.dma_semaphore, #tpu.memory_space<semaphore_mem>>) src(%arg19 : memref<128x128xf32, #tpu.memory_space<vmem>>) dst(%dma_wait3A_122 : memref<10000x128xf32, #tpu.memory_space<vmem_shared>>)
    %add3A_123 = arith.constant 2496 : i32
    %add3A_124 = arith.addi %add3A, %add3A_123 : i32
    %lt3A = arith.constant 2500 : i32
    %lt3A_125 = arith.cmpi slt, %add3A_124, %lt3A : i32
    %convert_element_type3A_126 = arith.extui %lt3A_125 : i1 to i32
    %cond3A_127 = arith.constant 0 : i32
    %cond3A_128 = arith.cmpi ne, %convert_element_type3A_126, %cond3A_127 : i32
    scf.if %cond3A_128 {
      %add3A_136 = arith.constant 2496 : i32
      %add3A_137 = arith.addi %add3A, %add3A_136 : i32
      %mul3A_138 = arith.constant 128 : i32
      %mul3A_139 = arith.muli %add3A_137, %mul3A_138 : i32
      %multiple_of3A_140 = tpu.assume_multiple %mul3A_139, 8 : i32
      %run_scoped3A = arith.constant 0 : i32
      "tpu.region"() ({
        %run_scoped3A_148 = tpu.sem_alloc : memref<!tpu.dma_semaphore, #tpu.memory_space<semaphore_mem>>
        %dma_start3A_149 = tpu.memref_slice %arg3[%run_scoped3A, %multiple_of3A_140] : memref<2x320000xi32, #tpu.memory_space<hbm>> -> memref<1x128xi32, #tpu.memory_space<hbm>>
        %dma_start3A_150 = tpu.memref_squeeze %dma_start3A_149 : memref<1x128xi32, #tpu.memory_space<hbm>> -> memref<128xi32, #tpu.memory_space<hbm>>
        %dma_start3A_151 = tpu.memref_slice %arg3[%run_scoped3A, %multiple_of3A_140] : memref<2x320000xi32, #tpu.memory_space<hbm>> -> memref<1x128xi32, #tpu.memory_space<hbm>>
        %dma_start3A_152 = tpu.memref_squeeze %dma_start3A_151 : memref<1x128xi32, #tpu.memory_space<hbm>> -> memref<128xi32, #tpu.memory_space<hbm>>
        tpu.enqueue_dma source(%dma_start3A_152 : memref<128xi32, #tpu.memory_space<hbm>>) target(%arg5 : memref<128xi32, #tpu.memory_space<vmem>>) target_semaphore(%run_scoped3A_148 : memref<!tpu.dma_semaphore, #tpu.memory_space<semaphore_mem>>)
        %dma_wait3A_153 = tpu.memref_slice %arg3[%run_scoped3A, %multiple_of3A_140] : memref<2x320000xi32, #tpu.memory_space<hbm>> -> memref<1x128xi32, #tpu.memory_space<hbm>>
        %dma_wait3A_154 = tpu.memref_squeeze %dma_wait3A_153 : memref<1x128xi32, #tpu.memory_space<hbm>> -> memref<128xi32, #tpu.memory_space<hbm>>
        %dma_wait3A_155 = tpu.memref_slice %arg3[%run_scoped3A, %multiple_of3A_140] : memref<2x320000xi32, #tpu.memory_space<hbm>> -> memref<1x128xi32, #tpu.memory_space<hbm>>
        %dma_wait3A_156 = tpu.memref_squeeze %dma_wait3A_155 : memref<1x128xi32, #tpu.memory_space<hbm>> -> memref<128xi32, #tpu.memory_space<hbm>>
        tpu.wait_dma2 semaphore(%run_scoped3A_148 : memref<!tpu.dma_semaphore, #tpu.memory_space<semaphore_mem>>) src(%dma_wait3A_156 : memref<128xi32, #tpu.memory_space<hbm>>) dst(%arg5 : memref<128xi32, #tpu.memory_space<vmem>>)
        tpu.yield
      }) : () -> ()
      %run_scoped3A_141 = arith.constant 1 : i32
      "tpu.region"() ({
        %run_scoped3A_148 = tpu.sem_alloc : memref<!tpu.dma_semaphore, #tpu.memory_space<semaphore_mem>>
        %dma_start3A_149 = tpu.memref_slice %arg3[%run_scoped3A_141, %multiple_of3A_140] : memref<2x320000xi32, #tpu.memory_space<hbm>> -> memref<1x128xi32, #tpu.memory_space<hbm>>
        %dma_start3A_150 = tpu.memref_squeeze %dma_start3A_149 : memref<1x128xi32, #tpu.memory_space<hbm>> -> memref<128xi32, #tpu.memory_space<hbm>>
        %dma_start3A_151 = tpu.memref_slice %arg3[%run_scoped3A_141, %multiple_of3A_140] : memref<2x320000xi32, #tpu.memory_space<hbm>> -> memref<1x128xi32, #tpu.memory_space<hbm>>
        %dma_start3A_152 = tpu.memref_squeeze %dma_start3A_151 : memref<1x128xi32, #tpu.memory_space<hbm>> -> memref<128xi32, #tpu.memory_space<hbm>>
        tpu.enqueue_dma source(%dma_start3A_152 : memref<128xi32, #tpu.memory_space<hbm>>) target(%arg11 : memref<128xi32, #tpu.memory_space<vmem>>) target_semaphore(%run_scoped3A_148 : memref<!tpu.dma_semaphore, #tpu.memory_space<semaphore_mem>>)
        %dma_wait3A_153 = tpu.memref_slice %arg3[%run_scoped3A_141, %multiple_of3A_140] : memref<2x320000xi32, #tpu.memory_space<hbm>> -> memref<1x128xi32, #tpu.memory_space<hbm>>
        %dma_wait3A_154 = tpu.memref_squeeze %dma_wait3A_153 : memref<1x128xi32, #tpu.memory_space<hbm>> -> memref<128xi32, #tpu.memory_space<hbm>>
        %dma_wait3A_155 = tpu.memref_slice %arg3[%run_scoped3A_141, %multiple_of3A_140] : memref<2x320000xi32, #tpu.memory_space<hbm>> -> memref<1x128xi32, #tpu.memory_space<hbm>>
        %dma_wait3A_156 = tpu.memref_squeeze %dma_wait3A_155 : memref<1x128xi32, #tpu.memory_space<hbm>> -> memref<128xi32, #tpu.memory_space<hbm>>
        tpu.wait_dma2 semaphore(%run_scoped3A_148 : memref<!tpu.dma_semaphore, #tpu.memory_space<semaphore_mem>>) src(%dma_wait3A_156 : memref<128xi32, #tpu.memory_space<hbm>>) dst(%arg11 : memref<128xi32, #tpu.memory_space<vmem>>)
        tpu.yield
      }) : () -> ()
      %dma_start3A_142 = arith.constant 0 : i32
      %dma_start3A_143 = arith.constant 0 : i32
      %dma_start3A_144 = tpu.memref_slice %arg2[%dma_start3A_142, %dma_start3A_143] : memref<10000x128xf32, #tpu.memory_space<hbm>> -> memref<10000x128xf32, #tpu.memory_space<hbm>>
      tpu.enqueue_indirect_dma source(%dma_start3A_144 : memref<10000x128xf32, #tpu.memory_space<hbm>>) target(%arg17 : memref<128x128xf32, #tpu.memory_space<vmem>>) offsets(%arg5 : memref<128xi32, #tpu.memory_space<vmem>>) semaphore(%arg21 : memref<!tpu.dma_semaphore, #tpu.memory_space<semaphore_mem>>)
      %dma_wait3A_145 = arith.constant 0 : i32
      %dma_wait3A_146 = arith.constant 0 : i32
      %dma_wait3A_147 = tpu.memref_slice %arg2[%dma_wait3A_145, %dma_wait3A_146] : memref<10000x128xf32, #tpu.memory_space<hbm>> -> memref<10000x128xf32, #tpu.memory_space<hbm>>
      tpu.wait_indirect_dma semaphore(%arg21 : memref<!tpu.dma_semaphore, #tpu.memory_space<semaphore_mem>>) src(%dma_wait3A_147 : memref<10000x128xf32, #tpu.memory_space<hbm>>) dst(%arg17 : memref<128x128xf32, #tpu.memory_space<vmem>>)
      "tpu.region"() ({
        %run_scoped3A_148 = tpu.sem_alloc : memref<!tpu.dma_semaphore, #tpu.memory_space<semaphore_mem>>
        %dma_start3A_149 = arith.constant 0 : i32
        %dma_start3A_150 = arith.constant 0 : i32
        %dma_start3A_151 = tpu.memref_slice %arg20[%dma_start3A_149, %dma_start3A_150] : memref<10000x128xf32, #tpu.memory_space<vmem_shared>> -> memref<10000x128xf32, #tpu.memory_space<vmem_shared>>
        tpu.enqueue_indirect_dma source(%arg17 : memref<128x128xf32, #tpu.memory_space<vmem>>) target(%dma_start3A_151 : memref<10000x128xf32, #tpu.memory_space<vmem_shared>>) offsets(%arg11 : memref<128xi32, #tpu.memory_space<vmem>>) semaphore(%run_scoped3A_148 : memref<!tpu.dma_semaphore, #tpu.memory_space<semaphore_mem>>) {add = true}
        %dma_wait3A_152 = arith.constant 0 : i32
        %dma_wait3A_153 = arith.constant 0 : i32
        %dma_wait3A_154 = tpu.memref_slice %arg20[%dma_wait3A_152, %dma_wait3A_153] : memref<10000x128xf32, #tpu.memory_space<vmem_shared>> -> memref<10000x128xf32, #tpu.memory_space<vmem_shared>>
        tpu.wait_indirect_dma semaphore(%run_scoped3A_148 : memref<!tpu.dma_semaphore, #tpu.memory_space<semaphore_mem>>) src(%arg17 : memref<128x128xf32, #tpu.memory_space<vmem>>) dst(%dma_wait3A_154 : memref<10000x128xf32, #tpu.memory_space<vmem_shared>>)
        tpu.yield
      }) : () -> ()
    } else {
    }
    %barrier3A_129 = arith.constant 0 : index
    tpu.barrier barrier_id(%barrier3A_129)
    %scan3A_130 = arith.constant 0 : i32
    %scan3A_131 = arith.constant 0 : i32
    %scan3A_132 = arith.constant 4 : i32
    %scan3A_133 = arith.addi %scan3A_131, %scan3A_132 : i32
    %scan3A_134 = arith.constant 1 : i32
    scf.for %scan3A_136 = %scan3A_131 to %scan3A_133 step %scan3A_134  : i32 {
      %mul3A_137 = arith.constant 16 : i32
      %mul3A_138 = arith.muli %mul3A_137, %scan3A_136 : i32
      %add3A_139 = arith.addi %arg1, %mul3A_138 : i32
      %lt3A_140 = arith.constant 50 : i32
      %lt3A_141 = arith.cmpi slt, %add3A_139, %lt3A_140 : i32
      %convert_element_type3A_142 = arith.extui %lt3A_141 : i1 to i32
      %cond3A_143 = arith.constant 0 : i32
      %cond3A_144 = arith.cmpi ne, %convert_element_type3A_142, %cond3A_143 : i32
      scf.if %cond3A_144 {
        %mul3A_145 = arith.constant 200 : i32
        %mul3A_146 = arith.muli %add3A_139, %mul3A_145 : i32
        %multiple_of3A_147 = tpu.assume_multiple %mul3A_146, 8 : i32
        "tpu.region"() ({
          %run_scoped3A = tpu.sem_alloc : memref<!tpu.dma_semaphore, #tpu.memory_space<semaphore_mem>>
          %dma_start3A_148 = arith.constant 0 : i32
          %dma_start3A_149 = tpu.memref_slice %arg4[%arg0, %multiple_of3A_147, %dma_start3A_148] : memref<2x10000x128xf32, #tpu.memory_space<hbm>> -> memref<1x200x128xf32, #tpu.memory_space<hbm>>
          %dma_start3A_150 = tpu.memref_squeeze %dma_start3A_149 : memref<1x200x128xf32, #tpu.memory_space<hbm>> -> memref<200x128xf32, #tpu.memory_space<hbm>>
          %dma_start3A_151 = arith.constant 0 : i32
          %dma_start3A_152 = tpu.memref_slice %arg20[%multiple_of3A_147, %dma_start3A_151] : memref<10000x128xf32, #tpu.memory_space<vmem_shared>> -> memref<200x128xf32, #tpu.memory_space<vmem_shared>>
          tpu.enqueue_dma source(%dma_start3A_152 : memref<200x128xf32, #tpu.memory_space<vmem_shared>>) target(%dma_start3A_150 : memref<200x128xf32, #tpu.memory_space<hbm>>) target_semaphore(%run_scoped3A : memref<!tpu.dma_semaphore, #tpu.memory_space<semaphore_mem>>)
          %dma_wait3A_153 = arith.constant 0 : i32
          %dma_wait3A_154 = tpu.memref_slice %arg4[%arg0, %multiple_of3A_147, %dma_wait3A_153] : memref<2x10000x128xf32, #tpu.memory_space<hbm>> -> memref<1x200x128xf32, #tpu.memory_space<hbm>>
          %dma_wait3A_155 = tpu.memref_squeeze %dma_wait3A_154 : memref<1x200x128xf32, #tpu.memory_space<hbm>> -> memref<200x128xf32, #tpu.memory_space<hbm>>
          %dma_wait3A_156 = arith.constant 0 : i32
          %dma_wait3A_157 = tpu.memref_slice %arg20[%multiple_of3A_147, %dma_wait3A_156] : memref<10000x128xf32, #tpu.memory_space<vmem_shared>> -> memref<200x128xf32, #tpu.memory_space<vmem_shared>>
          tpu.wait_dma2 semaphore(%run_scoped3A : memref<!tpu.dma_semaphore, #tpu.memory_space<semaphore_mem>>) src(%dma_wait3A_157 : memref<200x128xf32, #tpu.memory_space<vmem_shared>>) dst(%dma_wait3A_155 : memref<200x128xf32, #tpu.memory_space<hbm>>)
          tpu.yield
        }) : () -> ()
      } else {
      }
    }
    %scan3A_135 = arith.constant 4 : i32
    return
  }
}

#map = affine_map<(d0, d1) -> (0, 0)>
#map1 = affine_map<(d0, d1) -> (0, 0, 0)>
module attributes {stable_mosaic.version = 14 : i64} {
  func.func @_sc_agg_body(%arg0: i32, %arg1: i32, %arg2: memref<10000x128xf32, #tpu.memory_space<hbm>>, %arg3: memref<2x320000xi32, #tpu.memory_space<hbm>>, %arg4: memref<2x10000x128xf32, #tpu.memory_space<hbm>>, %arg5: memref<128xi32, #tpu.memory_space<vmem>>, %arg6: memref<128xi32, #tpu.memory_space<vmem>>, %arg7: memref<128xi32, #tpu.memory_space<vmem>>, %arg8: memref<128xi32, #tpu.memory_space<vmem>>, %arg9: memref<128xi32, #tpu.memory_space<vmem>>, %arg10: memref<128xi32, #tpu.memory_space<vmem>>, %arg11: memref<128xi32, #tpu.memory_space<vmem>>, %arg12: memref<128xi32, #tpu.memory_space<vmem>>, %arg13: memref<128xi32, #tpu.memory_space<vmem>>, %arg14: memref<128xi32, #tpu.memory_space<vmem>>, %arg15: memref<128xi32, #tpu.memory_space<vmem>>, %arg16: memref<128xi32, #tpu.memory_space<vmem>>, %arg17: memref<128x128xf32, #tpu.memory_space<vmem>>, %arg18: memref<128x128xf32, #tpu.memory_space<vmem>>, %arg19: memref<128x128xf32, #tpu.memory_space<vmem>>, %arg20: memref<10000x128xf32, #tpu.memory_space<vmem_shared>>, %arg21: memref<!tpu.dma_semaphore, #tpu.memory_space<semaphore_mem>>, %arg22: memref<!tpu.dma_semaphore, #tpu.memory_space<semaphore_mem>>, %arg23: memref<!tpu.dma_semaphore, #tpu.memory_space<semaphore_mem>>, %arg24: memref<!tpu.dma_semaphore, #tpu.memory_space<semaphore_mem>>, %arg25: memref<!tpu.dma_semaphore, #tpu.memory_space<semaphore_mem>>, %arg26: memref<!tpu.dma_semaphore, #tpu.memory_space<semaphore_mem>>, %arg27: memref<!tpu.dma_semaphore, #tpu.memory_space<semaphore_mem>>, %arg28: memref<!tpu.dma_semaphore, #tpu.memory_space<semaphore_mem>>, %arg29: memref<!tpu.dma_semaphore, #tpu.memory_space<semaphore_mem>>, %arg30: memref<!tpu.dma_semaphore, #tpu.memory_space<semaphore_mem>>, %arg31: memref<!tpu.dma_semaphore, #tpu.memory_space<semaphore_mem>>, %arg32: memref<!tpu.dma_semaphore, #tpu.memory_space<semaphore_mem>>) attributes {dimension_semantics = [#tpu.dimension_semantics<core_parallel>, #tpu.dimension_semantics<subcore_parallel>], iteration_bounds = array<i64: 2, 16>, scalar_prefetch = 0 : i64, scratch_operands = 28 : i64, tpu.core_type = #tpu.core_type<sc_vector_subcore>, window_params = [{transform_indices = #map}, {transform_indices = #map}, {transform_indices = #map1}]} {
    %mul3A = arith.constant 2 : i32
    %mul3A_0 = arith.muli %arg1, %mul3A : i32
    %add3A = arith.addi %mul3A_0, %arg0 : i32
    %broadcast_in_dim3A = arith.constant 0.000000e+00 : f32
    %broadcast_in_dim3A_1 = vector.broadcast %broadcast_in_dim3A : f32 to vector<16xf32>
    %scan3A = arith.constant 0 : i32
    %scan3A_2 = arith.constant 0 : i32
    %scan3A_3 = arith.constant 128 : i32
    %scan3A_4 = arith.addi %scan3A_2, %scan3A_3 : i32
    %scan3A_5 = arith.constant 1 : i32
    scf.for %scan3A_136 = %scan3A_2 to %scan3A_4 step %scan3A_5  : i32 {
      %swap3A = arith.index_cast %scan3A_136 : i32 to index
      %swap3A_137 = arith.constant 0 : index
      %swap3A_138 = tpu.vector_load %arg17[%swap3A, %swap3A_137] {strides = array<i32>} : memref<128x128xf32, #tpu.memory_space<vmem>>, vector<1x16xf32>,
      %swap3A_139 = vector.shape_cast %swap3A_138 : vector<1x16xf32> to vector<16xf32>
      %swap3A_140 = vector.shape_cast %broadcast_in_dim3A_1 : vector<16xf32> to vector<1x16xf32>
      tpu.vector_store %arg17[%swap3A, %swap3A_137], %swap3A_140 {strides = array<i32>} : memref<128x128xf32, #tpu.memory_space<vmem>>, vector<1x16xf32>,
      %swap3A_141 = arith.index_cast %scan3A_136 : i32 to index
      %swap3A_142 = arith.constant 16 : index
      %swap3A_143 = tpu.vector_load %arg17[%swap3A_141, %swap3A_142] {strides = array<i32>} : memref<128x128xf32, #tpu.memory_space<vmem>>, vector<1x16xf32>,
      %swap3A_144 = vector.shape_cast %swap3A_143 : vector<1x16xf32> to vector<16xf32>
      %swap3A_145 = vector.shape_cast %broadcast_in_dim3A_1 : vector<16xf32> to vector<1x16xf32>
      tpu.vector_store %arg17[%swap3A_141, %swap3A_142], %swap3A_145 {strides = array<i32>} : memref<128x128xf32, #tpu.memory_space<vmem>>, vector<1x16xf32>,
      %swap3A_146 = arith.index_cast %scan3A_136 : i32 to index
      %swap3A_147 = arith.constant 32 : index
      %swap3A_148 = tpu.vector_load %arg17[%swap3A_146, %swap3A_147] {strides = array<i32>} : memref<128x128xf32, #tpu.memory_space<vmem>>, vector<1x16xf32>,
      %swap3A_149 = vector.shape_cast %swap3A_148 : vector<1x16xf32> to vector<16xf32>
      %swap3A_150 = vector.shape_cast %broadcast_in_dim3A_1 : vector<16xf32> to vector<1x16xf32>
      tpu.vector_store %arg17[%swap3A_146, %swap3A_147], %swap3A_150 {strides = array<i32>} : memref<128x128xf32, #tpu.memory_space<vmem>>, vector<1x16xf32>,
      %swap3A_151 = arith.index_cast %scan3A_136 : i32 to index
      %swap3A_152 = arith.constant 48 : index
      %swap3A_153 = tpu.vector_load %arg17[%swap3A_151, %swap3A_152] {strides = array<i32>} : memref<128x128xf32, #tpu.memory_space<vmem>>, vector<1x16xf32>,
      %swap3A_154 = vector.shape_cast %swap3A_153 : vector<1x16xf32> to vector<16xf32>
      %swap3A_155 = vector.shape_cast %broadcast_in_dim3A_1 : vector<16xf32> to vector<1x16xf32>
      tpu.vector_store %arg17[%swap3A_151, %swap3A_152], %swap3A_155 {strides = array<i32>} : memref<128x128xf32, #tpu.memory_space<vmem>>, vector<1x16xf32>,
      %swap3A_156 = arith.index_cast %scan3A_136 : i32 to index
      %swap3A_157 = arith.constant 64 : index
      %swap3A_158 = tpu.vector_load %arg17[%swap3A_156, %swap3A_157] {strides = array<i32>} : memref<128x128xf32, #tpu.memory_space<vmem>>, vector<1x16xf32>,
      %swap3A_159 = vector.shape_cast %swap3A_158 : vector<1x16xf32> to vector<16xf32>
      %swap3A_160 = vector.shape_cast %broadcast_in_dim3A_1 : vector<16xf32> to vector<1x16xf32>
      tpu.vector_store %arg17[%swap3A_156, %swap3A_157], %swap3A_160 {strides = array<i32>} : memref<128x128xf32, #tpu.memory_space<vmem>>, vector<1x16xf32>,
      %swap3A_161 = arith.index_cast %scan3A_136 : i32 to index
      %swap3A_162 = arith.constant 80 : index
      %swap3A_163 = tpu.vector_load %arg17[%swap3A_161, %swap3A_162] {strides = array<i32>} : memref<128x128xf32, #tpu.memory_space<vmem>>, vector<1x16xf32>,
      %swap3A_164 = vector.shape_cast %swap3A_163 : vector<1x16xf32> to vector<16xf32>
      %swap3A_165 = vector.shape_cast %broadcast_in_dim3A_1 : vector<16xf32> to vector<1x16xf32>
      tpu.vector_store %arg17[%swap3A_161, %swap3A_162], %swap3A_165 {strides = array<i32>} : memref<128x128xf32, #tpu.memory_space<vmem>>, vector<1x16xf32>,
      %swap3A_166 = arith.index_cast %scan3A_136 : i32 to index
      %swap3A_167 = arith.constant 96 : index
      %swap3A_168 = tpu.vector_load %arg17[%swap3A_166, %swap3A_167] {strides = array<i32>} : memref<128x128xf32, #tpu.memory_space<vmem>>, vector<1x16xf32>,
      %swap3A_169 = vector.shape_cast %swap3A_168 : vector<1x16xf32> to vector<16xf32>
      %swap3A_170 = vector.shape_cast %broadcast_in_dim3A_1 : vector<16xf32> to vector<1x16xf32>
      tpu.vector_store %arg17[%swap3A_166, %swap3A_167], %swap3A_170 {strides = array<i32>} : memref<128x128xf32, #tpu.memory_space<vmem>>, vector<1x16xf32>,
      %swap3A_171 = arith.index_cast %scan3A_136 : i32 to index
      %swap3A_172 = arith.constant 112 : index
      %swap3A_173 = tpu.vector_load %arg17[%swap3A_171, %swap3A_172] {strides = array<i32>} : memref<128x128xf32, #tpu.memory_space<vmem>>, vector<1x16xf32>,
      %swap3A_174 = vector.shape_cast %swap3A_173 : vector<1x16xf32> to vector<16xf32>
      %swap3A_175 = vector.shape_cast %broadcast_in_dim3A_1 : vector<16xf32> to vector<1x16xf32>
      tpu.vector_store %arg17[%swap3A_171, %swap3A_172], %swap3A_175 {strides = array<i32>} : memref<128x128xf32, #tpu.memory_space<vmem>>, vector<1x16xf32>,
    }
    %scan3A_6 = arith.constant 128 : i32
    %scan3A_7 = arith.constant 0 : i32
    %scan3A_8 = arith.constant 0 : i32
    %scan3A_9 = arith.constant 5 : i32
    %scan3A_10 = arith.addi %scan3A_8, %scan3A_9 : i32
    %scan3A_11 = arith.constant 1 : i32
    scf.for %scan3A_136 = %scan3A_8 to %scan3A_10 step %scan3A_11  : i32 {
      %mul3A_137 = arith.constant 16 : i32
      %mul3A_138 = arith.muli %mul3A_137, %scan3A_136 : i32
      %add3A_139 = arith.addi %arg1, %mul3A_138 : i32
      %lt3A_140 = arith.constant 78 : i32
      %lt3A_141 = arith.cmpi slt, %add3A_139, %lt3A_140 : i32
      %convert_element_type3A_142 = arith.extui %lt3A_141 : i1 to i32
      %cond3A_143 = arith.constant 0 : i32
      %cond3A_144 = arith.cmpi ne, %convert_element_type3A_142, %cond3A_143 : i32
      scf.if %cond3A_144 {
        %mul3A_145 = arith.constant 128 : i32
        %mul3A_146 = arith.muli %add3A_139, %mul3A_145 : i32
        %multiple_of3A_147 = tpu.assume_multiple %mul3A_146, 8 : i32
        %eq3A_148 = arith.constant 0 : i32
        %eq3A_149 = arith.cmpi eq, %arg0, %eq3A_148 : i32
        %convert_element_type3A_150 = arith.extui %eq3A_149 : i1 to i32
        %cond3A_151 = arith.constant 0 : i32
        %cond3A_152 = arith.cmpi ne, %convert_element_type3A_150, %cond3A_151 : i32
        scf.if %cond3A_152 {
          "tpu.region"() ({
            %run_scoped3A = tpu.sem_alloc : memref<!tpu.dma_semaphore, #tpu.memory_space<semaphore_mem>>
            %dma_start3A_158 = arith.constant 0 : i32
            %dma_start3A_159 = tpu.memref_slice %arg20[%multiple_of3A_147, %dma_start3A_158] : memref<10000x128xf32, #tpu.memory_space<vmem_shared>> -> memref<128x128xf32, #tpu.memory_space<vmem_shared>>
            %dma_start3A_160 = arith.constant 0 : i32
            %dma_start3A_161 = tpu.memref_slice %arg2[%multiple_of3A_147, %dma_start3A_160] : memref<10000x128xf32, #tpu.memory_space<hbm>> -> memref<128x128xf32, #tpu.memory_space<hbm>>
            tpu.enqueue_dma source(%dma_start3A_161 : memref<128x128xf32, #tpu.memory_space<hbm>>) target(%dma_start3A_159 : memref<128x128xf32, #tpu.memory_space<vmem_shared>>) target_semaphore(%run_scoped3A : memref<!tpu.dma_semaphore, #tpu.memory_space<semaphore_mem>>)
            %dma_wait3A_162 = arith.constant 0 : i32
            %dma_wait3A_163 = tpu.memref_slice %arg20[%multiple_of3A_147, %dma_wait3A_162] : memref<10000x128xf32, #tpu.memory_space<vmem_shared>> -> memref<128x128xf32, #tpu.memory_space<vmem_shared>>
            %dma_wait3A_164 = arith.constant 0 : i32
            %dma_wait3A_165 = tpu.memref_slice %arg2[%multiple_of3A_147, %dma_wait3A_164] : memref<10000x128xf32, #tpu.memory_space<hbm>> -> memref<128x128xf32, #tpu.memory_space<hbm>>
            tpu.wait_dma2 semaphore(%run_scoped3A : memref<!tpu.dma_semaphore, #tpu.memory_space<semaphore_mem>>) src(%dma_wait3A_165 : memref<128x128xf32, #tpu.memory_space<hbm>>) dst(%dma_wait3A_163 : memref<128x128xf32, #tpu.memory_space<vmem_shared>>)
            tpu.yield
          }) : () -> ()
        } else {
        }
        %eq3A_153 = arith.constant 1 : i32
        %eq3A_154 = arith.cmpi eq, %arg0, %eq3A_153 : i32
        %convert_element_type3A_155 = arith.extui %eq3A_154 : i1 to i32
        %cond3A_156 = arith.constant 0 : i32
        %cond3A_157 = arith.cmpi ne, %convert_element_type3A_155, %cond3A_156 : i32
        scf.if %cond3A_157 {
          "tpu.region"() ({
            %run_scoped3A = tpu.sem_alloc : memref<!tpu.dma_semaphore, #tpu.memory_space<semaphore_mem>>
            %dma_start3A_158 = arith.constant 0 : i32
            %dma_start3A_159 = tpu.memref_slice %arg20[%multiple_of3A_147, %dma_start3A_158] : memref<10000x128xf32, #tpu.memory_space<vmem_shared>> -> memref<128x128xf32, #tpu.memory_space<vmem_shared>>
            %dma_start3A_160 = arith.constant 0 : i32
            %dma_start3A_161 = tpu.memref_slice %arg20[%multiple_of3A_147, %dma_start3A_160] : memref<10000x128xf32, #tpu.memory_space<vmem_shared>> -> memref<128x128xf32, #tpu.memory_space<vmem_shared>>
            tpu.enqueue_dma source(%arg17 : memref<128x128xf32, #tpu.memory_space<vmem>>) target(%dma_start3A_161 : memref<128x128xf32, #tpu.memory_space<vmem_shared>>) target_semaphore(%run_scoped3A : memref<!tpu.dma_semaphore, #tpu.memory_space<semaphore_mem>>)
            %dma_wait3A_162 = arith.constant 0 : i32
            %dma_wait3A_163 = tpu.memref_slice %arg20[%multiple_of3A_147, %dma_wait3A_162] : memref<10000x128xf32, #tpu.memory_space<vmem_shared>> -> memref<128x128xf32, #tpu.memory_space<vmem_shared>>
            %dma_wait3A_164 = arith.constant 0 : i32
            %dma_wait3A_165 = tpu.memref_slice %arg20[%multiple_of3A_147, %dma_wait3A_164] : memref<10000x128xf32, #tpu.memory_space<vmem_shared>> -> memref<128x128xf32, #tpu.memory_space<vmem_shared>>
            tpu.wait_dma2 semaphore(%run_scoped3A : memref<!tpu.dma_semaphore, #tpu.memory_space<semaphore_mem>>) src(%arg17 : memref<128x128xf32, #tpu.memory_space<vmem>>) dst(%dma_wait3A_165 : memref<128x128xf32, #tpu.memory_space<vmem_shared>>)
            tpu.yield
          }) : () -> ()
        } else {
        }
      } else {
      }
    }
    %scan3A_12 = arith.constant 5 : i32
    %eq3A = arith.constant 0 : i32
    %eq3A_13 = arith.cmpi eq, %arg1, %eq3A : i32
    %convert_element_type3A = arith.extui %eq3A_13 : i1 to i32
    %cond3A = arith.constant 0 : i32
    %cond3A_14 = arith.cmpi ne, %convert_element_type3A, %cond3A : i32
    scf.if %cond3A_14 {
      %multiple_of3A_136 = arith.constant 9984 : i32
      %multiple_of3A_137 = tpu.assume_multiple %multiple_of3A_136, 8 : i32
      %eq3A_138 = arith.constant 0 : i32
      %eq3A_139 = arith.cmpi eq, %arg0, %eq3A_138 : i32
      %convert_element_type3A_140 = arith.extui %eq3A_139 : i1 to i32
      %cond3A_141 = arith.constant 0 : i32
      %cond3A_142 = arith.cmpi ne, %convert_element_type3A_140, %cond3A_141 : i32
      scf.if %cond3A_142 {
        "tpu.region"() ({
          %run_scoped3A = tpu.sem_alloc : memref<!tpu.dma_semaphore, #tpu.memory_space<semaphore_mem>>
          %dma_start3A_148 = arith.constant 0 : i32
          %dma_start3A_149 = tpu.memref_slice %arg20[%multiple_of3A_137, %dma_start3A_148] : memref<10000x128xf32, #tpu.memory_space<vmem_shared>> -> memref<16x128xf32, #tpu.memory_space<vmem_shared>>
          %dma_start3A_150 = arith.constant 0 : i32
          %dma_start3A_151 = tpu.memref_slice %arg2[%multiple_of3A_137, %dma_start3A_150] : memref<10000x128xf32, #tpu.memory_space<hbm>> -> memref<16x128xf32, #tpu.memory_space<hbm>>
          tpu.enqueue_dma source(%dma_start3A_151 : memref<16x128xf32, #tpu.memory_space<hbm>>) target(%dma_start3A_149 : memref<16x128xf32, #tpu.memory_space<vmem_shared>>) target_semaphore(%run_scoped3A : memref<!tpu.dma_semaphore, #tpu.memory_space<semaphore_mem>>)
          %dma_wait3A_152 = arith.constant 0 : i32
          %dma_wait3A_153 = tpu.memref_slice %arg20[%multiple_of3A_137, %dma_wait3A_152] : memref<10000x128xf32, #tpu.memory_space<vmem_shared>> -> memref<16x128xf32, #tpu.memory_space<vmem_shared>>
          %dma_wait3A_154 = arith.constant 0 : i32
          %dma_wait3A_155 = tpu.memref_slice %arg2[%multiple_of3A_137, %dma_wait3A_154] : memref<10000x128xf32, #tpu.memory_space<hbm>> -> memref<16x128xf32, #tpu.memory_space<hbm>>
          tpu.wait_dma2 semaphore(%run_scoped3A : memref<!tpu.dma_semaphore, #tpu.memory_space<semaphore_mem>>) src(%dma_wait3A_155 : memref<16x128xf32, #tpu.memory_space<hbm>>) dst(%dma_wait3A_153 : memref<16x128xf32, #tpu.memory_space<vmem_shared>>)
          tpu.yield
        }) : () -> ()
      } else {
      }
      %eq3A_143 = arith.constant 1 : i32
      %eq3A_144 = arith.cmpi eq, %arg0, %eq3A_143 : i32
      %convert_element_type3A_145 = arith.extui %eq3A_144 : i1 to i32
      %cond3A_146 = arith.constant 0 : i32
      %cond3A_147 = arith.cmpi ne, %convert_element_type3A_145, %cond3A_146 : i32
      scf.if %cond3A_147 {
        "tpu.region"() ({
          %run_scoped3A = tpu.sem_alloc : memref<!tpu.dma_semaphore, #tpu.memory_space<semaphore_mem>>
          %dma_start3A_148 = arith.constant 0 : i32
          %dma_start3A_149 = arith.constant 0 : i32
          %dma_start3A_150 = tpu.memref_slice %arg17[%dma_start3A_148, %dma_start3A_149] : memref<128x128xf32, #tpu.memory_space<vmem>> -> memref<16x128xf32, #tpu.memory_space<vmem>>
          %dma_start3A_151 = arith.constant 0 : i32
          %dma_start3A_152 = tpu.memref_slice %arg20[%multiple_of3A_137, %dma_start3A_151] : memref<10000x128xf32, #tpu.memory_space<vmem_shared>> -> memref<16x128xf32, #tpu.memory_space<vmem_shared>>
          %dma_start3A_153 = arith.constant 0 : i32
          %dma_start3A_154 = tpu.memref_slice %arg20[%multiple_of3A_137, %dma_start3A_153] : memref<10000x128xf32, #tpu.memory_space<vmem_shared>> -> memref<16x128xf32, #tpu.memory_space<vmem_shared>>
          %dma_start3A_155 = arith.constant 0 : i32
          %dma_start3A_156 = arith.constant 0 : i32
          %dma_start3A_157 = tpu.memref_slice %arg17[%dma_start3A_155, %dma_start3A_156] : memref<128x128xf32, #tpu.memory_space<vmem>> -> memref<16x128xf32, #tpu.memory_space<vmem>>
          tpu.enqueue_dma source(%dma_start3A_157 : memref<16x128xf32, #tpu.memory_space<vmem>>) target(%dma_start3A_154 : memref<16x128xf32, #tpu.memory_space<vmem_shared>>) target_semaphore(%run_scoped3A : memref<!tpu.dma_semaphore, #tpu.memory_space<semaphore_mem>>)
          %dma_wait3A_158 = arith.constant 0 : i32
          %dma_wait3A_159 = arith.constant 0 : i32
          %dma_wait3A_160 = tpu.memref_slice %arg17[%dma_wait3A_158, %dma_wait3A_159] : memref<128x128xf32, #tpu.memory_space<vmem>> -> memref<16x128xf32, #tpu.memory_space<vmem>>
          %dma_wait3A_161 = arith.constant 0 : i32
          %dma_wait3A_162 = tpu.memref_slice %arg20[%multiple_of3A_137, %dma_wait3A_161] : memref<10000x128xf32, #tpu.memory_space<vmem_shared>> -> memref<16x128xf32, #tpu.memory_space<vmem_shared>>
          %dma_wait3A_163 = arith.constant 0 : i32
          %dma_wait3A_164 = tpu.memref_slice %arg20[%multiple_of3A_137, %dma_wait3A_163] : memref<10000x128xf32, #tpu.memory_space<vmem_shared>> -> memref<16x128xf32, #tpu.memory_space<vmem_shared>>
          %dma_wait3A_165 = arith.constant 0 : i32
          %dma_wait3A_166 = arith.constant 0 : i32
          %dma_wait3A_167 = tpu.memref_slice %arg17[%dma_wait3A_165, %dma_wait3A_166] : memref<128x128xf32, #tpu.memory_space<vmem>> -> memref<16x128xf32, #tpu.memory_space<vmem>>
          tpu.wait_dma2 semaphore(%run_scoped3A : memref<!tpu.dma_semaphore, #tpu.memory_space<semaphore_mem>>) src(%dma_wait3A_167 : memref<16x128xf32, #tpu.memory_space<vmem>>) dst(%dma_wait3A_164 : memref<16x128xf32, #tpu.memory_space<vmem_shared>>)
          tpu.yield
        }) : () -> ()
      } else {
      }
    } else {
    }
    %barrier3A = arith.constant 0 : index
    tpu.barrier barrier_id(%barrier3A)
    %add3A_15 = arith.constant 0 : i32
    %add3A_16 = arith.addi %add3A, %add3A_15 : i32
    %mul3A_17 = arith.constant 128 : i32
    %mul3A_18 = arith.muli %add3A_16, %mul3A_17 : i32
    %multiple_of3A = tpu.assume_multiple %mul3A_18, 8 : i32
    %dma_start3A = arith.constant 0 : i32
    %dma_start3A_19 = tpu.memref_slice %arg3[%dma_start3A, %multiple_of3A] : memref<2x320000xi32, #tpu.memory_space<hbm>> -> memref<1x128xi32, #tpu.memory_space<hbm>>
    %dma_start3A_20 = tpu.memref_squeeze %dma_start3A_19 : memref<1x128xi32, #tpu.memory_space<hbm>> -> memref<128xi32, #tpu.memory_space<hbm>>
    %dma_start3A_21 = tpu.memref_slice %arg3[%dma_start3A, %multiple_of3A] : memref<2x320000xi32, #tpu.memory_space<hbm>> -> memref<1x128xi32, #tpu.memory_space<hbm>>
    %dma_start3A_22 = tpu.memref_squeeze %dma_start3A_21 : memref<1x128xi32, #tpu.memory_space<hbm>> -> memref<128xi32, #tpu.memory_space<hbm>>
    tpu.enqueue_dma source(%dma_start3A_22 : memref<128xi32, #tpu.memory_space<hbm>>) target(%arg5 : memref<128xi32, #tpu.memory_space<vmem>>) target_semaphore(%arg24 : memref<!tpu.dma_semaphore, #tpu.memory_space<semaphore_mem>>)
    %dma_start3A_23 = arith.constant 1 : i32
    %dma_start3A_24 = tpu.memref_slice %arg3[%dma_start3A_23, %multiple_of3A] : memref<2x320000xi32, #tpu.memory_space<hbm>> -> memref<1x128xi32, #tpu.memory_space<hbm>>
    %dma_start3A_25 = tpu.memref_squeeze %dma_start3A_24 : memref<1x128xi32, #tpu.memory_space<hbm>> -> memref<128xi32, #tpu.memory_space<hbm>>
    %dma_start3A_26 = tpu.memref_slice %arg3[%dma_start3A_23, %multiple_of3A] : memref<2x320000xi32, #tpu.memory_space<hbm>> -> memref<1x128xi32, #tpu.memory_space<hbm>>
    %dma_start3A_27 = tpu.memref_squeeze %dma_start3A_26 : memref<1x128xi32, #tpu.memory_space<hbm>> -> memref<128xi32, #tpu.memory_space<hbm>>
    tpu.enqueue_dma source(%dma_start3A_27 : memref<128xi32, #tpu.memory_space<hbm>>) target(%arg11 : memref<128xi32, #tpu.memory_space<vmem>>) target_semaphore(%arg24 : memref<!tpu.dma_semaphore, #tpu.memory_space<semaphore_mem>>)
    %add3A_28 = arith.constant 32 : i32
    %add3A_29 = arith.addi %add3A, %add3A_28 : i32
    %mul3A_30 = arith.constant 128 : i32
    %mul3A_31 = arith.muli %add3A_29, %mul3A_30 : i32
    %multiple_of3A_32 = tpu.assume_multiple %mul3A_31, 8 : i32
    %dma_start3A_33 = arith.constant 0 : i32
    %dma_start3A_34 = tpu.memref_slice %arg3[%dma_start3A_33, %multiple_of3A_32] : memref<2x320000xi32, #tpu.memory_space<hbm>> -> memref<1x128xi32, #tpu.memory_space<hbm>>
    %dma_start3A_35 = tpu.memref_squeeze %dma_start3A_34 : memref<1x128xi32, #tpu.memory_space<hbm>> -> memref<128xi32, #tpu.memory_space<hbm>>
    %dma_start3A_36 = tpu.memref_slice %arg3[%dma_start3A_33, %multiple_of3A_32] : memref<2x320000xi32, #tpu.memory_space<hbm>> -> memref<1x128xi32, #tpu.memory_space<hbm>>
    %dma_start3A_37 = tpu.memref_squeeze %dma_start3A_36 : memref<1x128xi32, #tpu.memory_space<hbm>> -> memref<128xi32, #tpu.memory_space<hbm>>
    tpu.enqueue_dma source(%dma_start3A_37 : memref<128xi32, #tpu.memory_space<hbm>>) target(%arg6 : memref<128xi32, #tpu.memory_space<vmem>>) target_semaphore(%arg25 : memref<!tpu.dma_semaphore, #tpu.memory_space<semaphore_mem>>)
    %dma_start3A_38 = arith.constant 1 : i32
    %dma_start3A_39 = tpu.memref_slice %arg3[%dma_start3A_38, %multiple_of3A_32] : memref<2x320000xi32, #tpu.memory_space<hbm>> -> memref<1x128xi32, #tpu.memory_space<hbm>>
    %dma_start3A_40 = tpu.memref_squeeze %dma_start3A_39 : memref<1x128xi32, #tpu.memory_space<hbm>> -> memref<128xi32, #tpu.memory_space<hbm>>
    %dma_start3A_41 = tpu.memref_slice %arg3[%dma_start3A_38, %multiple_of3A_32] : memref<2x320000xi32, #tpu.memory_space<hbm>> -> memref<1x128xi32, #tpu.memory_space<hbm>>
    %dma_start3A_42 = tpu.memref_squeeze %dma_start3A_41 : memref<1x128xi32, #tpu.memory_space<hbm>> -> memref<128xi32, #tpu.memory_space<hbm>>
    tpu.enqueue_dma source(%dma_start3A_42 : memref<128xi32, #tpu.memory_space<hbm>>) target(%arg12 : memref<128xi32, #tpu.memory_space<vmem>>) target_semaphore(%arg25 : memref<!tpu.dma_semaphore, #tpu.memory_space<semaphore_mem>>)
    %add3A_43 = arith.constant 64 : i32
    %add3A_44 = arith.addi %add3A, %add3A_43 : i32
    %mul3A_45 = arith.constant 128 : i32
    %mul3A_46 = arith.muli %add3A_44, %mul3A_45 : i32
    %multiple_of3A_47 = tpu.assume_multiple %mul3A_46, 8 : i32
    %dma_start3A_48 = arith.constant 0 : i32
    %dma_start3A_49 = tpu.memref_slice %arg3[%dma_start3A_48, %multiple_of3A_47] : memref<2x320000xi32, #tpu.memory_space<hbm>> -> memref<1x128xi32, #tpu.memory_space<hbm>>
    %dma_start3A_50 = tpu.memref_squeeze %dma_start3A_49 : memref<1x128xi32, #tpu.memory_space<hbm>> -> memref<128xi32, #tpu.memory_space<hbm>>
    %dma_start3A_51 = tpu.memref_slice %arg3[%dma_start3A_48, %multiple_of3A_47] : memref<2x320000xi32, #tpu.memory_space<hbm>> -> memref<1x128xi32, #tpu.memory_space<hbm>>
    %dma_start3A_52 = tpu.memref_squeeze %dma_start3A_51 : memref<1x128xi32, #tpu.memory_space<hbm>> -> memref<128xi32, #tpu.memory_space<hbm>>
    tpu.enqueue_dma source(%dma_start3A_52 : memref<128xi32, #tpu.memory_space<hbm>>) target(%arg7 : memref<128xi32, #tpu.memory_space<vmem>>) target_semaphore(%arg26 : memref<!tpu.dma_semaphore, #tpu.memory_space<semaphore_mem>>)
    %dma_start3A_53 = arith.constant 1 : i32
    %dma_start3A_54 = tpu.memref_slice %arg3[%dma_start3A_53, %multiple_of3A_47] : memref<2x320000xi32, #tpu.memory_space<hbm>> -> memref<1x128xi32, #tpu.memory_space<hbm>>
    %dma_start3A_55 = tpu.memref_squeeze %dma_start3A_54 : memref<1x128xi32, #tpu.memory_space<hbm>> -> memref<128xi32, #tpu.memory_space<hbm>>
    %dma_start3A_56 = tpu.memref_slice %arg3[%dma_start3A_53, %multiple_of3A_47] : memref<2x320000xi32, #tpu.memory_space<hbm>> -> memref<1x128xi32, #tpu.memory_space<hbm>>
    %dma_start3A_57 = tpu.memref_squeeze %dma_start3A_56 : memref<1x128xi32, #tpu.memory_space<hbm>> -> memref<128xi32, #tpu.memory_space<hbm>>
    tpu.enqueue_dma source(%dma_start3A_57 : memref<128xi32, #tpu.memory_space<hbm>>) target(%arg13 : memref<128xi32, #tpu.memory_space<vmem>>) target_semaphore(%arg26 : memref<!tpu.dma_semaphore, #tpu.memory_space<semaphore_mem>>)
    %add3A_58 = arith.constant 96 : i32
    %add3A_59 = arith.addi %add3A, %add3A_58 : i32
    %mul3A_60 = arith.constant 128 : i32
    %mul3A_61 = arith.muli %add3A_59, %mul3A_60 : i32
    %multiple_of3A_62 = tpu.assume_multiple %mul3A_61, 8 : i32
    %dma_start3A_63 = arith.constant 0 : i32
    %dma_start3A_64 = tpu.memref_slice %arg3[%dma_start3A_63, %multiple_of3A_62] : memref<2x320000xi32, #tpu.memory_space<hbm>> -> memref<1x128xi32, #tpu.memory_space<hbm>>
    %dma_start3A_65 = tpu.memref_squeeze %dma_start3A_64 : memref<1x128xi32, #tpu.memory_space<hbm>> -> memref<128xi32, #tpu.memory_space<hbm>>
    %dma_start3A_66 = tpu.memref_slice %arg3[%dma_start3A_63, %multiple_of3A_62] : memref<2x320000xi32, #tpu.memory_space<hbm>> -> memref<1x128xi32, #tpu.memory_space<hbm>>
    %dma_start3A_67 = tpu.memref_squeeze %dma_start3A_66 : memref<1x128xi32, #tpu.memory_space<hbm>> -> memref<128xi32, #tpu.memory_space<hbm>>
    tpu.enqueue_dma source(%dma_start3A_67 : memref<128xi32, #tpu.memory_space<hbm>>) target(%arg8 : memref<128xi32, #tpu.memory_space<vmem>>) target_semaphore(%arg27 : memref<!tpu.dma_semaphore, #tpu.memory_space<semaphore_mem>>)
    %dma_start3A_68 = arith.constant 1 : i32
    %dma_start3A_69 = tpu.memref_slice %arg3[%dma_start3A_68, %multiple_of3A_62] : memref<2x320000xi32, #tpu.memory_space<hbm>> -> memref<1x128xi32, #tpu.memory_space<hbm>>
    %dma_start3A_70 = tpu.memref_squeeze %dma_start3A_69 : memref<1x128xi32, #tpu.memory_space<hbm>> -> memref<128xi32, #tpu.memory_space<hbm>>
    %dma_start3A_71 = tpu.memref_slice %arg3[%dma_start3A_68, %multiple_of3A_62] : memref<2x320000xi32, #tpu.memory_space<hbm>> -> memref<1x128xi32, #tpu.memory_space<hbm>>
    %dma_start3A_72 = tpu.memref_squeeze %dma_start3A_71 : memref<1x128xi32, #tpu.memory_space<hbm>> -> memref<128xi32, #tpu.memory_space<hbm>>
    tpu.enqueue_dma source(%dma_start3A_72 : memref<128xi32, #tpu.memory_space<hbm>>) target(%arg14 : memref<128xi32, #tpu.memory_space<vmem>>) target_semaphore(%arg27 : memref<!tpu.dma_semaphore, #tpu.memory_space<semaphore_mem>>)
    %add3A_73 = arith.constant 0 : i32
    %add3A_74 = arith.addi %add3A, %add3A_73 : i32
    %mul3A_75 = arith.constant 128 : i32
    %mul3A_76 = arith.muli %add3A_74, %mul3A_75 : i32
    %multiple_of3A_77 = tpu.assume_multiple %mul3A_76, 8 : i32
    %dma_wait3A = arith.constant 0 : i32
    %dma_wait3A_78 = tpu.memref_slice %arg3[%dma_wait3A, %multiple_of3A_77] : memref<2x320000xi32, #tpu.memory_space<hbm>> -> memref<1x128xi32, #tpu.memory_space<hbm>>
    %dma_wait3A_79 = tpu.memref_squeeze %dma_wait3A_78 : memref<1x128xi32, #tpu.memory_space<hbm>> -> memref<128xi32, #tpu.memory_space<hbm>>
    %dma_wait3A_80 = tpu.memref_slice %arg3[%dma_wait3A, %multiple_of3A_77] : memref<2x320000xi32, #tpu.memory_space<hbm>> -> memref<1x128xi32, #tpu.memory_space<hbm>>
    %dma_wait3A_81 = tpu.memref_squeeze %dma_wait3A_80 : memref<1x128xi32, #tpu.memory_space<hbm>> -> memref<128xi32, #tpu.memory_space<hbm>>
    tpu.wait_dma2 semaphore(%arg24 : memref<!tpu.dma_semaphore, #tpu.memory_space<semaphore_mem>>) src(%dma_wait3A_81 : memref<128xi32, #tpu.memory_space<hbm>>) dst(%arg5 : memref<128xi32, #tpu.memory_space<vmem>>)
    %dma_wait3A_82 = arith.constant 1 : i32
    %dma_wait3A_83 = tpu.memref_slice %arg3[%dma_wait3A_82, %multiple_of3A_77] : memref<2x320000xi32, #tpu.memory_space<hbm>> -> memref<1x128xi32, #tpu.memory_space<hbm>>
    %dma_wait3A_84 = tpu.memref_squeeze %dma_wait3A_83 : memref<1x128xi32, #tpu.memory_space<hbm>> -> memref<128xi32, #tpu.memory_space<hbm>>
    %dma_wait3A_85 = tpu.memref_slice %arg3[%dma_wait3A_82, %multiple_of3A_77] : memref<2x320000xi32, #tpu.memory_space<hbm>> -> memref<1x128xi32, #tpu.memory_space<hbm>>
    %dma_wait3A_86 = tpu.memref_squeeze %dma_wait3A_85 : memref<1x128xi32, #tpu.memory_space<hbm>> -> memref<128xi32, #tpu.memory_space<hbm>>
    tpu.wait_dma2 semaphore(%arg24 : memref<!tpu.dma_semaphore, #tpu.memory_space<semaphore_mem>>) src(%dma_wait3A_86 : memref<128xi32, #tpu.memory_space<hbm>>) dst(%arg11 : memref<128xi32, #tpu.memory_space<vmem>>)
    %dma_start3A_87 = arith.constant 0 : i32
    %dma_start3A_88 = arith.constant 0 : i32
    %dma_start3A_89 = tpu.memref_slice %arg2[%dma_start3A_87, %dma_start3A_88] : memref<10000x128xf32, #tpu.memory_space<hbm>> -> memref<10000x128xf32, #tpu.memory_space<hbm>>
    tpu.enqueue_indirect_dma source(%dma_start3A_89 : memref<10000x128xf32, #tpu.memory_space<hbm>>) target(%arg17 : memref<128x128xf32, #tpu.memory_space<vmem>>) offsets(%arg5 : memref<128xi32, #tpu.memory_space<vmem>>) semaphore(%arg21 : memref<!tpu.dma_semaphore, #tpu.memory_space<semaphore_mem>>)
    %add3A_90 = arith.constant 32 : i32
    %add3A_91 = arith.addi %add3A, %add3A_90 : i32
    %mul3A_92 = arith.constant 128 : i32
    %mul3A_93 = arith.muli %add3A_91, %mul3A_92 : i32
    %multiple_of3A_94 = tpu.assume_multiple %mul3A_93, 8 : i32
    %dma_wait3A_95 = arith.constant 0 : i32
    %dma_wait3A_96 = tpu.memref_slice %arg3[%dma_wait3A_95, %multiple_of3A_94] : memref<2x320000xi32, #tpu.memory_space<hbm>> -> memref<1x128xi32, #tpu.memory_space<hbm>>
    %dma_wait3A_97 = tpu.memref_squeeze %dma_wait3A_96 : memref<1x128xi32, #tpu.memory_space<hbm>> -> memref<128xi32, #tpu.memory_space<hbm>>
    %dma_wait3A_98 = tpu.memref_slice %arg3[%dma_wait3A_95, %multiple_of3A_94] : memref<2x320000xi32, #tpu.memory_space<hbm>> -> memref<1x128xi32, #tpu.memory_space<hbm>>
    %dma_wait3A_99 = tpu.memref_squeeze %dma_wait3A_98 : memref<1x128xi32, #tpu.memory_space<hbm>> -> memref<128xi32, #tpu.memory_space<hbm>>
    tpu.wait_dma2 semaphore(%arg25 : memref<!tpu.dma_semaphore, #tpu.memory_space<semaphore_mem>>) src(%dma_wait3A_99 : memref<128xi32, #tpu.memory_space<hbm>>) dst(%arg6 : memref<128xi32, #tpu.memory_space<vmem>>)
    %dma_wait3A_100 = arith.constant 1 : i32
    %dma_wait3A_101 = tpu.memref_slice %arg3[%dma_wait3A_100, %multiple_of3A_94] : memref<2x320000xi32, #tpu.memory_space<hbm>> -> memref<1x128xi32, #tpu.memory_space<hbm>>
    %dma_wait3A_102 = tpu.memref_squeeze %dma_wait3A_101 : memref<1x128xi32, #tpu.memory_space<hbm>> -> memref<128xi32, #tpu.memory_space<hbm>>
    %dma_wait3A_103 = tpu.memref_slice %arg3[%dma_wait3A_100, %multiple_of3A_94] : memref<2x320000xi32, #tpu.memory_space<hbm>> -> memref<1x128xi32, #tpu.memory_space<hbm>>
    %dma_wait3A_104 = tpu.memref_squeeze %dma_wait3A_103 : memref<1x128xi32, #tpu.memory_space<hbm>> -> memref<128xi32, #tpu.memory_space<hbm>>
    tpu.wait_dma2 semaphore(%arg25 : memref<!tpu.dma_semaphore, #tpu.memory_space<semaphore_mem>>) src(%dma_wait3A_104 : memref<128xi32, #tpu.memory_space<hbm>>) dst(%arg12 : memref<128xi32, #tpu.memory_space<vmem>>)
    %dma_start3A_105 = arith.constant 0 : i32
    %dma_start3A_106 = arith.constant 0 : i32
    %dma_start3A_107 = tpu.memref_slice %arg2[%dma_start3A_105, %dma_start3A_106] : memref<10000x128xf32, #tpu.memory_space<hbm>> -> memref<10000x128xf32, #tpu.memory_space<hbm>>
    tpu.enqueue_indirect_dma source(%dma_start3A_107 : memref<10000x128xf32, #tpu.memory_space<hbm>>) target(%arg18 : memref<128x128xf32, #tpu.memory_space<vmem>>) offsets(%arg6 : memref<128xi32, #tpu.memory_space<vmem>>) semaphore(%arg22 : memref<!tpu.dma_semaphore, #tpu.memory_space<semaphore_mem>>)
    %scan3A_108 = arith.constant 0 : i32
    %scan3A_109 = arith.constant 0 : i32
    %scan3A_110 = arith.constant 13 : i32
    %scan3A_111 = arith.addi %scan3A_109, %scan3A_110 : i32
    %scan3A_112 = arith.constant 1 : i32
    scf.for %scan3A_136 = %scan3A_109 to %scan3A_111 step %scan3A_112  : i32 {
      %mul3A_137 = arith.constant 6 : i32
      %mul3A_138 = arith.muli %mul3A_137, %scan3A_136 : i32
      %add3A_139 = arith.constant 0 : i32
      %add3A_140 = arith.addi %mul3A_138, %add3A_139 : i32
      %dma_wait3A_141 = arith.constant 0 : i32
      %dma_wait3A_142 = arith.constant 0 : i32
      %dma_wait3A_143 = tpu.memref_slice %arg2[%dma_wait3A_141, %dma_wait3A_142] : memref<10000x128xf32, #tpu.memory_space<hbm>> -> memref<10000x128xf32, #tpu.memory_space<hbm>>
      tpu.wait_indirect_dma semaphore(%arg21 : memref<!tpu.dma_semaphore, #tpu.memory_space<semaphore_mem>>) src(%dma_wait3A_143 : memref<10000x128xf32, #tpu.memory_space<hbm>>) dst(%arg17 : memref<128x128xf32, #tpu.memory_space<vmem>>)
      %dma_start3A_144 = arith.constant 0 : i32
      %dma_start3A_145 = arith.constant 0 : i32
      %dma_start3A_146 = tpu.memref_slice %arg20[%dma_start3A_144, %dma_start3A_145] : memref<10000x128xf32, #tpu.memory_space<vmem_shared>> -> memref<10000x128xf32, #tpu.memory_space<vmem_shared>>
      tpu.enqueue_indirect_dma source(%arg17 : memref<128x128xf32, #tpu.memory_space<vmem>>) target(%dma_start3A_146 : memref<10000x128xf32, #tpu.memory_space<vmem_shared>>) offsets(%arg11 : memref<128xi32, #tpu.memory_space<vmem>>) semaphore(%arg30 : memref<!tpu.dma_semaphore, #tpu.memory_space<semaphore_mem>>) {add = true}
      %add3A_147 = arith.constant 4 : i32
      %add3A_148 = arith.addi %add3A_140, %add3A_147 : i32
      %lt3A_149 = arith.constant 78 : i32
      %lt3A_150 = arith.cmpi slt, %add3A_148, %lt3A_149 : i32
      %convert_element_type3A_151 = arith.extui %lt3A_150 : i1 to i32
      %cond3A_152 = arith.constant 0 : i32
      %cond3A_153 = arith.cmpi ne, %convert_element_type3A_151, %cond3A_152 : i32
      scf.if %cond3A_153 {
        %add3A_281 = arith.constant 4 : i32
        %add3A_282 = arith.addi %add3A_140, %add3A_281 : i32
        %mul3A_283 = arith.constant 32 : i32
        %mul3A_284 = arith.muli %add3A_282, %mul3A_283 : i32
        %add3A_285 = arith.addi %add3A, %mul3A_284 : i32
        %mul3A_286 = arith.constant 128 : i32
        %mul3A_287 = arith.muli %add3A_285, %mul3A_286 : i32
        %multiple_of3A_288 = tpu.assume_multiple %mul3A_287, 8 : i32
        %dma_start3A_289 = arith.constant 0 : i32
        %dma_start3A_290 = tpu.memref_slice %arg3[%dma_start3A_289, %multiple_of3A_288] : memref<2x320000xi32, #tpu.memory_space<hbm>> -> memref<1x128xi32, #tpu.memory_space<hbm>>
        %dma_start3A_291 = tpu.memref_squeeze %dma_start3A_290 : memref<1x128xi32, #tpu.memory_space<hbm>> -> memref<128xi32, #tpu.memory_space<hbm>>
        %dma_start3A_292 = tpu.memref_slice %arg3[%dma_start3A_289, %multiple_of3A_288] : memref<2x320000xi32, #tpu.memory_space<hbm>> -> memref<1x128xi32, #tpu.memory_space<hbm>>
        %dma_start3A_293 = tpu.memref_squeeze %dma_start3A_292 : memref<1x128xi32, #tpu.memory_space<hbm>> -> memref<128xi32, #tpu.memory_space<hbm>>
        tpu.enqueue_dma source(%dma_start3A_293 : memref<128xi32, #tpu.memory_space<hbm>>) target(%arg9 : memref<128xi32, #tpu.memory_space<vmem>>) target_semaphore(%arg28 : memref<!tpu.dma_semaphore, #tpu.memory_space<semaphore_mem>>)
        %dma_start3A_294 = arith.constant 1 : i32
        %dma_start3A_295 = tpu.memref_slice %arg3[%dma_start3A_294, %multiple_of3A_288] : memref<2x320000xi32, #tpu.memory_space<hbm>> -> memref<1x128xi32, #tpu.memory_space<hbm>>
        %dma_start3A_296 = tpu.memref_squeeze %dma_start3A_295 : memref<1x128xi32, #tpu.memory_space<hbm>> -> memref<128xi32, #tpu.memory_space<hbm>>
        %dma_start3A_297 = tpu.memref_slice %arg3[%dma_start3A_294, %multiple_of3A_288] : memref<2x320000xi32, #tpu.memory_space<hbm>> -> memref<1x128xi32, #tpu.memory_space<hbm>>
        %dma_start3A_298 = tpu.memref_squeeze %dma_start3A_297 : memref<1x128xi32, #tpu.memory_space<hbm>> -> memref<128xi32, #tpu.memory_space<hbm>>
        tpu.enqueue_dma source(%dma_start3A_298 : memref<128xi32, #tpu.memory_space<hbm>>) target(%arg15 : memref<128xi32, #tpu.memory_space<vmem>>) target_semaphore(%arg28 : memref<!tpu.dma_semaphore, #tpu.memory_space<semaphore_mem>>)
      } else {
      }
      %add3A_154 = arith.constant 2 : i32
      %add3A_155 = arith.addi %add3A_140, %add3A_154 : i32
      %lt3A_156 = arith.constant 78 : i32
      %lt3A_157 = arith.cmpi slt, %add3A_155, %lt3A_156 : i32
      %convert_element_type3A_158 = arith.extui %lt3A_157 : i1 to i32
      %cond3A_159 = arith.constant 0 : i32
      %cond3A_160 = arith.cmpi ne, %convert_element_type3A_158, %cond3A_159 : i32
      scf.if %cond3A_160 {
        %add3A_281 = arith.constant 2 : i32
        %add3A_282 = arith.addi %add3A_140, %add3A_281 : i32
        %mul3A_283 = arith.constant 32 : i32
        %mul3A_284 = arith.muli %add3A_282, %mul3A_283 : i32
        %add3A_285 = arith.addi %add3A, %mul3A_284 : i32
        %mul3A_286 = arith.constant 128 : i32
        %mul3A_287 = arith.muli %add3A_285, %mul3A_286 : i32
        %multiple_of3A_288 = tpu.assume_multiple %mul3A_287, 8 : i32
        %dma_wait3A_289 = arith.constant 0 : i32
        %dma_wait3A_290 = tpu.memref_slice %arg3[%dma_wait3A_289, %multiple_of3A_288] : memref<2x320000xi32, #tpu.memory_space<hbm>> -> memref<1x128xi32, #tpu.memory_space<hbm>>
        %dma_wait3A_291 = tpu.memref_squeeze %dma_wait3A_290 : memref<1x128xi32, #tpu.memory_space<hbm>> -> memref<128xi32, #tpu.memory_space<hbm>>
        %dma_wait3A_292 = tpu.memref_slice %arg3[%dma_wait3A_289, %multiple_of3A_288] : memref<2x320000xi32, #tpu.memory_space<hbm>> -> memref<1x128xi32, #tpu.memory_space<hbm>>
        %dma_wait3A_293 = tpu.memref_squeeze %dma_wait3A_292 : memref<1x128xi32, #tpu.memory_space<hbm>> -> memref<128xi32, #tpu.memory_space<hbm>>
        tpu.wait_dma2 semaphore(%arg26 : memref<!tpu.dma_semaphore, #tpu.memory_space<semaphore_mem>>) src(%dma_wait3A_293 : memref<128xi32, #tpu.memory_space<hbm>>) dst(%arg7 : memref<128xi32, #tpu.memory_space<vmem>>)
        %dma_wait3A_294 = arith.constant 1 : i32
        %dma_wait3A_295 = tpu.memref_slice %arg3[%dma_wait3A_294, %multiple_of3A_288] : memref<2x320000xi32, #tpu.memory_space<hbm>> -> memref<1x128xi32, #tpu.memory_space<hbm>>
        %dma_wait3A_296 = tpu.memref_squeeze %dma_wait3A_295 : memref<1x128xi32, #tpu.memory_space<hbm>> -> memref<128xi32, #tpu.memory_space<hbm>>
        %dma_wait3A_297 = tpu.memref_slice %arg3[%dma_wait3A_294, %multiple_of3A_288] : memref<2x320000xi32, #tpu.memory_space<hbm>> -> memref<1x128xi32, #tpu.memory_space<hbm>>
        %dma_wait3A_298 = tpu.memref_squeeze %dma_wait3A_297 : memref<1x128xi32, #tpu.memory_space<hbm>> -> memref<128xi32, #tpu.memory_space<hbm>>
        tpu.wait_dma2 semaphore(%arg26 : memref<!tpu.dma_semaphore, #tpu.memory_space<semaphore_mem>>) src(%dma_wait3A_298 : memref<128xi32, #tpu.memory_space<hbm>>) dst(%arg13 : memref<128xi32, #tpu.memory_space<vmem>>)
        %ge3A = arith.constant 1 : i32
        %ge3A_299 = arith.cmpi sge, %add3A_140, %ge3A : i32
        %convert_element_type3A_300 = arith.extui %ge3A_299 : i1 to i32
        %cond3A_301 = arith.constant 0 : i32
        %cond3A_302 = arith.cmpi ne, %convert_element_type3A_300, %cond3A_301 : i32
        scf.if %cond3A_302 {
          %dma_wait3A_306 = arith.constant 0 : i32
          %dma_wait3A_307 = arith.constant 0 : i32
          %dma_wait3A_308 = tpu.memref_slice %arg20[%dma_wait3A_306, %dma_wait3A_307] : memref<10000x128xf32, #tpu.memory_space<vmem_shared>> -> memref<10000x128xf32, #tpu.memory_space<vmem_shared>>
          tpu.wait_indirect_dma semaphore(%arg32 : memref<!tpu.dma_semaphore, #tpu.memory_space<semaphore_mem>>) src(%arg19 : memref<128x128xf32, #tpu.memory_space<vmem>>) dst(%dma_wait3A_308 : memref<10000x128xf32, #tpu.memory_space<vmem_shared>>)
        } else {
        }
        %dma_start3A_303 = arith.constant 0 : i32
        %dma_start3A_304 = arith.constant 0 : i32
        %dma_start3A_305 = tpu.memref_slice %arg2[%dma_start3A_303, %dma_start3A_304] : memref<10000x128xf32, #tpu.memory_space<hbm>> -> memref<10000x128xf32, #tpu.memory_space<hbm>>
        tpu.enqueue_indirect_dma source(%dma_start3A_305 : memref<10000x128xf32, #tpu.memory_space<hbm>>) target(%arg19 : memref<128x128xf32, #tpu.memory_space<vmem>>) offsets(%arg7 : memref<128xi32, #tpu.memory_space<vmem>>) semaphore(%arg23 : memref<!tpu.dma_semaphore, #tpu.memory_space<semaphore_mem>>)
      } else {
      }
      %mul3A_161 = arith.constant 6 : i32
      %mul3A_162 = arith.muli %mul3A_161, %scan3A_136 : i32
      %add3A_163 = arith.constant 1 : i32
      %add3A_164 = arith.addi %mul3A_162, %add3A_163 : i32
      %dma_wait3A_165 = arith.constant 0 : i32
      %dma_wait3A_166 = arith.constant 0 : i32
      %dma_wait3A_167 = tpu.memref_slice %arg2[%dma_wait3A_165, %dma_wait3A_166] : memref<10000x128xf32, #tpu.memory_space<hbm>> -> memref<10000x128xf32, #tpu.memory_space<hbm>>
      tpu.wait_indirect_dma semaphore(%arg22 : memref<!tpu.dma_semaphore, #tpu.memory_space<semaphore_mem>>) src(%dma_wait3A_167 : memref<10000x128xf32, #tpu.memory_space<hbm>>) dst(%arg18 : memref<128x128xf32, #tpu.memory_space<vmem>>)
      %dma_start3A_168 = arith.constant 0 : i32
      %dma_start3A_169 = arith.constant 0 : i32
      %dma_start3A_170 = tpu.memref_slice %arg20[%dma_start3A_168, %dma_start3A_169] : memref<10000x128xf32, #tpu.memory_space<vmem_shared>> -> memref<10000x128xf32, #tpu.memory_space<vmem_shared>>
      tpu.enqueue_indirect_dma source(%arg18 : memref<128x128xf32, #tpu.memory_space<vmem>>) target(%dma_start3A_170 : memref<10000x128xf32, #tpu.memory_space<vmem_shared>>) offsets(%arg12 : memref<128xi32, #tpu.memory_space<vmem>>) semaphore(%arg31 : memref<!tpu.dma_semaphore, #tpu.memory_space<semaphore_mem>>) {add = true}
      %add3A_171 = arith.constant 4 : i32
      %add3A_172 = arith.addi %add3A_164, %add3A_171 : i32
      %lt3A_173 = arith.constant 78 : i32
      %lt3A_174 = arith.cmpi slt, %add3A_172, %lt3A_173 : i32
      %convert_element_type3A_175 = arith.extui %lt3A_174 : i1 to i32
      %cond3A_176 = arith.constant 0 : i32
      %cond3A_177 = arith.cmpi ne, %convert_element_type3A_175, %cond3A_176 : i32
      scf.if %cond3A_177 {
        %add3A_281 = arith.constant 4 : i32
        %add3A_282 = arith.addi %add3A_164, %add3A_281 : i32
        %mul3A_283 = arith.constant 32 : i32
        %mul3A_284 = arith.muli %add3A_282, %mul3A_283 : i32
        %add3A_285 = arith.addi %add3A, %mul3A_284 : i32
        %mul3A_286 = arith.constant 128 : i32
        %mul3A_287 = arith.muli %add3A_285, %mul3A_286 : i32
        %multiple_of3A_288 = tpu.assume_multiple %mul3A_287, 8 : i32
        %dma_start3A_289 = arith.constant 0 : i32
        %dma_start3A_290 = tpu.memref_slice %arg3[%dma_start3A_289, %multiple_of3A_288] : memref<2x320000xi32, #tpu.memory_space<hbm>> -> memref<1x128xi32, #tpu.memory_space<hbm>>
        %dma_start3A_291 = tpu.memref_squeeze %dma_start3A_290 : memref<1x128xi32, #tpu.memory_space<hbm>> -> memref<128xi32, #tpu.memory_space<hbm>>
        %dma_start3A_292 = tpu.memref_slice %arg3[%dma_start3A_289, %multiple_of3A_288] : memref<2x320000xi32, #tpu.memory_space<hbm>> -> memref<1x128xi32, #tpu.memory_space<hbm>>
        %dma_start3A_293 = tpu.memref_squeeze %dma_start3A_292 : memref<1x128xi32, #tpu.memory_space<hbm>> -> memref<128xi32, #tpu.memory_space<hbm>>
        tpu.enqueue_dma source(%dma_start3A_293 : memref<128xi32, #tpu.memory_space<hbm>>) target(%arg10 : memref<128xi32, #tpu.memory_space<vmem>>) target_semaphore(%arg29 : memref<!tpu.dma_semaphore, #tpu.memory_space<semaphore_mem>>)
        %dma_start3A_294 = arith.constant 1 : i32
        %dma_start3A_295 = tpu.memref_slice %arg3[%dma_start3A_294, %multiple_of3A_288] : memref<2x320000xi32, #tpu.memory_space<hbm>> -> memref<1x128xi32, #tpu.memory_space<hbm>>
        %dma_start3A_296 = tpu.memref_squeeze %dma_start3A_295 : memref<1x128xi32, #tpu.memory_space<hbm>> -> memref<128xi32, #tpu.memory_space<hbm>>
        %dma_start3A_297 = tpu.memref_slice %arg3[%dma_start3A_294, %multiple_of3A_288] : memref<2x320000xi32, #tpu.memory_space<hbm>> -> memref<1x128xi32, #tpu.memory_space<hbm>>
        %dma_start3A_298 = tpu.memref_squeeze %dma_start3A_297 : memref<1x128xi32, #tpu.memory_space<hbm>> -> memref<128xi32, #tpu.memory_space<hbm>>
        tpu.enqueue_dma source(%dma_start3A_298 : memref<128xi32, #tpu.memory_space<hbm>>) target(%arg16 : memref<128xi32, #tpu.memory_space<vmem>>) target_semaphore(%arg29 : memref<!tpu.dma_semaphore, #tpu.memory_space<semaphore_mem>>)
      } else {
      }
      %add3A_178 = arith.constant 2 : i32
      %add3A_179 = arith.addi %add3A_164, %add3A_178 : i32
      %lt3A_180 = arith.constant 78 : i32
      %lt3A_181 = arith.cmpi slt, %add3A_179, %lt3A_180 : i32
      %convert_element_type3A_182 = arith.extui %lt3A_181 : i1 to i32
      %cond3A_183 = arith.constant 0 : i32
      %cond3A_184 = arith.cmpi ne, %convert_element_type3A_182, %cond3A_183 : i32
      scf.if %cond3A_184 {
        %add3A_281 = arith.constant 2 : i32
        %add3A_282 = arith.addi %add3A_164, %add3A_281 : i32
        %mul3A_283 = arith.constant 32 : i32
        %mul3A_284 = arith.muli %add3A_282, %mul3A_283 : i32
        %add3A_285 = arith.addi %add3A, %mul3A_284 : i32
        %mul3A_286 = arith.constant 128 : i32
        %mul3A_287 = arith.muli %add3A_285, %mul3A_286 : i32
        %multiple_of3A_288 = tpu.assume_multiple %mul3A_287, 8 : i32
        %dma_wait3A_289 = arith.constant 0 : i32
        %dma_wait3A_290 = tpu.memref_slice %arg3[%dma_wait3A_289, %multiple_of3A_288] : memref<2x320000xi32, #tpu.memory_space<hbm>> -> memref<1x128xi32, #tpu.memory_space<hbm>>
        %dma_wait3A_291 = tpu.memref_squeeze %dma_wait3A_290 : memref<1x128xi32, #tpu.memory_space<hbm>> -> memref<128xi32, #tpu.memory_space<hbm>>
        %dma_wait3A_292 = tpu.memref_slice %arg3[%dma_wait3A_289, %multiple_of3A_288] : memref<2x320000xi32, #tpu.memory_space<hbm>> -> memref<1x128xi32, #tpu.memory_space<hbm>>
        %dma_wait3A_293 = tpu.memref_squeeze %dma_wait3A_292 : memref<1x128xi32, #tpu.memory_space<hbm>> -> memref<128xi32, #tpu.memory_space<hbm>>
        tpu.wait_dma2 semaphore(%arg27 : memref<!tpu.dma_semaphore, #tpu.memory_space<semaphore_mem>>) src(%dma_wait3A_293 : memref<128xi32, #tpu.memory_space<hbm>>) dst(%arg8 : memref<128xi32, #tpu.memory_space<vmem>>)
        %dma_wait3A_294 = arith.constant 1 : i32
        %dma_wait3A_295 = tpu.memref_slice %arg3[%dma_wait3A_294, %multiple_of3A_288] : memref<2x320000xi32, #tpu.memory_space<hbm>> -> memref<1x128xi32, #tpu.memory_space<hbm>>
        %dma_wait3A_296 = tpu.memref_squeeze %dma_wait3A_295 : memref<1x128xi32, #tpu.memory_space<hbm>> -> memref<128xi32, #tpu.memory_space<hbm>>
        %dma_wait3A_297 = tpu.memref_slice %arg3[%dma_wait3A_294, %multiple_of3A_288] : memref<2x320000xi32, #tpu.memory_space<hbm>> -> memref<1x128xi32, #tpu.memory_space<hbm>>
        %dma_wait3A_298 = tpu.memref_squeeze %dma_wait3A_297 : memref<1x128xi32, #tpu.memory_space<hbm>> -> memref<128xi32, #tpu.memory_space<hbm>>
        tpu.wait_dma2 semaphore(%arg27 : memref<!tpu.dma_semaphore, #tpu.memory_space<semaphore_mem>>) src(%dma_wait3A_298 : memref<128xi32, #tpu.memory_space<hbm>>) dst(%arg14 : memref<128xi32, #tpu.memory_space<vmem>>)
        %ge3A = arith.constant 1 : i32
        %ge3A_299 = arith.cmpi sge, %add3A_164, %ge3A : i32
        %convert_element_type3A_300 = arith.extui %ge3A_299 : i1 to i32
        %cond3A_301 = arith.constant 0 : i32
        %cond3A_302 = arith.cmpi ne, %convert_element_type3A_300, %cond3A_301 : i32
        scf.if %cond3A_302 {
          %dma_wait3A_306 = arith.constant 0 : i32
          %dma_wait3A_307 = arith.constant 0 : i32
          %dma_wait3A_308 = tpu.memref_slice %arg20[%dma_wait3A_306, %dma_wait3A_307] : memref<10000x128xf32, #tpu.memory_space<vmem_shared>> -> memref<10000x128xf32, #tpu.memory_space<vmem_shared>>
          tpu.wait_indirect_dma semaphore(%arg30 : memref<!tpu.dma_semaphore, #tpu.memory_space<semaphore_mem>>) src(%arg17 : memref<128x128xf32, #tpu.memory_space<vmem>>) dst(%dma_wait3A_308 : memref<10000x128xf32, #tpu.memory_space<vmem_shared>>)
        } else {
        }
        %dma_start3A_303 = arith.constant 0 : i32
        %dma_start3A_304 = arith.constant 0 : i32
        %dma_start3A_305 = tpu.memref_slice %arg2[%dma_start3A_303, %dma_start3A_304] : memref<10000x128xf32, #tpu.memory_space<hbm>> -> memref<10000x128xf32, #tpu.memory_space<hbm>>
        tpu.enqueue_indirect_dma source(%dma_start3A_305 : memref<10000x128xf32, #tpu.memory_space<hbm>>) target(%arg17 : memref<128x128xf32, #tpu.memory_space<vmem>>) offsets(%arg8 : memref<128xi32, #tpu.memory_space<vmem>>) semaphore(%arg21 : memref<!tpu.dma_semaphore, #tpu.memory_space<semaphore_mem>>)
      } else {
      }
      %mul3A_185 = arith.constant 6 : i32
      %mul3A_186 = arith.muli %mul3A_185, %scan3A_136 : i32
      %add3A_187 = arith.constant 2 : i32
      %add3A_188 = arith.addi %mul3A_186, %add3A_187 : i32
      %dma_wait3A_189 = arith.constant 0 : i32
      %dma_wait3A_190 = arith.constant 0 : i32
      %dma_wait3A_191 = tpu.memref_slice %arg2[%dma_wait3A_189, %dma_wait3A_190] : memref<10000x128xf32, #tpu.memory_space<hbm>> -> memref<10000x128xf32, #tpu.memory_space<hbm>>
      tpu.wait_indirect_dma semaphore(%arg23 : memref<!tpu.dma_semaphore, #tpu.memory_space<semaphore_mem>>) src(%dma_wait3A_191 : memref<10000x128xf32, #tpu.memory_space<hbm>>) dst(%arg19 : memref<128x128xf32, #tpu.memory_space<vmem>>)
      %dma_start3A_192 = arith.constant 0 : i32
      %dma_start3A_193 = arith.constant 0 : i32
      %dma_start3A_194 = tpu.memref_slice %arg20[%dma_start3A_192, %dma_start3A_193] : memref<10000x128xf32, #tpu.memory_space<vmem_shared>> -> memref<10000x128xf32, #tpu.memory_space<vmem_shared>>
      tpu.enqueue_indirect_dma source(%arg19 : memref<128x128xf32, #tpu.memory_space<vmem>>) target(%dma_start3A_194 : memref<10000x128xf32, #tpu.memory_space<vmem_shared>>) offsets(%arg13 : memref<128xi32, #tpu.memory_space<vmem>>) semaphore(%arg32 : memref<!tpu.dma_semaphore, #tpu.memory_space<semaphore_mem>>) {add = true}
      %add3A_195 = arith.constant 4 : i32
      %add3A_196 = arith.addi %add3A_188, %add3A_195 : i32
      %lt3A_197 = arith.constant 78 : i32
      %lt3A_198 = arith.cmpi slt, %add3A_196, %lt3A_197 : i32
      %convert_element_type3A_199 = arith.extui %lt3A_198 : i1 to i32
      %cond3A_200 = arith.constant 0 : i32
      %cond3A_201 = arith.cmpi ne, %convert_element_type3A_199, %cond3A_200 : i32
      scf.if %cond3A_201 {
        %add3A_281 = arith.constant 4 : i32
        %add3A_282 = arith.addi %add3A_188, %add3A_281 : i32
        %mul3A_283 = arith.constant 32 : i32
        %mul3A_284 = arith.muli %add3A_282, %mul3A_283 : i32
        %add3A_285 = arith.addi %add3A, %mul3A_284 : i32
        %mul3A_286 = arith.constant 128 : i32
        %mul3A_287 = arith.muli %add3A_285, %mul3A_286 : i32
        %multiple_of3A_288 = tpu.assume_multiple %mul3A_287, 8 : i32
        %dma_start3A_289 = arith.constant 0 : i32
        %dma_start3A_290 = tpu.memref_slice %arg3[%dma_start3A_289, %multiple_of3A_288] : memref<2x320000xi32, #tpu.memory_space<hbm>> -> memref<1x128xi32, #tpu.memory_space<hbm>>
        %dma_start3A_291 = tpu.memref_squeeze %dma_start3A_290 : memref<1x128xi32, #tpu.memory_space<hbm>> -> memref<128xi32, #tpu.memory_space<hbm>>
        %dma_start3A_292 = tpu.memref_slice %arg3[%dma_start3A_289, %multiple_of3A_288] : memref<2x320000xi32, #tpu.memory_space<hbm>> -> memref<1x128xi32, #tpu.memory_space<hbm>>
        %dma_start3A_293 = tpu.memref_squeeze %dma_start3A_292 : memref<1x128xi32, #tpu.memory_space<hbm>> -> memref<128xi32, #tpu.memory_space<hbm>>
        tpu.enqueue_dma source(%dma_start3A_293 : memref<128xi32, #tpu.memory_space<hbm>>) target(%arg5 : memref<128xi32, #tpu.memory_space<vmem>>) target_semaphore(%arg24 : memref<!tpu.dma_semaphore, #tpu.memory_space<semaphore_mem>>)
        %dma_start3A_294 = arith.constant 1 : i32
        %dma_start3A_295 = tpu.memref_slice %arg3[%dma_start3A_294, %multiple_of3A_288] : memref<2x320000xi32, #tpu.memory_space<hbm>> -> memref<1x128xi32, #tpu.memory_space<hbm>>
        %dma_start3A_296 = tpu.memref_squeeze %dma_start3A_295 : memref<1x128xi32, #tpu.memory_space<hbm>> -> memref<128xi32, #tpu.memory_space<hbm>>
        %dma_start3A_297 = tpu.memref_slice %arg3[%dma_start3A_294, %multiple_of3A_288] : memref<2x320000xi32, #tpu.memory_space<hbm>> -> memref<1x128xi32, #tpu.memory_space<hbm>>
        %dma_start3A_298 = tpu.memref_squeeze %dma_start3A_297 : memref<1x128xi32, #tpu.memory_space<hbm>> -> memref<128xi32, #tpu.memory_space<hbm>>
        tpu.enqueue_dma source(%dma_start3A_298 : memref<128xi32, #tpu.memory_space<hbm>>) target(%arg11 : memref<128xi32, #tpu.memory_space<vmem>>) target_semaphore(%arg24 : memref<!tpu.dma_semaphore, #tpu.memory_space<semaphore_mem>>)
      } else {
      }
      %add3A_202 = arith.constant 2 : i32
      %add3A_203 = arith.addi %add3A_188, %add3A_202 : i32
      %lt3A_204 = arith.constant 78 : i32
      %lt3A_205 = arith.cmpi slt, %add3A_203, %lt3A_204 : i32
      %convert_element_type3A_206 = arith.extui %lt3A_205 : i1 to i32
      %cond3A_207 = arith.constant 0 : i32
      %cond3A_208 = arith.cmpi ne, %convert_element_type3A_206, %cond3A_207 : i32
      scf.if %cond3A_208 {
        %add3A_281 = arith.constant 2 : i32
        %add3A_282 = arith.addi %add3A_188, %add3A_281 : i32
        %mul3A_283 = arith.constant 32 : i32
        %mul3A_284 = arith.muli %add3A_282, %mul3A_283 : i32
        %add3A_285 = arith.addi %add3A, %mul3A_284 : i32
        %mul3A_286 = arith.constant 128 : i32
        %mul3A_287 = arith.muli %add3A_285, %mul3A_286 : i32
        %multiple_of3A_288 = tpu.assume_multiple %mul3A_287, 8 : i32
        %dma_wait3A_289 = arith.constant 0 : i32
        %dma_wait3A_290 = tpu.memref_slice %arg3[%dma_wait3A_289, %multiple_of3A_288] : memref<2x320000xi32, #tpu.memory_space<hbm>> -> memref<1x128xi32, #tpu.memory_space<hbm>>
        %dma_wait3A_291 = tpu.memref_squeeze %dma_wait3A_290 : memref<1x128xi32, #tpu.memory_space<hbm>> -> memref<128xi32, #tpu.memory_space<hbm>>
        %dma_wait3A_292 = tpu.memref_slice %arg3[%dma_wait3A_289, %multiple_of3A_288] : memref<2x320000xi32, #tpu.memory_space<hbm>> -> memref<1x128xi32, #tpu.memory_space<hbm>>
        %dma_wait3A_293 = tpu.memref_squeeze %dma_wait3A_292 : memref<1x128xi32, #tpu.memory_space<hbm>> -> memref<128xi32, #tpu.memory_space<hbm>>
        tpu.wait_dma2 semaphore(%arg28 : memref<!tpu.dma_semaphore, #tpu.memory_space<semaphore_mem>>) src(%dma_wait3A_293 : memref<128xi32, #tpu.memory_space<hbm>>) dst(%arg9 : memref<128xi32, #tpu.memory_space<vmem>>)
        %dma_wait3A_294 = arith.constant 1 : i32
        %dma_wait3A_295 = tpu.memref_slice %arg3[%dma_wait3A_294, %multiple_of3A_288] : memref<2x320000xi32, #tpu.memory_space<hbm>> -> memref<1x128xi32, #tpu.memory_space<hbm>>
        %dma_wait3A_296 = tpu.memref_squeeze %dma_wait3A_295 : memref<1x128xi32, #tpu.memory_space<hbm>> -> memref<128xi32, #tpu.memory_space<hbm>>
        %dma_wait3A_297 = tpu.memref_slice %arg3[%dma_wait3A_294, %multiple_of3A_288] : memref<2x320000xi32, #tpu.memory_space<hbm>> -> memref<1x128xi32, #tpu.memory_space<hbm>>
        %dma_wait3A_298 = tpu.memref_squeeze %dma_wait3A_297 : memref<1x128xi32, #tpu.memory_space<hbm>> -> memref<128xi32, #tpu.memory_space<hbm>>
        tpu.wait_dma2 semaphore(%arg28 : memref<!tpu.dma_semaphore, #tpu.memory_space<semaphore_mem>>) src(%dma_wait3A_298 : memref<128xi32, #tpu.memory_space<hbm>>) dst(%arg15 : memref<128xi32, #tpu.memory_space<vmem>>)
        %ge3A = arith.constant 1 : i32
        %ge3A_299 = arith.cmpi sge, %add3A_188, %ge3A : i32
        %convert_element_type3A_300 = arith.extui %ge3A_299 : i1 to i32
        %cond3A_301 = arith.constant 0 : i32
        %cond3A_302 = arith.cmpi ne, %convert_element_type3A_300, %cond3A_301 : i32
        scf.if %cond3A_302 {
          %dma_wait3A_306 = arith.constant 0 : i32
          %dma_wait3A_307 = arith.constant 0 : i32
          %dma_wait3A_308 = tpu.memref_slice %arg20[%dma_wait3A_306, %dma_wait3A_307] : memref<10000x128xf32, #tpu.memory_space<vmem_shared>> -> memref<10000x128xf32, #tpu.memory_space<vmem_shared>>
          tpu.wait_indirect_dma semaphore(%arg31 : memref<!tpu.dma_semaphore, #tpu.memory_space<semaphore_mem>>) src(%arg18 : memref<128x128xf32, #tpu.memory_space<vmem>>) dst(%dma_wait3A_308 : memref<10000x128xf32, #tpu.memory_space<vmem_shared>>)
        } else {
        }
        %dma_start3A_303 = arith.constant 0 : i32
        %dma_start3A_304 = arith.constant 0 : i32
        %dma_start3A_305 = tpu.memref_slice %arg2[%dma_start3A_303, %dma_start3A_304] : memref<10000x128xf32, #tpu.memory_space<hbm>> -> memref<10000x128xf32, #tpu.memory_space<hbm>>
        tpu.enqueue_indirect_dma source(%dma_start3A_305 : memref<10000x128xf32, #tpu.memory_space<hbm>>) target(%arg18 : memref<128x128xf32, #tpu.memory_space<vmem>>) offsets(%arg9 : memref<128xi32, #tpu.memory_space<vmem>>) semaphore(%arg22 : memref<!tpu.dma_semaphore, #tpu.memory_space<semaphore_mem>>)
      } else {
      }
      %mul3A_209 = arith.constant 6 : i32
      %mul3A_210 = arith.muli %mul3A_209, %scan3A_136 : i32
      %add3A_211 = arith.constant 3 : i32
      %add3A_212 = arith.addi %mul3A_210, %add3A_211 : i32
      %dma_wait3A_213 = arith.constant 0 : i32
      %dma_wait3A_214 = arith.constant 0 : i32
      %dma_wait3A_215 = tpu.memref_slice %arg2[%dma_wait3A_213, %dma_wait3A_214] : memref<10000x128xf32, #tpu.memory_space<hbm>> -> memref<10000x128xf32, #tpu.memory_space<hbm>>
      tpu.wait_indirect_dma semaphore(%arg21 : memref<!tpu.dma_semaphore, #tpu.memory_space<semaphore_mem>>) src(%dma_wait3A_215 : memref<10000x128xf32, #tpu.memory_space<hbm>>) dst(%arg17 : memref<128x128xf32, #tpu.memory_space<vmem>>)
      %dma_start3A_216 = arith.constant 0 : i32
      %dma_start3A_217 = arith.constant 0 : i32
      %dma_start3A_218 = tpu.memref_slice %arg20[%dma_start3A_216, %dma_start3A_217] : memref<10000x128xf32, #tpu.memory_space<vmem_shared>> -> memref<10000x128xf32, #tpu.memory_space<vmem_shared>>
      tpu.enqueue_indirect_dma source(%arg17 : memref<128x128xf32, #tpu.memory_space<vmem>>) target(%dma_start3A_218 : memref<10000x128xf32, #tpu.memory_space<vmem_shared>>) offsets(%arg14 : memref<128xi32, #tpu.memory_space<vmem>>) semaphore(%arg30 : memref<!tpu.dma_semaphore, #tpu.memory_space<semaphore_mem>>) {add = true}
      %add3A_219 = arith.constant 4 : i32
      %add3A_220 = arith.addi %add3A_212, %add3A_219 : i32
      %lt3A_221 = arith.constant 78 : i32
      %lt3A_222 = arith.cmpi slt, %add3A_220, %lt3A_221 : i32
      %convert_element_type3A_223 = arith.extui %lt3A_222 : i1 to i32
      %cond3A_224 = arith.constant 0 : i32
      %cond3A_225 = arith.cmpi ne, %convert_element_type3A_223, %cond3A_224 : i32
      scf.if %cond3A_225 {
        %add3A_281 = arith.constant 4 : i32
        %add3A_282 = arith.addi %add3A_212, %add3A_281 : i32
        %mul3A_283 = arith.constant 32 : i32
        %mul3A_284 = arith.muli %add3A_282, %mul3A_283 : i32
        %add3A_285 = arith.addi %add3A, %mul3A_284 : i32
        %mul3A_286 = arith.constant 128 : i32
        %mul3A_287 = arith.muli %add3A_285, %mul3A_286 : i32
        %multiple_of3A_288 = tpu.assume_multiple %mul3A_287, 8 : i32
        %dma_start3A_289 = arith.constant 0 : i32
        %dma_start3A_290 = tpu.memref_slice %arg3[%dma_start3A_289, %multiple_of3A_288] : memref<2x320000xi32, #tpu.memory_space<hbm>> -> memref<1x128xi32, #tpu.memory_space<hbm>>
        %dma_start3A_291 = tpu.memref_squeeze %dma_start3A_290 : memref<1x128xi32, #tpu.memory_space<hbm>> -> memref<128xi32, #tpu.memory_space<hbm>>
        %dma_start3A_292 = tpu.memref_slice %arg3[%dma_start3A_289, %multiple_of3A_288] : memref<2x320000xi32, #tpu.memory_space<hbm>> -> memref<1x128xi32, #tpu.memory_space<hbm>>
        %dma_start3A_293 = tpu.memref_squeeze %dma_start3A_292 : memref<1x128xi32, #tpu.memory_space<hbm>> -> memref<128xi32, #tpu.memory_space<hbm>>
        tpu.enqueue_dma source(%dma_start3A_293 : memref<128xi32, #tpu.memory_space<hbm>>) target(%arg6 : memref<128xi32, #tpu.memory_space<vmem>>) target_semaphore(%arg25 : memref<!tpu.dma_semaphore, #tpu.memory_space<semaphore_mem>>)
        %dma_start3A_294 = arith.constant 1 : i32
        %dma_start3A_295 = tpu.memref_slice %arg3[%dma_start3A_294, %multiple_of3A_288] : memref<2x320000xi32, #tpu.memory_space<hbm>> -> memref<1x128xi32, #tpu.memory_space<hbm>>
        %dma_start3A_296 = tpu.memref_squeeze %dma_start3A_295 : memref<1x128xi32, #tpu.memory_space<hbm>> -> memref<128xi32, #tpu.memory_space<hbm>>
        %dma_start3A_297 = tpu.memref_slice %arg3[%dma_start3A_294, %multiple_of3A_288] : memref<2x320000xi32, #tpu.memory_space<hbm>> -> memref<1x128xi32, #tpu.memory_space<hbm>>
        %dma_start3A_298 = tpu.memref_squeeze %dma_start3A_297 : memref<1x128xi32, #tpu.memory_space<hbm>> -> memref<128xi32, #tpu.memory_space<hbm>>
        tpu.enqueue_dma source(%dma_start3A_298 : memref<128xi32, #tpu.memory_space<hbm>>) target(%arg12 : memref<128xi32, #tpu.memory_space<vmem>>) target_semaphore(%arg25 : memref<!tpu.dma_semaphore, #tpu.memory_space<semaphore_mem>>)
      } else {
      }
      %add3A_226 = arith.constant 2 : i32
      %add3A_227 = arith.addi %add3A_212, %add3A_226 : i32
      %lt3A_228 = arith.constant 78 : i32
      %lt3A_229 = arith.cmpi slt, %add3A_227, %lt3A_228 : i32
      %convert_element_type3A_230 = arith.extui %lt3A_229 : i1 to i32
      %cond3A_231 = arith.constant 0 : i32
      %cond3A_232 = arith.cmpi ne, %convert_element_type3A_230, %cond3A_231 : i32
      scf.if %cond3A_232 {
        %add3A_281 = arith.constant 2 : i32
        %add3A_282 = arith.addi %add3A_212, %add3A_281 : i32
        %mul3A_283 = arith.constant 32 : i32
        %mul3A_284 = arith.muli %add3A_282, %mul3A_283 : i32
        %add3A_285 = arith.addi %add3A, %mul3A_284 : i32
        %mul3A_286 = arith.constant 128 : i32
        %mul3A_287 = arith.muli %add3A_285, %mul3A_286 : i32
        %multiple_of3A_288 = tpu.assume_multiple %mul3A_287, 8 : i32
        %dma_wait3A_289 = arith.constant 0 : i32
        %dma_wait3A_290 = tpu.memref_slice %arg3[%dma_wait3A_289, %multiple_of3A_288] : memref<2x320000xi32, #tpu.memory_space<hbm>> -> memref<1x128xi32, #tpu.memory_space<hbm>>
        %dma_wait3A_291 = tpu.memref_squeeze %dma_wait3A_290 : memref<1x128xi32, #tpu.memory_space<hbm>> -> memref<128xi32, #tpu.memory_space<hbm>>
        %dma_wait3A_292 = tpu.memref_slice %arg3[%dma_wait3A_289, %multiple_of3A_288] : memref<2x320000xi32, #tpu.memory_space<hbm>> -> memref<1x128xi32, #tpu.memory_space<hbm>>
        %dma_wait3A_293 = tpu.memref_squeeze %dma_wait3A_292 : memref<1x128xi32, #tpu.memory_space<hbm>> -> memref<128xi32, #tpu.memory_space<hbm>>
        tpu.wait_dma2 semaphore(%arg29 : memref<!tpu.dma_semaphore, #tpu.memory_space<semaphore_mem>>) src(%dma_wait3A_293 : memref<128xi32, #tpu.memory_space<hbm>>) dst(%arg10 : memref<128xi32, #tpu.memory_space<vmem>>)
        %dma_wait3A_294 = arith.constant 1 : i32
        %dma_wait3A_295 = tpu.memref_slice %arg3[%dma_wait3A_294, %multiple_of3A_288] : memref<2x320000xi32, #tpu.memory_space<hbm>> -> memref<1x128xi32, #tpu.memory_space<hbm>>
        %dma_wait3A_296 = tpu.memref_squeeze %dma_wait3A_295 : memref<1x128xi32, #tpu.memory_space<hbm>> -> memref<128xi32, #tpu.memory_space<hbm>>
        %dma_wait3A_297 = tpu.memref_slice %arg3[%dma_wait3A_294, %multiple_of3A_288] : memref<2x320000xi32, #tpu.memory_space<hbm>> -> memref<1x128xi32, #tpu.memory_space<hbm>>
        %dma_wait3A_298 = tpu.memref_squeeze %dma_wait3A_297 : memref<1x128xi32, #tpu.memory_space<hbm>> -> memref<128xi32, #tpu.memory_space<hbm>>
        tpu.wait_dma2 semaphore(%arg29 : memref<!tpu.dma_semaphore, #tpu.memory_space<semaphore_mem>>) src(%dma_wait3A_298 : memref<128xi32, #tpu.memory_space<hbm>>) dst(%arg16 : memref<128xi32, #tpu.memory_space<vmem>>)
        %ge3A = arith.constant 1 : i32
        %ge3A_299 = arith.cmpi sge, %add3A_212, %ge3A : i32
        %convert_element_type3A_300 = arith.extui %ge3A_299 : i1 to i32
        %cond3A_301 = arith.constant 0 : i32
        %cond3A_302 = arith.cmpi ne, %convert_element_type3A_300, %cond3A_301 : i32
        scf.if %cond3A_302 {
          %dma_wait3A_306 = arith.constant 0 : i32
          %dma_wait3A_307 = arith.constant 0 : i32
          %dma_wait3A_308 = tpu.memref_slice %arg20[%dma_wait3A_306, %dma_wait3A_307] : memref<10000x128xf32, #tpu.memory_space<vmem_shared>> -> memref<10000x128xf32, #tpu.memory_space<vmem_shared>>
          tpu.wait_indirect_dma semaphore(%arg32 : memref<!tpu.dma_semaphore, #tpu.memory_space<semaphore_mem>>) src(%arg19 : memref<128x128xf32, #tpu.memory_space<vmem>>) dst(%dma_wait3A_308 : memref<10000x128xf32, #tpu.memory_space<vmem_shared>>)
        } else {
        }
        %dma_start3A_303 = arith.constant 0 : i32
        %dma_start3A_304 = arith.constant 0 : i32
        %dma_start3A_305 = tpu.memref_slice %arg2[%dma_start3A_303, %dma_start3A_304] : memref<10000x128xf32, #tpu.memory_space<hbm>> -> memref<10000x128xf32, #tpu.memory_space<hbm>>
        tpu.enqueue_indirect_dma source(%dma_start3A_305 : memref<10000x128xf32, #tpu.memory_space<hbm>>) target(%arg19 : memref<128x128xf32, #tpu.memory_space<vmem>>) offsets(%arg10 : memref<128xi32, #tpu.memory_space<vmem>>) semaphore(%arg23 : memref<!tpu.dma_semaphore, #tpu.memory_space<semaphore_mem>>)
      } else {
      }
      %mul3A_233 = arith.constant 6 : i32
      %mul3A_234 = arith.muli %mul3A_233, %scan3A_136 : i32
      %add3A_235 = arith.constant 4 : i32
      %add3A_236 = arith.addi %mul3A_234, %add3A_235 : i32
      %dma_wait3A_237 = arith.constant 0 : i32
      %dma_wait3A_238 = arith.constant 0 : i32
      %dma_wait3A_239 = tpu.memref_slice %arg2[%dma_wait3A_237, %dma_wait3A_238] : memref<10000x128xf32, #tpu.memory_space<hbm>> -> memref<10000x128xf32, #tpu.memory_space<hbm>>
      tpu.wait_indirect_dma semaphore(%arg22 : memref<!tpu.dma_semaphore, #tpu.memory_space<semaphore_mem>>) src(%dma_wait3A_239 : memref<10000x128xf32, #tpu.memory_space<hbm>>) dst(%arg18 : memref<128x128xf32, #tpu.memory_space<vmem>>)
      %dma_start3A_240 = arith.constant 0 : i32
      %dma_start3A_241 = arith.constant 0 : i32
      %dma_start3A_242 = tpu.memref_slice %arg20[%dma_start3A_240, %dma_start3A_241] : memref<10000x128xf32, #tpu.memory_space<vmem_shared>> -> memref<10000x128xf32, #tpu.memory_space<vmem_shared>>
      tpu.enqueue_indirect_dma source(%arg18 : memref<128x128xf32, #tpu.memory_space<vmem>>) target(%dma_start3A_242 : memref<10000x128xf32, #tpu.memory_space<vmem_shared>>) offsets(%arg15 : memref<128xi32, #tpu.memory_space<vmem>>) semaphore(%arg31 : memref<!tpu.dma_semaphore, #tpu.memory_space<semaphore_mem>>) {add = true}
      %add3A_243 = arith.constant 4 : i32
      %add3A_244 = arith.addi %add3A_236, %add3A_243 : i32
      %lt3A_245 = arith.constant 78 : i32
      %lt3A_246 = arith.cmpi slt, %add3A_244, %lt3A_245 : i32
      %convert_element_type3A_247 = arith.extui %lt3A_246 : i1 to i32
      %cond3A_248 = arith.constant 0 : i32
      %cond3A_249 = arith.cmpi ne, %convert_element_type3A_247, %cond3A_248 : i32
      scf.if %cond3A_249 {
        %add3A_281 = arith.constant 4 : i32
        %add3A_282 = arith.addi %add3A_236, %add3A_281 : i32
        %mul3A_283 = arith.constant 32 : i32
        %mul3A_284 = arith.muli %add3A_282, %mul3A_283 : i32
        %add3A_285 = arith.addi %add3A, %mul3A_284 : i32
        %mul3A_286 = arith.constant 128 : i32
        %mul3A_287 = arith.muli %add3A_285, %mul3A_286 : i32
        %multiple_of3A_288 = tpu.assume_multiple %mul3A_287, 8 : i32
        %dma_start3A_289 = arith.constant 0 : i32
        %dma_start3A_290 = tpu.memref_slice %arg3[%dma_start3A_289, %multiple_of3A_288] : memref<2x320000xi32, #tpu.memory_space<hbm>> -> memref<1x128xi32, #tpu.memory_space<hbm>>
        %dma_start3A_291 = tpu.memref_squeeze %dma_start3A_290 : memref<1x128xi32, #tpu.memory_space<hbm>> -> memref<128xi32, #tpu.memory_space<hbm>>
        %dma_start3A_292 = tpu.memref_slice %arg3[%dma_start3A_289, %multiple_of3A_288] : memref<2x320000xi32, #tpu.memory_space<hbm>> -> memref<1x128xi32, #tpu.memory_space<hbm>>
        %dma_start3A_293 = tpu.memref_squeeze %dma_start3A_292 : memref<1x128xi32, #tpu.memory_space<hbm>> -> memref<128xi32, #tpu.memory_space<hbm>>
        tpu.enqueue_dma source(%dma_start3A_293 : memref<128xi32, #tpu.memory_space<hbm>>) target(%arg7 : memref<128xi32, #tpu.memory_space<vmem>>) target_semaphore(%arg26 : memref<!tpu.dma_semaphore, #tpu.memory_space<semaphore_mem>>)
        %dma_start3A_294 = arith.constant 1 : i32
        %dma_start3A_295 = tpu.memref_slice %arg3[%dma_start3A_294, %multiple_of3A_288] : memref<2x320000xi32, #tpu.memory_space<hbm>> -> memref<1x128xi32, #tpu.memory_space<hbm>>
        %dma_start3A_296 = tpu.memref_squeeze %dma_start3A_295 : memref<1x128xi32, #tpu.memory_space<hbm>> -> memref<128xi32, #tpu.memory_space<hbm>>
        %dma_start3A_297 = tpu.memref_slice %arg3[%dma_start3A_294, %multiple_of3A_288] : memref<2x320000xi32, #tpu.memory_space<hbm>> -> memref<1x128xi32, #tpu.memory_space<hbm>>
        %dma_start3A_298 = tpu.memref_squeeze %dma_start3A_297 : memref<1x128xi32, #tpu.memory_space<hbm>> -> memref<128xi32, #tpu.memory_space<hbm>>
        tpu.enqueue_dma source(%dma_start3A_298 : memref<128xi32, #tpu.memory_space<hbm>>) target(%arg13 : memref<128xi32, #tpu.memory_space<vmem>>) target_semaphore(%arg26 : memref<!tpu.dma_semaphore, #tpu.memory_space<semaphore_mem>>)
      } else {
      }
      %add3A_250 = arith.constant 2 : i32
      %add3A_251 = arith.addi %add3A_236, %add3A_250 : i32
      %lt3A_252 = arith.constant 78 : i32
      %lt3A_253 = arith.cmpi slt, %add3A_251, %lt3A_252 : i32
      %convert_element_type3A_254 = arith.extui %lt3A_253 : i1 to i32
      %cond3A_255 = arith.constant 0 : i32
      %cond3A_256 = arith.cmpi ne, %convert_element_type3A_254, %cond3A_255 : i32
      scf.if %cond3A_256 {
        %add3A_281 = arith.constant 2 : i32
        %add3A_282 = arith.addi %add3A_236, %add3A_281 : i32
        %mul3A_283 = arith.constant 32 : i32
        %mul3A_284 = arith.muli %add3A_282, %mul3A_283 : i32
        %add3A_285 = arith.addi %add3A, %mul3A_284 : i32
        %mul3A_286 = arith.constant 128 : i32
        %mul3A_287 = arith.muli %add3A_285, %mul3A_286 : i32
        %multiple_of3A_288 = tpu.assume_multiple %mul3A_287, 8 : i32
        %dma_wait3A_289 = arith.constant 0 : i32
        %dma_wait3A_290 = tpu.memref_slice %arg3[%dma_wait3A_289, %multiple_of3A_288] : memref<2x320000xi32, #tpu.memory_space<hbm>> -> memref<1x128xi32, #tpu.memory_space<hbm>>
        %dma_wait3A_291 = tpu.memref_squeeze %dma_wait3A_290 : memref<1x128xi32, #tpu.memory_space<hbm>> -> memref<128xi32, #tpu.memory_space<hbm>>
        %dma_wait3A_292 = tpu.memref_slice %arg3[%dma_wait3A_289, %multiple_of3A_288] : memref<2x320000xi32, #tpu.memory_space<hbm>> -> memref<1x128xi32, #tpu.memory_space<hbm>>
        %dma_wait3A_293 = tpu.memref_squeeze %dma_wait3A_292 : memref<1x128xi32, #tpu.memory_space<hbm>> -> memref<128xi32, #tpu.memory_space<hbm>>
        tpu.wait_dma2 semaphore(%arg24 : memref<!tpu.dma_semaphore, #tpu.memory_space<semaphore_mem>>) src(%dma_wait3A_293 : memref<128xi32, #tpu.memory_space<hbm>>) dst(%arg5 : memref<128xi32, #tpu.memory_space<vmem>>)
        %dma_wait3A_294 = arith.constant 1 : i32
        %dma_wait3A_295 = tpu.memref_slice %arg3[%dma_wait3A_294, %multiple_of3A_288] : memref<2x320000xi32, #tpu.memory_space<hbm>> -> memref<1x128xi32, #tpu.memory_space<hbm>>
        %dma_wait3A_296 = tpu.memref_squeeze %dma_wait3A_295 : memref<1x128xi32, #tpu.memory_space<hbm>> -> memref<128xi32, #tpu.memory_space<hbm>>
        %dma_wait3A_297 = tpu.memref_slice %arg3[%dma_wait3A_294, %multiple_of3A_288] : memref<2x320000xi32, #tpu.memory_space<hbm>> -> memref<1x128xi32, #tpu.memory_space<hbm>>
        %dma_wait3A_298 = tpu.memref_squeeze %dma_wait3A_297 : memref<1x128xi32, #tpu.memory_space<hbm>> -> memref<128xi32, #tpu.memory_space<hbm>>
        tpu.wait_dma2 semaphore(%arg24 : memref<!tpu.dma_semaphore, #tpu.memory_space<semaphore_mem>>) src(%dma_wait3A_298 : memref<128xi32, #tpu.memory_space<hbm>>) dst(%arg11 : memref<128xi32, #tpu.memory_space<vmem>>)
        %ge3A = arith.constant 1 : i32
        %ge3A_299 = arith.cmpi sge, %add3A_236, %ge3A : i32
        %convert_element_type3A_300 = arith.extui %ge3A_299 : i1 to i32
        %cond3A_301 = arith.constant 0 : i32
        %cond3A_302 = arith.cmpi ne, %convert_element_type3A_300, %cond3A_301 : i32
        scf.if %cond3A_302 {
          %dma_wait3A_306 = arith.constant 0 : i32
          %dma_wait3A_307 = arith.constant 0 : i32
          %dma_wait3A_308 = tpu.memref_slice %arg20[%dma_wait3A_306, %dma_wait3A_307] : memref<10000x128xf32, #tpu.memory_space<vmem_shared>> -> memref<10000x128xf32, #tpu.memory_space<vmem_shared>>
          tpu.wait_indirect_dma semaphore(%arg30 : memref<!tpu.dma_semaphore, #tpu.memory_space<semaphore_mem>>) src(%arg17 : memref<128x128xf32, #tpu.memory_space<vmem>>) dst(%dma_wait3A_308 : memref<10000x128xf32, #tpu.memory_space<vmem_shared>>)
        } else {
        }
        %dma_start3A_303 = arith.constant 0 : i32
        %dma_start3A_304 = arith.constant 0 : i32
        %dma_start3A_305 = tpu.memref_slice %arg2[%dma_start3A_303, %dma_start3A_304] : memref<10000x128xf32, #tpu.memory_space<hbm>> -> memref<10000x128xf32, #tpu.memory_space<hbm>>
        tpu.enqueue_indirect_dma source(%dma_start3A_305 : memref<10000x128xf32, #tpu.memory_space<hbm>>) target(%arg17 : memref<128x128xf32, #tpu.memory_space<vmem>>) offsets(%arg5 : memref<128xi32, #tpu.memory_space<vmem>>) semaphore(%arg21 : memref<!tpu.dma_semaphore, #tpu.memory_space<semaphore_mem>>)
      } else {
      }
      %mul3A_257 = arith.constant 6 : i32
      %mul3A_258 = arith.muli %mul3A_257, %scan3A_136 : i32
      %add3A_259 = arith.constant 5 : i32
      %add3A_260 = arith.addi %mul3A_258, %add3A_259 : i32
      %dma_wait3A_261 = arith.constant 0 : i32
      %dma_wait3A_262 = arith.constant 0 : i32
      %dma_wait3A_263 = tpu.memref_slice %arg2[%dma_wait3A_261, %dma_wait3A_262] : memref<10000x128xf32, #tpu.memory_space<hbm>> -> memref<10000x128xf32, #tpu.memory_space<hbm>>
      tpu.wait_indirect_dma semaphore(%arg23 : memref<!tpu.dma_semaphore, #tpu.memory_space<semaphore_mem>>) src(%dma_wait3A_263 : memref<10000x128xf32, #tpu.memory_space<hbm>>) dst(%arg19 : memref<128x128xf32, #tpu.memory_space<vmem>>)
      %dma_start3A_264 = arith.constant 0 : i32
      %dma_start3A_265 = arith.constant 0 : i32
      %dma_start3A_266 = tpu.memref_slice %arg20[%dma_start3A_264, %dma_start3A_265] : memref<10000x128xf32, #tpu.memory_space<vmem_shared>> -> memref<10000x128xf32, #tpu.memory_space<vmem_shared>>
      tpu.enqueue_indirect_dma source(%arg19 : memref<128x128xf32, #tpu.memory_space<vmem>>) target(%dma_start3A_266 : memref<10000x128xf32, #tpu.memory_space<vmem_shared>>) offsets(%arg16 : memref<128xi32, #tpu.memory_space<vmem>>) semaphore(%arg32 : memref<!tpu.dma_semaphore, #tpu.memory_space<semaphore_mem>>) {add = true}
      %add3A_267 = arith.constant 4 : i32
      %add3A_268 = arith.addi %add3A_260, %add3A_267 : i32
      %lt3A_269 = arith.constant 78 : i32
      %lt3A_270 = arith.cmpi slt, %add3A_268, %lt3A_269 : i32
      %convert_element_type3A_271 = arith.extui %lt3A_270 : i1 to i32
      %cond3A_272 = arith.constant 0 : i32
      %cond3A_273 = arith.cmpi ne, %convert_element_type3A_271, %cond3A_272 : i32
      scf.if %cond3A_273 {
        %add3A_281 = arith.constant 4 : i32
        %add3A_282 = arith.addi %add3A_260, %add3A_281 : i32
        %mul3A_283 = arith.constant 32 : i32
        %mul3A_284 = arith.muli %add3A_282, %mul3A_283 : i32
        %add3A_285 = arith.addi %add3A, %mul3A_284 : i32
        %mul3A_286 = arith.constant 128 : i32
        %mul3A_287 = arith.muli %add3A_285, %mul3A_286 : i32
        %multiple_of3A_288 = tpu.assume_multiple %mul3A_287, 8 : i32
        %dma_start3A_289 = arith.constant 0 : i32
        %dma_start3A_290 = tpu.memref_slice %arg3[%dma_start3A_289, %multiple_of3A_288] : memref<2x320000xi32, #tpu.memory_space<hbm>> -> memref<1x128xi32, #tpu.memory_space<hbm>>
        %dma_start3A_291 = tpu.memref_squeeze %dma_start3A_290 : memref<1x128xi32, #tpu.memory_space<hbm>> -> memref<128xi32, #tpu.memory_space<hbm>>
        %dma_start3A_292 = tpu.memref_slice %arg3[%dma_start3A_289, %multiple_of3A_288] : memref<2x320000xi32, #tpu.memory_space<hbm>> -> memref<1x128xi32, #tpu.memory_space<hbm>>
        %dma_start3A_293 = tpu.memref_squeeze %dma_start3A_292 : memref<1x128xi32, #tpu.memory_space<hbm>> -> memref<128xi32, #tpu.memory_space<hbm>>
        tpu.enqueue_dma source(%dma_start3A_293 : memref<128xi32, #tpu.memory_space<hbm>>) target(%arg8 : memref<128xi32, #tpu.memory_space<vmem>>) target_semaphore(%arg27 : memref<!tpu.dma_semaphore, #tpu.memory_space<semaphore_mem>>)
        %dma_start3A_294 = arith.constant 1 : i32
        %dma_start3A_295 = tpu.memref_slice %arg3[%dma_start3A_294, %multiple_of3A_288] : memref<2x320000xi32, #tpu.memory_space<hbm>> -> memref<1x128xi32, #tpu.memory_space<hbm>>
        %dma_start3A_296 = tpu.memref_squeeze %dma_start3A_295 : memref<1x128xi32, #tpu.memory_space<hbm>> -> memref<128xi32, #tpu.memory_space<hbm>>
        %dma_start3A_297 = tpu.memref_slice %arg3[%dma_start3A_294, %multiple_of3A_288] : memref<2x320000xi32, #tpu.memory_space<hbm>> -> memref<1x128xi32, #tpu.memory_space<hbm>>
        %dma_start3A_298 = tpu.memref_squeeze %dma_start3A_297 : memref<1x128xi32, #tpu.memory_space<hbm>> -> memref<128xi32, #tpu.memory_space<hbm>>
        tpu.enqueue_dma source(%dma_start3A_298 : memref<128xi32, #tpu.memory_space<hbm>>) target(%arg14 : memref<128xi32, #tpu.memory_space<vmem>>) target_semaphore(%arg27 : memref<!tpu.dma_semaphore, #tpu.memory_space<semaphore_mem>>)
      } else {
      }
      %add3A_274 = arith.constant 2 : i32
      %add3A_275 = arith.addi %add3A_260, %add3A_274 : i32
      %lt3A_276 = arith.constant 78 : i32
      %lt3A_277 = arith.cmpi slt, %add3A_275, %lt3A_276 : i32
      %convert_element_type3A_278 = arith.extui %lt3A_277 : i1 to i32
      %cond3A_279 = arith.constant 0 : i32
      %cond3A_280 = arith.cmpi ne, %convert_element_type3A_278, %cond3A_279 : i32
      scf.if %cond3A_280 {
        %add3A_281 = arith.constant 2 : i32
        %add3A_282 = arith.addi %add3A_260, %add3A_281 : i32
        %mul3A_283 = arith.constant 32 : i32
        %mul3A_284 = arith.muli %add3A_282, %mul3A_283 : i32
        %add3A_285 = arith.addi %add3A, %mul3A_284 : i32
        %mul3A_286 = arith.constant 128 : i32
        %mul3A_287 = arith.muli %add3A_285, %mul3A_286 : i32
        %multiple_of3A_288 = tpu.assume_multiple %mul3A_287, 8 : i32
        %dma_wait3A_289 = arith.constant 0 : i32
        %dma_wait3A_290 = tpu.memref_slice %arg3[%dma_wait3A_289, %multiple_of3A_288] : memref<2x320000xi32, #tpu.memory_space<hbm>> -> memref<1x128xi32, #tpu.memory_space<hbm>>
        %dma_wait3A_291 = tpu.memref_squeeze %dma_wait3A_290 : memref<1x128xi32, #tpu.memory_space<hbm>> -> memref<128xi32, #tpu.memory_space<hbm>>
        %dma_wait3A_292 = tpu.memref_slice %arg3[%dma_wait3A_289, %multiple_of3A_288] : memref<2x320000xi32, #tpu.memory_space<hbm>> -> memref<1x128xi32, #tpu.memory_space<hbm>>
        %dma_wait3A_293 = tpu.memref_squeeze %dma_wait3A_292 : memref<1x128xi32, #tpu.memory_space<hbm>> -> memref<128xi32, #tpu.memory_space<hbm>>
        tpu.wait_dma2 semaphore(%arg25 : memref<!tpu.dma_semaphore, #tpu.memory_space<semaphore_mem>>) src(%dma_wait3A_293 : memref<128xi32, #tpu.memory_space<hbm>>) dst(%arg6 : memref<128xi32, #tpu.memory_space<vmem>>)
        %dma_wait3A_294 = arith.constant 1 : i32
        %dma_wait3A_295 = tpu.memref_slice %arg3[%dma_wait3A_294, %multiple_of3A_288] : memref<2x320000xi32, #tpu.memory_space<hbm>> -> memref<1x128xi32, #tpu.memory_space<hbm>>
        %dma_wait3A_296 = tpu.memref_squeeze %dma_wait3A_295 : memref<1x128xi32, #tpu.memory_space<hbm>> -> memref<128xi32, #tpu.memory_space<hbm>>
        %dma_wait3A_297 = tpu.memref_slice %arg3[%dma_wait3A_294, %multiple_of3A_288] : memref<2x320000xi32, #tpu.memory_space<hbm>> -> memref<1x128xi32, #tpu.memory_space<hbm>>
        %dma_wait3A_298 = tpu.memref_squeeze %dma_wait3A_297 : memref<1x128xi32, #tpu.memory_space<hbm>> -> memref<128xi32, #tpu.memory_space<hbm>>
        tpu.wait_dma2 semaphore(%arg25 : memref<!tpu.dma_semaphore, #tpu.memory_space<semaphore_mem>>) src(%dma_wait3A_298 : memref<128xi32, #tpu.memory_space<hbm>>) dst(%arg12 : memref<128xi32, #tpu.memory_space<vmem>>)
        %ge3A = arith.constant 1 : i32
        %ge3A_299 = arith.cmpi sge, %add3A_260, %ge3A : i32
        %convert_element_type3A_300 = arith.extui %ge3A_299 : i1 to i32
        %cond3A_301 = arith.constant 0 : i32
        %cond3A_302 = arith.cmpi ne, %convert_element_type3A_300, %cond3A_301 : i32
        scf.if %cond3A_302 {
          %dma_wait3A_306 = arith.constant 0 : i32
          %dma_wait3A_307 = arith.constant 0 : i32
          %dma_wait3A_308 = tpu.memref_slice %arg20[%dma_wait3A_306, %dma_wait3A_307] : memref<10000x128xf32, #tpu.memory_space<vmem_shared>> -> memref<10000x128xf32, #tpu.memory_space<vmem_shared>>
          tpu.wait_indirect_dma semaphore(%arg31 : memref<!tpu.dma_semaphore, #tpu.memory_space<semaphore_mem>>) src(%arg18 : memref<128x128xf32, #tpu.memory_space<vmem>>) dst(%dma_wait3A_308 : memref<10000x128xf32, #tpu.memory_space<vmem_shared>>)
        } else {
        }
        %dma_start3A_303 = arith.constant 0 : i32
        %dma_start3A_304 = arith.constant 0 : i32
        %dma_start3A_305 = tpu.memref_slice %arg2[%dma_start3A_303, %dma_start3A_304] : memref<10000x128xf32, #tpu.memory_space<hbm>> -> memref<10000x128xf32, #tpu.memory_space<hbm>>
        tpu.enqueue_indirect_dma source(%dma_start3A_305 : memref<10000x128xf32, #tpu.memory_space<hbm>>) target(%arg18 : memref<128x128xf32, #tpu.memory_space<vmem>>) offsets(%arg6 : memref<128xi32, #tpu.memory_space<vmem>>) semaphore(%arg22 : memref<!tpu.dma_semaphore, #tpu.memory_space<semaphore_mem>>)
      } else {
      }
    }
    %scan3A_113 = arith.constant 13 : i32
    %dma_wait3A_114 = arith.constant 0 : i32
    %dma_wait3A_115 = arith.constant 0 : i32
    %dma_wait3A_116 = tpu.memref_slice %arg20[%dma_wait3A_114, %dma_wait3A_115] : memref<10000x128xf32, #tpu.memory_space<vmem_shared>> -> memref<10000x128xf32, #tpu.memory_space<vmem_shared>>
    tpu.wait_indirect_dma semaphore(%arg30 : memref<!tpu.dma_semaphore, #tpu.memory_space<semaphore_mem>>) src(%arg17 : memref<128x128xf32, #tpu.memory_space<vmem>>) dst(%dma_wait3A_116 : memref<10000x128xf32, #tpu.memory_space<vmem_shared>>)
    %dma_wait3A_117 = arith.constant 0 : i32
    %dma_wait3A_118 = arith.constant 0 : i32
    %dma_wait3A_119 = tpu.memref_slice %arg20[%dma_wait3A_117, %dma_wait3A_118] : memref<10000x128xf32, #tpu.memory_space<vmem_shared>> -> memref<10000x128xf32, #tpu.memory_space<vmem_shared>>
    tpu.wait_indirect_dma semaphore(%arg31 : memref<!tpu.dma_semaphore, #tpu.memory_space<semaphore_mem>>) src(%arg18 : memref<128x128xf32, #tpu.memory_space<vmem>>) dst(%dma_wait3A_119 : memref<10000x128xf32, #tpu.memory_space<vmem_shared>>)
    %dma_wait3A_120 = arith.constant 0 : i32
    %dma_wait3A_121 = arith.constant 0 : i32
    %dma_wait3A_122 = tpu.memref_slice %arg20[%dma_wait3A_120, %dma_wait3A_121] : memref<10000x128xf32, #tpu.memory_space<vmem_shared>> -> memref<10000x128xf32, #tpu.memory_space<vmem_shared>>
    tpu.wait_indirect_dma semaphore(%arg32 : memref<!tpu.dma_semaphore, #tpu.memory_space<semaphore_mem>>) src(%arg19 : memref<128x128xf32, #tpu.memory_space<vmem>>) dst(%dma_wait3A_122 : memref<10000x128xf32, #tpu.memory_space<vmem_shared>>)
    %add3A_123 = arith.constant 2496 : i32
    %add3A_124 = arith.addi %add3A, %add3A_123 : i32
    %lt3A = arith.constant 2500 : i32
    %lt3A_125 = arith.cmpi slt, %add3A_124, %lt3A : i32
    %convert_element_type3A_126 = arith.extui %lt3A_125 : i1 to i32
    %cond3A_127 = arith.constant 0 : i32
    %cond3A_128 = arith.cmpi ne, %convert_element_type3A_126, %cond3A_127 : i32
    scf.if %cond3A_128 {
      %add3A_136 = arith.constant 2496 : i32
      %add3A_137 = arith.addi %add3A, %add3A_136 : i32
      %mul3A_138 = arith.constant 128 : i32
      %mul3A_139 = arith.muli %add3A_137, %mul3A_138 : i32
      %multiple_of3A_140 = tpu.assume_multiple %mul3A_139, 8 : i32
      %run_scoped3A = arith.constant 0 : i32
      "tpu.region"() ({
        %run_scoped3A_148 = tpu.sem_alloc : memref<!tpu.dma_semaphore, #tpu.memory_space<semaphore_mem>>
        %dma_start3A_149 = tpu.memref_slice %arg3[%run_scoped3A, %multiple_of3A_140] : memref<2x320000xi32, #tpu.memory_space<hbm>> -> memref<1x128xi32, #tpu.memory_space<hbm>>
        %dma_start3A_150 = tpu.memref_squeeze %dma_start3A_149 : memref<1x128xi32, #tpu.memory_space<hbm>> -> memref<128xi32, #tpu.memory_space<hbm>>
        %dma_start3A_151 = tpu.memref_slice %arg3[%run_scoped3A, %multiple_of3A_140] : memref<2x320000xi32, #tpu.memory_space<hbm>> -> memref<1x128xi32, #tpu.memory_space<hbm>>
        %dma_start3A_152 = tpu.memref_squeeze %dma_start3A_151 : memref<1x128xi32, #tpu.memory_space<hbm>> -> memref<128xi32, #tpu.memory_space<hbm>>
        tpu.enqueue_dma source(%dma_start3A_152 : memref<128xi32, #tpu.memory_space<hbm>>) target(%arg5 : memref<128xi32, #tpu.memory_space<vmem>>) target_semaphore(%run_scoped3A_148 : memref<!tpu.dma_semaphore, #tpu.memory_space<semaphore_mem>>)
        %dma_wait3A_153 = tpu.memref_slice %arg3[%run_scoped3A, %multiple_of3A_140] : memref<2x320000xi32, #tpu.memory_space<hbm>> -> memref<1x128xi32, #tpu.memory_space<hbm>>
        %dma_wait3A_154 = tpu.memref_squeeze %dma_wait3A_153 : memref<1x128xi32, #tpu.memory_space<hbm>> -> memref<128xi32, #tpu.memory_space<hbm>>
        %dma_wait3A_155 = tpu.memref_slice %arg3[%run_scoped3A, %multiple_of3A_140] : memref<2x320000xi32, #tpu.memory_space<hbm>> -> memref<1x128xi32, #tpu.memory_space<hbm>>
        %dma_wait3A_156 = tpu.memref_squeeze %dma_wait3A_155 : memref<1x128xi32, #tpu.memory_space<hbm>> -> memref<128xi32, #tpu.memory_space<hbm>>
        tpu.wait_dma2 semaphore(%run_scoped3A_148 : memref<!tpu.dma_semaphore, #tpu.memory_space<semaphore_mem>>) src(%dma_wait3A_156 : memref<128xi32, #tpu.memory_space<hbm>>) dst(%arg5 : memref<128xi32, #tpu.memory_space<vmem>>)
        tpu.yield
      }) : () -> ()
      %run_scoped3A_141 = arith.constant 1 : i32
      "tpu.region"() ({
        %run_scoped3A_148 = tpu.sem_alloc : memref<!tpu.dma_semaphore, #tpu.memory_space<semaphore_mem>>
        %dma_start3A_149 = tpu.memref_slice %arg3[%run_scoped3A_141, %multiple_of3A_140] : memref<2x320000xi32, #tpu.memory_space<hbm>> -> memref<1x128xi32, #tpu.memory_space<hbm>>
        %dma_start3A_150 = tpu.memref_squeeze %dma_start3A_149 : memref<1x128xi32, #tpu.memory_space<hbm>> -> memref<128xi32, #tpu.memory_space<hbm>>
        %dma_start3A_151 = tpu.memref_slice %arg3[%run_scoped3A_141, %multiple_of3A_140] : memref<2x320000xi32, #tpu.memory_space<hbm>> -> memref<1x128xi32, #tpu.memory_space<hbm>>
        %dma_start3A_152 = tpu.memref_squeeze %dma_start3A_151 : memref<1x128xi32, #tpu.memory_space<hbm>> -> memref<128xi32, #tpu.memory_space<hbm>>
        tpu.enqueue_dma source(%dma_start3A_152 : memref<128xi32, #tpu.memory_space<hbm>>) target(%arg11 : memref<128xi32, #tpu.memory_space<vmem>>) target_semaphore(%run_scoped3A_148 : memref<!tpu.dma_semaphore, #tpu.memory_space<semaphore_mem>>)
        %dma_wait3A_153 = tpu.memref_slice %arg3[%run_scoped3A_141, %multiple_of3A_140] : memref<2x320000xi32, #tpu.memory_space<hbm>> -> memref<1x128xi32, #tpu.memory_space<hbm>>
        %dma_wait3A_154 = tpu.memref_squeeze %dma_wait3A_153 : memref<1x128xi32, #tpu.memory_space<hbm>> -> memref<128xi32, #tpu.memory_space<hbm>>
        %dma_wait3A_155 = tpu.memref_slice %arg3[%run_scoped3A_141, %multiple_of3A_140] : memref<2x320000xi32, #tpu.memory_space<hbm>> -> memref<1x128xi32, #tpu.memory_space<hbm>>
        %dma_wait3A_156 = tpu.memref_squeeze %dma_wait3A_155 : memref<1x128xi32, #tpu.memory_space<hbm>> -> memref<128xi32, #tpu.memory_space<hbm>>
        tpu.wait_dma2 semaphore(%run_scoped3A_148 : memref<!tpu.dma_semaphore, #tpu.memory_space<semaphore_mem>>) src(%dma_wait3A_156 : memref<128xi32, #tpu.memory_space<hbm>>) dst(%arg11 : memref<128xi32, #tpu.memory_space<vmem>>)
        tpu.yield
      }) : () -> ()
      %dma_start3A_142 = arith.constant 0 : i32
      %dma_start3A_143 = arith.constant 0 : i32
      %dma_start3A_144 = tpu.memref_slice %arg2[%dma_start3A_142, %dma_start3A_143] : memref<10000x128xf32, #tpu.memory_space<hbm>> -> memref<10000x128xf32, #tpu.memory_space<hbm>>
      tpu.enqueue_indirect_dma source(%dma_start3A_144 : memref<10000x128xf32, #tpu.memory_space<hbm>>) target(%arg17 : memref<128x128xf32, #tpu.memory_space<vmem>>) offsets(%arg5 : memref<128xi32, #tpu.memory_space<vmem>>) semaphore(%arg21 : memref<!tpu.dma_semaphore, #tpu.memory_space<semaphore_mem>>)
      %dma_wait3A_145 = arith.constant 0 : i32
      %dma_wait3A_146 = arith.constant 0 : i32
      %dma_wait3A_147 = tpu.memref_slice %arg2[%dma_wait3A_145, %dma_wait3A_146] : memref<10000x128xf32, #tpu.memory_space<hbm>> -> memref<10000x128xf32, #tpu.memory_space<hbm>>
      tpu.wait_indirect_dma semaphore(%arg21 : memref<!tpu.dma_semaphore, #tpu.memory_space<semaphore_mem>>) src(%dma_wait3A_147 : memref<10000x128xf32, #tpu.memory_space<hbm>>) dst(%arg17 : memref<128x128xf32, #tpu.memory_space<vmem>>)
      "tpu.region"() ({
        %run_scoped3A_148 = tpu.sem_alloc : memref<!tpu.dma_semaphore, #tpu.memory_space<semaphore_mem>>
        %dma_start3A_149 = arith.constant 0 : i32
        %dma_start3A_150 = arith.constant 0 : i32
        %dma_start3A_151 = tpu.memref_slice %arg20[%dma_start3A_149, %dma_start3A_150] : memref<10000x128xf32, #tpu.memory_space<vmem_shared>> -> memref<10000x128xf32, #tpu.memory_space<vmem_shared>>
        tpu.enqueue_indirect_dma source(%arg17 : memref<128x128xf32, #tpu.memory_space<vmem>>) target(%dma_start3A_151 : memref<10000x128xf32, #tpu.memory_space<vmem_shared>>) offsets(%arg11 : memref<128xi32, #tpu.memory_space<vmem>>) semaphore(%run_scoped3A_148 : memref<!tpu.dma_semaphore, #tpu.memory_space<semaphore_mem>>) {add = true}
        %dma_wait3A_152 = arith.constant 0 : i32
        %dma_wait3A_153 = arith.constant 0 : i32
        %dma_wait3A_154 = tpu.memref_slice %arg20[%dma_wait3A_152, %dma_wait3A_153] : memref<10000x128xf32, #tpu.memory_space<vmem_shared>> -> memref<10000x128xf32, #tpu.memory_space<vmem_shared>>
        tpu.wait_indirect_dma semaphore(%run_scoped3A_148 : memref<!tpu.dma_semaphore, #tpu.memory_space<semaphore_mem>>) src(%arg17 : memref<128x128xf32, #tpu.memory_space<vmem>>) dst(%dma_wait3A_154 : memref<10000x128xf32, #tpu.memory_space<vmem_shared>>)
        tpu.yield
      }) : () -> ()
    } else {
    }
    %barrier3A_129 = arith.constant 0 : index
    tpu.barrier barrier_id(%barrier3A_129)
    %scan3A_130 = arith.constant 0 : i32
    %scan3A_131 = arith.constant 0 : i32
    %scan3A_132 = arith.constant 4 : i32
    %scan3A_133 = arith.addi %scan3A_131, %scan3A_132 : i32
    %scan3A_134 = arith.constant 1 : i32
    scf.for %scan3A_136 = %scan3A_131 to %scan3A_133 step %scan3A_134  : i32 {
      %mul3A_137 = arith.constant 16 : i32
      %mul3A_138 = arith.muli %mul3A_137, %scan3A_136 : i32
      %add3A_139 = arith.addi %arg1, %mul3A_138 : i32
      %lt3A_140 = arith.constant 50 : i32
      %lt3A_141 = arith.cmpi slt, %add3A_139, %lt3A_140 : i32
      %convert_element_type3A_142 = arith.extui %lt3A_141 : i1 to i32
      %cond3A_143 = arith.constant 0 : i32
      %cond3A_144 = arith.cmpi ne, %convert_element_type3A_142, %cond3A_143 : i32
      scf.if %cond3A_144 {
        %mul3A_145 = arith.constant 200 : i32
        %mul3A_146 = arith.muli %add3A_139, %mul3A_145 : i32
        %multiple_of3A_147 = tpu.assume_multiple %mul3A_146, 8 : i32
        "tpu.region"() ({
          %run_scoped3A = tpu.sem_alloc : memref<!tpu.dma_semaphore, #tpu.memory_space<semaphore_mem>>
          %dma_start3A_148 = arith.constant 0 : i32
          %dma_start3A_149 = tpu.memref_slice %arg4[%arg0, %multiple_of3A_147, %dma_start3A_148] : memref<2x10000x128xf32, #tpu.memory_space<hbm>> -> memref<1x200x128xf32, #tpu.memory_space<hbm>>
          %dma_start3A_150 = tpu.memref_squeeze %dma_start3A_149 : memref<1x200x128xf32, #tpu.memory_space<hbm>> -> memref<200x128xf32, #tpu.memory_space<hbm>>
          %dma_start3A_151 = arith.constant 0 : i32
          %dma_start3A_152 = tpu.memref_slice %arg20[%multiple_of3A_147, %dma_start3A_151] : memref<10000x128xf32, #tpu.memory_space<vmem_shared>> -> memref<200x128xf32, #tpu.memory_space<vmem_shared>>
          tpu.enqueue_dma source(%dma_start3A_152 : memref<200x128xf32, #tpu.memory_space<vmem_shared>>) target(%dma_start3A_150 : memref<200x128xf32, #tpu.memory_space<hbm>>) target_semaphore(%run_scoped3A : memref<!tpu.dma_semaphore, #tpu.memory_space<semaphore_mem>>)
          %dma_wait3A_153 = arith.constant 0 : i32
          %dma_wait3A_154 = tpu.memref_slice %arg4[%arg0, %multiple_of3A_147, %dma_wait3A_153] : memref<2x10000x128xf32, #tpu.memory_space<hbm>> -> memref<1x200x128xf32, #tpu.memory_space<hbm>>
          %dma_wait3A_155 = tpu.memref_squeeze %dma_wait3A_154 : memref<1x200x128xf32, #tpu.memory_space<hbm>> -> memref<200x128xf32, #tpu.memory_space<hbm>>
          %dma_wait3A_156 = arith.constant 0 : i32
          %dma_wait3A_157 = tpu.memref_slice %arg20[%multiple_of3A_147, %dma_wait3A_156] : memref<10000x128xf32, #tpu.memory_space<vmem_shared>> -> memref<200x128xf32, #tpu.memory_space<vmem_shared>>
          tpu.wait_dma2 semaphore(%run_scoped3A : memref<!tpu.dma_semaphore, #tpu.memory_space<semaphore_mem>>) src(%dma_wait3A_157 : memref<200x128xf32, #tpu.memory_space<vmem_shared>>) dst(%dma_wait3A_155 : memref<200x128xf32, #tpu.memory_space<hbm>>)
          tpu.yield
        }) : () -> ()
      } else {
      }
    }
    %scan3A_135 = arith.constant 4 : i32
    return
  }
}

module attributes {stable_mosaic.version = 14 : i64} {
  func.func @_mlp1_body(%arg0: i32, %arg1: memref<2x1000x128xf32, #tpu.memory_space<vmem>>, %arg2: memref<128x128xf32, #tpu.memory_space<vmem>>, %arg3: memref<1x128xf32, #tpu.memory_space<vmem>>, %arg4: memref<128x128xf32, #tpu.memory_space<vmem>>, %arg5: memref<1x128xf32, #tpu.memory_space<vmem>>, %arg6: memref<1000x128xf32, #tpu.memory_space<vmem>>) attributes {dimension_semantics = [#tpu.dimension_semantics<arbitrary>], iteration_bounds = array<i64: 10>, scalar_prefetch = 0 : i64, scratch_operands = 0 : i64, tpu.core_type = #tpu.core_type<tc>, window_params = [{transform_indices = @transform_0, window_bounds = array<i64: 2, 1000, 128>}, {pipeline_mode = #tpu.pipeline_mode<synchronous>, transform_indices = @transform_1, window_bounds = array<i64: 128, 128>}, {pipeline_mode = #tpu.pipeline_mode<synchronous>, transform_indices = @transform_2, window_bounds = array<i64: 1, 128>}, {pipeline_mode = #tpu.pipeline_mode<synchronous>, transform_indices = @transform_3, window_bounds = array<i64: 128, 128>}, {pipeline_mode = #tpu.pipeline_mode<synchronous>, transform_indices = @transform_4, window_bounds = array<i64: 1, 128>}, {transform_indices = @transform_5, window_bounds = array<i64: 1000, 128>}]} {
    %get3A = arith.constant 0 : index
    %get3A_0 = arith.constant 0 : index
    %get3A_1 = arith.constant 0 : index
    %get3A_2 = vector.load %arg1[%get3A, %get3A_0, %get3A_1] : memref<2x1000x128xf32, #tpu.memory_space<vmem>>, vector<1x1000x128xf32>
    %get3A_3 = vector.shape_cast %get3A_2 : vector<1x1000x128xf32> to vector<1000x128xf32>
    %get3A_4 = arith.constant 1 : index
    %get3A_5 = arith.constant 0 : index
    %get3A_6 = arith.constant 0 : index
    %get3A_7 = vector.load %arg1[%get3A_4, %get3A_5, %get3A_6] : memref<2x1000x128xf32, #tpu.memory_space<vmem>>, vector<1x1000x128xf32>
    %get3A_8 = vector.shape_cast %get3A_7 : vector<1x1000x128xf32> to vector<1000x128xf32>
    %add3A = arith.addf %get3A_3, %get3A_8 : vector<1000x128xf32>
    %get3A_9 = arith.constant 0 : index
    %get3A_10 = arith.constant 0 : index
    %get3A_11 = vector.load %arg2[%get3A_9, %get3A_10] : memref<128x128xf32, #tpu.memory_space<vmem>>, vector<128x128xf32>
    %dot_general3A = arith.constant dense<0.000000e+00> : vector<1000x128xf32>
    %dot_general3A_12 = tpu.matmul %add3A, %get3A_11, %dot_general3A {dimension_numbers = #tpu.dot_dimension_numbers<[1], [0], [0], [1], [0, 0, 1, 1], [], []>, transpose_lhs_hint = false} : vector<1000x128xf32>, vector<128x128xf32>, vector<1000x128xf32> -> vector<1000x128xf32>
    %get3A_13 = arith.constant 0 : index
    %get3A_14 = arith.constant 0 : index
    %get3A_15 = vector.load %arg3[%get3A_13, %get3A_14] : memref<1x128xf32, #tpu.memory_space<vmem>>, vector<1x128xf32>
    %add3A_16 = vector.broadcast %get3A_15 : vector<1x128xf32> to vector<1000x128xf32>
    %add3A_17 = arith.addf %dot_general3A_12, %add3A_16 : vector<1000x128xf32>
    %max3A = arith.constant 0.000000e+00 : f32
    %max3A_18 = vector.broadcast %max3A : f32 to vector<1000x128xf32>
    %max3A_19 = arith.maximumf %add3A_17, %max3A_18 : vector<1000x128xf32>
    %get3A_20 = arith.constant 0 : index
    %get3A_21 = arith.constant 0 : index
    %get3A_22 = vector.load %arg4[%get3A_20, %get3A_21] : memref<128x128xf32, #tpu.memory_space<vmem>>, vector<128x128xf32>
    %dot_general3A_23 = arith.constant dense<0.000000e+00> : vector<1000x128xf32>
    %dot_general3A_24 = tpu.matmul %max3A_19, %get3A_22, %dot_general3A_23 {dimension_numbers = #tpu.dot_dimension_numbers<[1], [0], [0], [1], [0, 0, 1, 1], [], []>, transpose_lhs_hint = false} : vector<1000x128xf32>, vector<128x128xf32>, vector<1000x128xf32> -> vector<1000x128xf32>
    %get3A_25 = arith.constant 0 : index
    %get3A_26 = arith.constant 0 : index
    %get3A_27 = vector.load %arg5[%get3A_25, %get3A_26] : memref<1x128xf32, #tpu.memory_space<vmem>>, vector<1x128xf32>
    %add3A_28 = vector.broadcast %get3A_27 : vector<1x128xf32> to vector<1000x128xf32>
    %add3A_29 = arith.addf %dot_general3A_24, %add3A_28 : vector<1000x128xf32>
    %max3A_30 = arith.constant 0.000000e+00 : f32
    %max3A_31 = vector.broadcast %max3A_30 : f32 to vector<1000x128xf32>
    %max3A_32 = arith.maximumf %add3A_29, %max3A_31 : vector<1000x128xf32>
    %swap3A = arith.constant 0 : index
    %swap3A_33 = arith.constant 0 : index
    %swap3A_34 = vector.load %arg6[%swap3A, %swap3A_33] : memref<1000x128xf32, #tpu.memory_space<vmem>>, vector<1000x128xf32>
    tpu.vector_store %arg6[%swap3A, %swap3A_33], %max3A_32 {strides = array<i32>} : memref<1000x128xf32, #tpu.memory_space<vmem>>, vector<1000x128xf32>,
    return
  }
  func.func @transform_0(%arg0: i32) -> (i32, i32, i32) {
    %c0_i32 = arith.constant 0 : i32
    %c0_i32_0 = arith.constant 0 : i32
    %c0_i32_1 = arith.constant 0 : i32
    return %c0_i32, %arg0, %c0_i32_0 : i32, i32, i32
  }
  func.func @transform_1(%arg0: i32) -> (i32, i32) {
    %c0_i32 = arith.constant 0 : i32
    %c0_i32_0 = arith.constant 0 : i32
    %c0_i32_1 = arith.constant 0 : i32
    return %c0_i32, %c0_i32_0 : i32, i32
  }
  func.func @transform_2(%arg0: i32) -> (i32, i32) {
    %c0_i32 = arith.constant 0 : i32
    %c0_i32_0 = arith.constant 0 : i32
    %c0_i32_1 = arith.constant 0 : i32
    return %c0_i32, %c0_i32_0 : i32, i32
  }
  func.func @transform_3(%arg0: i32) -> (i32, i32) {
    %c0_i32 = arith.constant 0 : i32
    %c0_i32_0 = arith.constant 0 : i32
    %c0_i32_1 = arith.constant 0 : i32
    return %c0_i32, %c0_i32_0 : i32, i32
  }
  func.func @transform_4(%arg0: i32) -> (i32, i32) {
    %c0_i32 = arith.constant 0 : i32
    %c0_i32_0 = arith.constant 0 : i32
    %c0_i32_1 = arith.constant 0 : i32
    return %c0_i32, %c0_i32_0 : i32, i32
  }
  func.func @transform_5(%arg0: i32) -> (i32, i32) {
    %c0_i32 = arith.constant 0 : i32
    %c0_i32_0 = arith.constant 0 : i32
    return %arg0, %c0_i32 : i32, i32
  }
}

module attributes {stable_mosaic.version = 14 : i64} {
  func.func @_mlp2_body(%arg0: i32, %arg1: memref<2x1000x128xf32, #tpu.memory_space<vmem>>, %arg2: memref<128x128xf32, #tpu.memory_space<vmem>>, %arg3: memref<1x128xf32, #tpu.memory_space<vmem>>, %arg4: memref<128x128xf32, #tpu.memory_space<vmem>>, %arg5: memref<1x128xf32, #tpu.memory_space<vmem>>, %arg6: memref<1000x64xf32, #tpu.memory_space<vmem>>, %arg7: memref<64x2000xf32, #tpu.memory_space<vmem>>, %arg8: memref<64x128xf32, #tpu.memory_space<vmem>>) attributes {dimension_semantics = [#tpu.dimension_semantics<arbitrary>], iteration_bounds = array<i64: 10>, scalar_prefetch = 0 : i64, scratch_operands = 0 : i64, tpu.core_type = #tpu.core_type<tc>, window_params = [{transform_indices = @transform_0, window_bounds = array<i64: 2, 1000, 128>}, {pipeline_mode = #tpu.pipeline_mode<synchronous>, transform_indices = @transform_1, window_bounds = array<i64: 128, 128>}, {pipeline_mode = #tpu.pipeline_mode<synchronous>, transform_indices = @transform_2, window_bounds = array<i64: 1, 128>}, {pipeline_mode = #tpu.pipeline_mode<synchronous>, transform_indices = @transform_3, window_bounds = array<i64: 128, 128>}, {pipeline_mode = #tpu.pipeline_mode<synchronous>, transform_indices = @transform_4, window_bounds = array<i64: 1, 128>}, {transform_indices = @transform_5, window_bounds = array<i64: 1000, 64>}, {pipeline_mode = #tpu.pipeline_mode<synchronous>, transform_indices = @transform_6, window_bounds = array<i64: 64, 2000>}, {pipeline_mode = #tpu.pipeline_mode<synchronous>, transform_indices = @transform_7, window_bounds = array<i64: 64, 128>}]} {
    %get3A = arith.constant 0 : index
    %get3A_0 = arith.constant 0 : index
    %get3A_1 = arith.constant 0 : index
    %get3A_2 = vector.load %arg1[%get3A, %get3A_0, %get3A_1] : memref<2x1000x128xf32, #tpu.memory_space<vmem>>, vector<1x1000x128xf32>
    %get3A_3 = vector.shape_cast %get3A_2 : vector<1x1000x128xf32> to vector<1000x128xf32>
    %get3A_4 = arith.constant 1 : index
    %get3A_5 = arith.constant 0 : index
    %get3A_6 = arith.constant 0 : index
    %get3A_7 = vector.load %arg1[%get3A_4, %get3A_5, %get3A_6] : memref<2x1000x128xf32, #tpu.memory_space<vmem>>, vector<1x1000x128xf32>
    %get3A_8 = vector.shape_cast %get3A_7 : vector<1x1000x128xf32> to vector<1000x128xf32>
    %add3A = arith.addf %get3A_3, %get3A_8 : vector<1000x128xf32>
    %get3A_9 = arith.constant 0 : index
    %get3A_10 = arith.constant 0 : index
    %get3A_11 = vector.load %arg2[%get3A_9, %get3A_10] : memref<128x128xf32, #tpu.memory_space<vmem>>, vector<128x128xf32>
    %dot_general3A = arith.constant dense<0.000000e+00> : vector<1000x128xf32>
    %dot_general3A_12 = tpu.matmul %add3A, %get3A_11, %dot_general3A {dimension_numbers = #tpu.dot_dimension_numbers<[1], [0], [0], [1], [0, 0, 1, 1], [], []>, transpose_lhs_hint = false} : vector<1000x128xf32>, vector<128x128xf32>, vector<1000x128xf32> -> vector<1000x128xf32>
    %get3A_13 = arith.constant 0 : index
    %get3A_14 = arith.constant 0 : index
    %get3A_15 = vector.load %arg3[%get3A_13, %get3A_14] : memref<1x128xf32, #tpu.memory_space<vmem>>, vector<1x128xf32>
    %add3A_16 = vector.broadcast %get3A_15 : vector<1x128xf32> to vector<1000x128xf32>
    %add3A_17 = arith.addf %dot_general3A_12, %add3A_16 : vector<1000x128xf32>
    %max3A = arith.constant 0.000000e+00 : f32
    %max3A_18 = vector.broadcast %max3A : f32 to vector<1000x128xf32>
    %max3A_19 = arith.maximumf %add3A_17, %max3A_18 : vector<1000x128xf32>
    %get3A_20 = arith.constant 0 : index
    %get3A_21 = arith.constant 0 : index
    %get3A_22 = vector.load %arg4[%get3A_20, %get3A_21] : memref<128x128xf32, #tpu.memory_space<vmem>>, vector<128x128xf32>
    %dot_general3A_23 = arith.constant dense<0.000000e+00> : vector<1000x128xf32>
    %dot_general3A_24 = tpu.matmul %max3A_19, %get3A_22, %dot_general3A_23 {dimension_numbers = #tpu.dot_dimension_numbers<[1], [0], [0], [1], [0, 0, 1, 1], [], []>, transpose_lhs_hint = false} : vector<1000x128xf32>, vector<128x128xf32>, vector<1000x128xf32> -> vector<1000x128xf32>
    %get3A_25 = arith.constant 0 : index
    %get3A_26 = arith.constant 0 : index
    %get3A_27 = vector.load %arg5[%get3A_25, %get3A_26] : memref<1x128xf32, #tpu.memory_space<vmem>>, vector<1x128xf32>
    %add3A_28 = vector.broadcast %get3A_27 : vector<1x128xf32> to vector<1000x128xf32>
    %add3A_29 = arith.addf %dot_general3A_24, %add3A_28 : vector<1000x128xf32>
    %get3A_30 = arith.constant 0 : index
    %get3A_31 = arith.constant 0 : index
    %get3A_32 = vector.load %arg6[%get3A_30, %get3A_31] : memref<1000x64xf32, #tpu.memory_space<vmem>>, vector<1000x64xf32>
    %dot_general3A_33 = arith.constant dense<0.000000e+00> : vector<64x128xf32>
    %dot_general3A_34 = tpu.matmul %get3A_32, %add3A_29, %dot_general3A_33 {dimension_numbers = #tpu.dot_dimension_numbers<[0], [0], [1], [1], [0, 1, 1, 1], [], []>, transpose_lhs_hint = false} : vector<1000x64xf32>, vector<1000x128xf32>, vector<64x128xf32> -> vector<64x128xf32>
    %eq3A = arith.constant 0 : i32
    %eq3A_35 = arith.cmpi eq, %arg0, %eq3A : i32
    %convert_element_type3A = arith.extui %eq3A_35 : i1 to i32
    %cond3A = arith.constant 0 : i32
    %cond3A_36 = arith.cmpi ne, %convert_element_type3A, %cond3A : i32
    scf.if %cond3A_36 {
      %broadcast_in_dim3A = arith.constant 0.000000e+00 : f32
      %broadcast_in_dim3A_48 = vector.broadcast %broadcast_in_dim3A : f32 to vector<64x128xf32>
      %swap3A_49 = arith.constant 0 : index
      %swap3A_50 = arith.constant 0 : index
      %swap3A_51 = vector.load %arg8[%swap3A_49, %swap3A_50] : memref<64x128xf32, #tpu.memory_space<vmem>>, vector<64x128xf32>
      tpu.vector_store %arg8[%swap3A_49, %swap3A_50], %broadcast_in_dim3A_48 {strides = array<i32>} : memref<64x128xf32, #tpu.memory_space<vmem>>, vector<64x128xf32>,
    } else {
    }
    %get3A_37 = arith.constant 0 : index
    %get3A_38 = arith.constant 0 : index
    %get3A_39 = vector.load %arg8[%get3A_37, %get3A_38] : memref<64x128xf32, #tpu.memory_space<vmem>>, vector<64x128xf32>
    %add3A_40 = arith.addf %get3A_39, %dot_general3A_34 : vector<64x128xf32>
    %swap3A = arith.constant 0 : index
    %swap3A_41 = arith.constant 0 : index
    %swap3A_42 = vector.load %arg8[%swap3A, %swap3A_41] : memref<64x128xf32, #tpu.memory_space<vmem>>, vector<64x128xf32>
    tpu.vector_store %arg8[%swap3A, %swap3A_41], %add3A_40 {strides = array<i32>} : memref<64x128xf32, #tpu.memory_space<vmem>>, vector<64x128xf32>,
    %eq3A_43 = arith.constant 9 : i32
    %eq3A_44 = arith.cmpi eq, %arg0, %eq3A_43 : i32
    %convert_element_type3A_45 = arith.extui %eq3A_44 : i1 to i32
    %cond3A_46 = arith.constant 0 : i32
    %cond3A_47 = arith.cmpi ne, %convert_element_type3A_45, %cond3A_46 : i32
    scf.if %cond3A_47 {
      %get3A_48 = arith.constant 0 : index
      %get3A_49 = arith.constant 0 : index
      %get3A_50 = vector.load %arg7[%get3A_48, %get3A_49] : memref<64x2000xf32, #tpu.memory_space<vmem>>, vector<64x2000xf32>
      %reduce_sum3A = arith.constant dense<0.000000e+00> : vector<64xf32>
      %reduce_sum3A_51 = vector.multi_reduction <add>, %get3A_50, %reduce_sum3A [1] : vector<64x2000xf32> to vector<64xf32>
      %broadcast_in_dim3A = vector.shape_cast %reduce_sum3A_51 : vector<64xf32> to vector<64x1xf32>
      %add3A_52 = arith.constant 9.99999974E-5 : f32
      %add3A_53 = vector.broadcast %add3A_52 : f32 to vector<64x1xf32>
      %add3A_54 = arith.addf %broadcast_in_dim3A, %add3A_53 : vector<64x1xf32>
      %get3A_55 = arith.constant 0 : index
      %get3A_56 = arith.constant 0 : index
      %get3A_57 = vector.load %arg8[%get3A_55, %get3A_56] : memref<64x128xf32, #tpu.memory_space<vmem>>, vector<64x128xf32>
      %div3A = vector.broadcast %add3A_54 : vector<64x1xf32> to vector<64x128xf32>
      %div3A_58 = arith.divf %get3A_57, %div3A : vector<64x128xf32>
      %swap3A_59 = arith.constant 0 : index
      %swap3A_60 = arith.constant 0 : index
      %swap3A_61 = vector.load %arg8[%swap3A_59, %swap3A_60] : memref<64x128xf32, #tpu.memory_space<vmem>>, vector<64x128xf32>
      tpu.vector_store %arg8[%swap3A_59, %swap3A_60], %div3A_58 {strides = array<i32>} : memref<64x128xf32, #tpu.memory_space<vmem>>, vector<64x128xf32>,
    } else {
    }
    return
  }
  func.func @transform_0(%arg0: i32) -> (i32, i32, i32) {
    %c0_i32 = arith.constant 0 : i32
    %c0_i32_0 = arith.constant 0 : i32
    %c0_i32_1 = arith.constant 0 : i32
    return %c0_i32, %arg0, %c0_i32_0 : i32, i32, i32
  }
  func.func @transform_1(%arg0: i32) -> (i32, i32) {
    %c0_i32 = arith.constant 0 : i32
    %c0_i32_0 = arith.constant 0 : i32
    %c0_i32_1 = arith.constant 0 : i32
    return %c0_i32, %c0_i32_0 : i32, i32
  }
  func.func @transform_2(%arg0: i32) -> (i32, i32) {
    %c0_i32 = arith.constant 0 : i32
    %c0_i32_0 = arith.constant 0 : i32
    %c0_i32_1 = arith.constant 0 : i32
    return %c0_i32, %c0_i32_0 : i32, i32
  }
  func.func @transform_3(%arg0: i32) -> (i32, i32) {
    %c0_i32 = arith.constant 0 : i32
    %c0_i32_0 = arith.constant 0 : i32
    %c0_i32_1 = arith.constant 0 : i32
    return %c0_i32, %c0_i32_0 : i32, i32
  }
  func.func @transform_4(%arg0: i32) -> (i32, i32) {
    %c0_i32 = arith.constant 0 : i32
    %c0_i32_0 = arith.constant 0 : i32
    %c0_i32_1 = arith.constant 0 : i32
    return %c0_i32, %c0_i32_0 : i32, i32
  }
  func.func @transform_5(%arg0: i32) -> (i32, i32) {
    %c0_i32 = arith.constant 0 : i32
    %c0_i32_0 = arith.constant 0 : i32
    return %arg0, %c0_i32 : i32, i32
  }
  func.func @transform_6(%arg0: i32) -> (i32, i32) {
    %c0_i32 = arith.constant 0 : i32
    %c0_i32_0 = arith.constant 0 : i32
    %c0_i32_1 = arith.constant 0 : i32
    return %c0_i32, %c0_i32_0 : i32, i32
  }
  func.func @transform_7(%arg0: i32) -> (i32, i32) {
    %c0_i32 = arith.constant 0 : i32
    %c0_i32_0 = arith.constant 0 : i32
    %c0_i32_1 = arith.constant 0 : i32
    return %c0_i32, %c0_i32_0 : i32, i32
  }
}

</mosaic_0001>

<sc_bundles>
// kernel: kernel.6.cloned.1.call-start
scs
__scs_entry_jumppad:
0x0: {  	(pc) =	sbr.rel $0x88, $3  }
0x1: {  	(tag) =	ssettag $0x0;
	lr =	simm.s32 $0x1  }
0x2: {  	[smem:$0x3F96] =	sst lr;
	_ =	strace $0xD0000000  }
0x3: {  	_ = 	snop  }
0x4: {  	_ = 	snop  }
0x5: {  	_ = 	snop  }
0x6: {  	_ = 	snop  }
0x7: {  	_ = 	snop  }
__scs_overlays_trampoline_lowered:
0x8: {  	[smem:$0x3FA5] =	sst s0  }
0x9: {  	[smem:$0x3FA6] =	sst s1  }
0xa: {  	[smem:$0x3FA7] =	sst s2  }
0xb: {  	[smem:$0x3FA8] =	sst s3  }
0xc: {  	[smem:$0x3FA9] =	sst s4  }
0xd: {  	[smem:$0x3FAA] =	sst s5  }
0xe: {  	[smem:$0x3FAB] =	sst s6  }
0xf: {  	[smem:$0x3FAC] =	sst s7  }
0x10: {  	[smem:$0x3FAD] =	sst s8  }
0x11: {  	[smem:$0x3FAE] =	sst s9;
	s0 =	simm.s32 @!p0 $0x0  }
0x12: {  	s1 =	sld [smem:$0x3F94];
	s0 =	simm.s32 @p0 $0x1  }
0x13: {  	[smem:$0x3FAF] =	sst s0;
	s0 =	simm.s32 @!p1 $0x0  }
0x14: {  	s2 =	sld [smem:$0x3F93];
	s0 =	simm.s32 @p1 $0x1  }
0x15: {  	[smem:$0x3FB0] =	sst s0;
	s0 =	simm.s32 @!p2 $0x0  }
0x16: {  	s3 =	sld [smem:$0x3FDB];
	s0 =	simm.s32 @p2 $0x1  }
0x17: {  	s4 =	simm.s32 $0x1BF5;
	[smem:$0x3FB2] =	sst s0  }
0x18: {  	s0 =	sld [smem:$0x3F95];
	_ =	swait.ge [sflag:s4], $0x0  }
0x19: {  	s7 =	sld [smem:$0x3F96]  }
0x1a: {  	s8 =	sadd.s32 $0xFFFFE003, lr  }
0x1b: {  	s9 =	sadd.s32 $0xFFFFFEF7, lr;
	s5 =	simm.s32 $0xFFFFFFFF;
	p2 =	slt.u32 s8, $0xFFFFF086  }
0x1c: {  	p1 =	slt.u32 s9, $0xF7A;
	s5 =	simm.s32 @!p2 $0x0  }
0x1d: {  	s5 =	simm.s32 @p1 $0x1;
	p0 =	seq.s32 s7, s2  }
0x1e: {  	s7 =	smul.u32 @!p0 $0xF7A, s2;
	p2 =	seq.s32 @!p0 s5, $0x0  }
0x1f: {  	s9 =	smul.u32 $0xF7A, s1;
	s8 =	simm.s32 @!p0 $0x1BF5;
	p2 =	por !p2, p0  }
0x20: {  	[sflag:s8] =	ssyncset.s32 @!p0 $0xFFFFF086;
	s6 =	sadd.s32 @!p0 s3, s7;
	s7 =	simm.s32 @!p0 $0x108  }
0x21: {  	s3 =	sadd.s32 s3, s9;
	s6 =	sadd.s32 @!p0 $0x88, s6;
	s7 =	simm.s32 @p2 $0x1082  }
0x22: {  	[simem:s7], [sflag:s8] =	dma.local @!p0 [hbm:s6], $0xF7A  }
0x23: {  	s9 =	sor.u32 $0xD0000000, s2;
	s6 =	simm.s32 $0x108;
	_ =	swait.ge @!p0 [sflag:s8], $0x0  }
0x24: {  	s3 =	sadd.s32 $0x88, s3;
	s6 =	simm.s32 @!p1 $0x1082;
	[sflag:s4] =	ssyncset.s32 $0xFFFFF086  }
0x25: {  	[simem:s6], [sflag:s4] =	dma.local [hbm:s3], $0xF7A  }
0x26: {  	[smem:$0x3F96] =	sst s1;
	(tag) =	ssettag s2;
	_ =	strace s9  }
0x27: {  	s1 =	sld [smem:$0x3FA6]  }
0x28: {  	s2 =	sld [smem:$0x3FA7]  }
0x29: {  	s4 =	sld [smem:$0x3FA9]  }
0x2a: {  	p0 =	seq.s32 s5, $0x0;
	s5 =	sld [smem:$0x3FAA]  }
0x2b: {  	s6 =	sld [smem:$0x3FAB]  }
0x2c: {  	s7 =	sld [smem:$0x3FAC]  }
0x2d: {  	s3 =	simm.s32 $0x108;
	s8 =	sld [smem:$0x3FAD]  }
0x2e: {  	s3 =	simm.s32 @!p0 $0x1082;
	s9 =	sld [smem:$0x3FAE]  }
0x2f: {  	lr =	sadd.s32 s0, s3;
	s0 =	sld [smem:$0x3FA5]  }
0x30: {  	s3 =	sld [smem:$0x3FA8]  }
0x31: {  	[smem:$0x3FB1] =	sst s10  }
0x32: {  	s10 =	sld [smem:$0x3FAF];
	_ =	sdelay $0x3  }
0x33: {  	p0 =	seq.s32 s10, $0x1;
	s10 =	sld [smem:$0x3FB1];
	_ =	sdelay $0x3  }
0x34: {  	[smem:$0x3FB1] =	sst s10  }
0x35: {  	s10 =	sld [smem:$0x3FB0];
	_ =	sdelay $0x3  }
0x36: {  	p1 =	seq.s32 s10, $0x1;
	s10 =	sld [smem:$0x3FB1];
	_ =	sdelay $0x3  }
0x37: {  	[smem:$0x3FB1] =	sst s10  }
0x38: {  	s10 =	sld [smem:$0x3FB2]  }
0x39: {  	_ = 	snop;
	(pc) =	sbr.ind lr, $3  }
0x3a: {  	_ = 	snop  }
0x3b: {  	_ = 	snop  }
0x3c: {  	p2 =	seq.s32 s10, $0x1;
	s10 =	sld [smem:$0x3FB1]  }
0x3d: {  	_ =	shalt  }
0x3e: {  	_ =	shalt  }
0x3f: {  	_ =	shalt  }
0x40: {  	_ =	shalt  }
0x41: {  	_ =	shalt  }
0x42: {  	_ =	shalt  }
0x43: {  	_ =	shalt  }
0x44: {  	_ =	shalt  }
0x45: {  	_ =	shalt  }
0x46: {  	_ =	shalt  }
0x47: {  	_ =	shalt  }
0x48: {  	_ =	shalt  }
0x49: {  	_ =	shalt  }
0x4a: {  	_ =	shalt  }
0x4b: {  	_ =	shalt  }
0x4c: {  	_ =	shalt  }
0x4d: {  	_ =	shalt  }
0x4e: {  	_ =	shalt  }
0x4f: {  	_ =	shalt  }
0x50: {  	_ =	shalt  }
0x51: {  	_ =	shalt  }
0x52: {  	_ =	shalt  }
0x53: {  	_ =	shalt  }
0x54: {  	_ =	shalt  }
0x55: {  	_ =	shalt  }
0x56: {  	_ =	shalt  }
0x57: {  	_ =	shalt  }
0x58: {  	_ =	shalt  }
0x59: {  	_ =	shalt  }
0x5a: {  	_ =	shalt  }
0x5b: {  	_ =	shalt  }
0x5c: {  	_ =	shalt  }
0x5d: {  	_ =	shalt  }
0x5e: {  	_ =	shalt  }
0x5f: {  	_ =	shalt  }
0x60: {  	_ =	shalt  }
0x61: {  	_ =	shalt  }
0x62: {  	_ =	shalt  }
0x63: {  	_ =	shalt  }
0x64: {  	_ =	shalt  }
0x65: {  	_ =	shalt  }
0x66: {  	_ =	shalt  }
0x67: {  	_ =	shalt  }
0x68: {  	_ =	shalt  }
0x69: {  	_ =	shalt  }
0x6a: {  	_ =	shalt  }
0x6b: {  	_ =	shalt  }
0x6c: {  	_ =	shalt  }
0x6d: {  	_ =	shalt  }
0x6e: {  	_ =	shalt  }
0x6f: {  	_ =	shalt  }
0x70: {  	_ =	shalt  }
0x71: {  	_ =	shalt  }
0x72: {  	_ =	shalt  }
0x73: {  	_ =	shalt  }
0x74: {  	_ =	shalt  }
0x75: {  	_ =	shalt  }
0x76: {  	_ =	shalt  }
0x77: {  	_ =	shalt  }
0x78: {  	_ =	shalt  }
0x79: {  	_ =	shalt  }
0x7a: {  	_ =	shalt  }
0x7b: {  	_ =	shalt  }
0x7c: {  	_ =	shalt  }
0x7d: {  	_ =	shalt  }
0x7e: {  	_ =	shalt  }
0x7f: {  	_ =	shalt  }
0x80: {  	_ =	shalt  }
0x81: {  	_ =	shalt  }
0x82: {  	_ =	shalt  }
0x83: {  	_ =	shalt  }
0x84: {  	_ =	shalt  }
0x85: {  	_ =	shalt  }
0x86: {  	_ =	shalt  }
0x87: {  	_ =	shalt  }
.Lfunc_end0:
.L_simem_size_0:
called_computation_lowered:
.L_overlay_start_0:
0x88: {  	s2 =	sld [smem:$0x3FD9]  }
0x89: {  	s3 =	sld [smem:$0x3FFE];
	_ =	sdelay $0x1  }
0x8a: {  	s1 =	srdreg.scid  }
0x8b: {  	s0 =	sand.u32 $0x1, s1  }
0x8c: {  	s17 =	sshll.u32 s0, $0xA;
	s2 =	sadd.s32 s3, s2  }
0x8d: {  	s2 =	sadd.s32 s2, s17  }
0x8e: {  	[smem:$0x3FBD] =	sst s2  }
0x8f: {  	_ = 	snop  }
0x90: {  	s2 =	sld [smem:$0x3FC9]  }
0x91: {  	s18 =	sld [smem:$0x3FC8];
	(tm) =	ssettm $0x1  }
0x92: {  	s4 =	sld [smem:$0x3FFB];
	_ =	sdelay $0x3  }
0x93: {  	_ =	strace s4  }
0x94: {  	s4 =	sld [smem:$0x3FFC];
	_ =	sdelay $0x3  }
0x95: {  	_ =	strace s4  }
0x96: {  	s4 =	sld [smem:$0x3FFD];
	_ =	sdelay $0x3  }
0x97: {  	_ =	strace s4  }
0x98: {  	_ =	strace $0x8FFFFFFF  }
0x99: {  	s19 =	sld [smem:$0x3FDB];
	_ =	sdelay $0x1  }
0x9a: {  	s5 =	simm.s32 $_scs_section_size  }
0x9b: {  	s6 =	simm.s32 $_size__tile_overlayer_lowered;
	s7 =	simm.s32 $_tile_overlayer_lowered  }
0x9c: {  	s22 =	simm.s32 $0x1BFF;
	s21 =	sshll.u32 s7, $0x1;
	s4 =	sadd.s32 s5, s19  }
0x9d: {  	s8 =	simm.s32 $0x0;
	s20 =	sshll.u32 s6, $0x1;
	s6 =	sadd.s32 s21, s4  }
0x9e: {  	[timem:s8], [sflag:s22] =	dma.local [hbm:s6], s20  }
0x9f: {  	_ =	swait.ge [sflag:s22], s20  }
0xa0: {  	s5 =	ssub.s32 $0x0, s20;
	[sflag:s22] =	ssyncset.done $0x0  }
0xa1: {  	[sflag:s22] =	ssyncadd.s32 s5;
	_ =	sdelay $0x1  }
0xa2: {  	s23 =	simm.s32 $0x1B8B  }
0xa3: {  	_ =	swait.ge [sflag:s23], $0x1  }
0xa4: {  	[sflag:s23] =	ssyncset.done $0x0  }
0xa5: {  	s25 =	simm.s32 $0x1B8E;
	s24 =	sld [smem:$0x3FFE];
	[sflag:s23] =	ssyncadd.s32 $0xFFFFFFFF  }
0xa6: {  	s26 =	simm.s32 $execute0_lowered;
	[smem:$0x3FD2] =	sst s25  }
0xa7: {  	s6 =	sshll.u32 s26, $0x1;
	_ =	strace $0x80000046;
	[dreg:$0x1] =	wrdreg $0xFFFFFFFF  }
0xa8: {  	s28 =	simm.s32 $_size_execute0_lowered;
	s4 =	sadd.s32 s4, s6;
	[dreg:$0x0] =	wrdreg $0x0  }
0xa9: {  	s6 =	sshll.u32 s28, $0x1;
	[dreg:$0x2] =	wrdreg s4  }
0xaa: {  	[dreg:$0x3] =	wrdreg s6  }
0xab: {  	[dreg:$0x4] =	wrdreg $0xC0  }
0xac: {  	_ =	task [dreg:s8], $0x5FFFF  }
0xad: {  	[dreg:$0x1] =	wrdreg $0xFFFFFFFF  }
0xae: {  	[dreg:$0x0] =	wrdreg $0x60  }
0xaf: {  	[dreg:$0x2] =	wrdreg s2  }
0xb0: {  	[dreg:$0x3] =	wrdreg s18  }
0xb1: {  	[dreg:$0x4] =	wrdreg s24  }
0xb2: {  	[dreg:$0x5] =	wrdreg $0xC6000  }
0xb3: {  	[dreg:$0x6] =	wrdreg $0x9  }
0xb4: {  	_ =	task.clear_ibuf [dreg:s8], $0x7FFFF;
	_ =	strace $0x90000046  }
0xb5: {  	s29 =	simm.s32 $0x9;
	_ =	strace $0x80000048  }
0xb6: {  	_ =	swait.ge [sflag:s29], $0x1  }
0xb7: {  	[sflag:s29] =	ssyncadd.s32 $0xFFFFFFFF  }
0xb8: {  	_ =	strace $0x90000048  }
0xb9: {  	_ =	sfence  }
0xba: {  	s30 =	sld [smem:$0x0];
	_ =	sdelay $0x2  }
0xbb: {  	s31 =	sshll.u32 s1, $0xD;
	s1 =	sshrl.u32 s1, $0x2  }
0xbc: {  	s3 =	sand.u32 $0x4000, s31;
	s1 =	sadd.s32 s1, s30  }
0xbd: {  	s0 =	sor.u32 s3, s0;
	s1 =	sshll.u32 s1, $0x11  }
0xbe: {  	s0 =	sor.u32 s1, s0  }
0xbf: {  	s0 =	sadd.s32 $0x8F2B, s0  }
0xc0: {  	[sflag:s0] =	ssyncadd.remote.s32 $0x1  }
0xc1: {  	_ =	sfence.sel $0xFFFF  }
0xc2: {  	[dreg:$0x0] =	wrdreg $0xFFFFFFFF;
	(pc) =	sbr.abs _section_cstart, $3  }
0xc3: {  	[dreg:$0x1] =	wrdreg $0xFFFFFFFF  }
0xc4: {  	_ =	task.clear_ibuf [dreg:s8], $0x2FFFF;
	_ =	strace $0x9FFFFFFF  }
0xc5: {  	(tm) =	ssettm $0x7FFFFFFF  }
tec
execute0_lowered:
.L_overlay_start_1:
0x0: {  	(tag) =	ssettag $0x1  }
0x1: {  	s1 =	rddreg [dreg:$0x0]  }
0x2: {  	s8 =	rddreg [dreg:$0x1]  }
0x3: {  	s0 =	rddreg [dreg:$0x2]  }
0x4: {  	s3 =	rddreg [dreg:$0x3];
	s4 =	simm.s32 $0x0;
	s2 =	srdreg.scid  }
0x5: {  	s9 =	stileid.u32;
	s31 =	simm.s32 $0x4;
	s28 =	simm.s32 $0x280  }
0x6: {  	[smem:$0x7FF] =	sst s4;
	s2 =	sand.u32 $0x1, s2;
	s7 =	sadd.s32 $0x2000, s0  }
0x7: {  	s10 =	sshll.u32 s9, $0x6;
	s24 =	sadd.s32 $0x10, s8;
	s25 =	sshll.u32 s9, $0xE  }
0x8: {  	s26 =	sshll.u32 s9, $0xB;
	_ =	strace $0x80000047;
	[dreg:$0x6] =	wrdreg s10  }
0x9: {  	s29 =	sor.u32 $0x10, s9;
	s12 =	sor.u32 $0x20, s9;
	[dreg:$0x7] =	wrdreg s24  }
0xa: {  	s14 =	sor.u32 $0x30, s9;
	s17 =	sshll.u32 s9, $0x9;
	[dreg:$0xd] =	wrdreg s29  }
0xb: {  	s20 =	smul.u32 $0x6400, s9;
	s22 =	ssub.s32 $0x2, s2;
	[dreg:$0x11] =	wrdreg s12  }
0xc: {  	s6 =	sshll.u32 s2, $0x5;
	s11 =	smul.u32 $0x138800, s2;
	[dreg:$0x12] =	wrdreg s14  }
0xd: {  	[dreg:$0x5] =	wrdreg s7;
	s5 =	sshrl.u32 s22, $0x1;
	s23 =	sor.u32 s6, s10  }
0xe: {  	s0 =	ssub.s32 s22, s5;
	s5 =	sadd.s32 s23, s24;
	[dreg:$0xa] =	wrdreg s11  }
0xf: {  	s21 =	smul.u32 $0x19000, s9;
	s10 =	sadd.s32 s8, s23;
	[dreg:$0x9] =	wrdreg s5  }
0x10: {  	p0 =	seq.s32 s2, $0x1;
	s0 =	smax.u32 s0, $0x1;
	[dreg:$0x8] =	wrdreg s10  }
0x11: {  	s5 =	sshll.u32 s29, $0xB;
	[dreg:$0xb] =	wrdreg s0;
	s0 =	sadd.s32 s25, s3  }
0x12: {  	s30 =	sshll.u32 s29, $0xE;
	s6 =	sadd.s32 s1, s5;
	[dreg:$0xc] =	wrdreg s0  }
0x13: {  	s5 =	sshll.u32 s12, $0xB;
	s0 =	sadd.s32 s1, s26;
	[dreg:$0x10] =	wrdreg s6  }
0x14: {  	s18 =	sshll.u32 s14, $0xB;
	s15 =	sadd.s32 s1, s5;
	[dreg:$0xe] =	wrdreg s0  }
0x15: {  	s13 =	sshll.u32 s12, $0xE;
	s5 =	sadd.s32 s1, s18;
	[dreg:$0x14] =	wrdreg s15  }
0x16: {  	s6 =	sadd.s32 s11, s20;
	s20 =	sadd.s32 $0x27000, s1;
	[dreg:$0x16] =	wrdreg s5  }
0x17: {  	s16 =	sshll.u32 s14, $0xE;
	s0 =	sadd.s32 s30, s3;
	[smem:$0x7F5] =	sst s20  }
0x18: {  	s2 =	sshll.u32 s2, $0x8;
	[dreg:$0xf] =	wrdreg s0;
	s0 =	sadd.s32 s13, s3  }
0x19: {  	s22 =	sshrl.u32 s6, $0x3;
	[dreg:$0x13] =	wrdreg s0;
	s0 =	sadd.s32 s16, s3  }
0x1a: {  	[dreg:$0x15] =	wrdreg s0;
	s0 =	sor.u32 s2, s17;
	s2 =	sor.u32 $0x40, s9  }
0x1b: {  	s20 =	simm.s32 $0x480;
	s6 =	simm.s32 $0x2;
	s19 =	sshll.u32 s2, $0xE  }
0x1c: {  	p3 =	slt.u32 @!p0 s2, $0x4E;
	p2 =	slt.u32 @p0 s2, $0x4E;
	s2 =	sshll.u32 s2, $0xB  }
0x1d: {  	s24 =	sor.u32 $0x12000, s0;
	s25 =	sor.u32 $0x10000, s0;
	s26 =	sor.u32 $0xE000, s0  }
0x1e: {  	s11 =	sor.u32 $0xA000, s0;
	s13 =	sor.u32 $0x8000, s0;
	s5 =	sadd.s32 s19, s3  }
0x1f: {  	s12 =	simm.s32 @!p2 $0x0;
	s2 =	sadd.s32 s1, s2;
	s29 =	sshrl.u32 s25, $0x3  }
0x20: {  	s30 =	sshrl.u32 s26, $0x3;
	s15 =	sshrl.u32 s13, $0x3;
	p1 =	por !p3, p0  }
0x21: {  	s19 =	sadd.s32 $0x138000, s3;
	s25 =	sadd.s32 $0xC00, s10;
	s26 =	sadd.s32 $0xC10, s10  }
0x22: {  	s13 =	simm.s32 $0x4600;
	[dreg:$0x17] =	wrdreg s5;
	s12 =	simm.s32 @p2 $0x1  }
0x23: {  	[dreg:$0x18] =	wrdreg s2;
	s5 =	sshrl.u32 s21, $0x2;
	s2 =	sadd.s32 s7, s22  }
0x24: {  	s7 =	sadd.s32 s30, s8;
	s16 =	sadd.s32 s15, s8;
	[smem:$0x7F4] =	sst s19  }
0x25: {  	p5 =	sne.s32 @!p1 s9, $0x0;
	p2 =	por !p2, !p0;
	[smem:$0x7FA] =	sst s25  }
0x26: {  	s21 =	sadd.s32 $0x400, s10;
	s22 =	sadd.s32 $0x410, s10;
	[smem:$0x7FB] =	sst s26  }
0x27: {  	s30 =	sadd.s32 $0x13810, s10;
	s25 =	simm.s32 $0x400;
	[smem:$0x7F0] =	sst s12  }
0x28: {  	s26 =	simm.s32 $0x180;
	s19 =	simm.s32 $0xA;
	[dreg:$0x19] =	wrdreg s2  }
0x29: {  	s15 =	simm.s32 $0x8;
	s23 =	sadd.s32 s5, s3;
	[dreg:$0x1c] =	wrdreg s7  }
0x2a: {  	s5 =	sshrl.u32 s24, $0x3;
	s12 =	sor.u32 $0xC000, s0;
	[dreg:$0x1f] =	wrdreg s16  }
0x2b: {  	p6 =	por @!p0 p5, !p3;
	p5 =	por @!p0 !p5, !p3;
	[smem:$0x7F6] =	sst s21  }
0x2c: {  	p4 =	seq.s32 @!p2 s9, $0x0;
	[smem:$0x7F7] =	sst s22;
	s24 =	sadd.s32 $0x810, s10  }
0x2d: {  	[smem:$0x7FD] =	sst s30;
	s7 =	simm.s32 $0x80;
	s16 =	simm.s32 $0x1  }
0x2e: {  	s2 =	simm.s32 $0x3;
	s5 =	sadd.s32 s5, s8;
	[dreg:$0x1d] =	wrdreg s12  }
0x2f: {  	p3 =	por p6, p0;
	p5 =	por !p5, p0;
	s17 =	sld [smem:$0x7F0]  }
0x30: {  	s18 =	sshrl.u32 s23, $0x3;
	s23 =	sadd.s32 $0x800, s10;
	[smem:$0x7F9] =	sst s24  }
0x31: {  	s24 =	simm.s32 $0x6;
	s12 =	simm.s32 $0x8600;
	[dreg:$0x1a] =	wrdreg s5  }
0x32: {  	s5 =	sadd.s32 s29, s8;
	s0 =	simm.s32 @!p5 $0x0;
	[smem:$0x7F3] =	sst s18  }
0x33: {  	[smem:$0x7F8] =	sst s23;
	s29 =	sadd.s32 $0x13800, s10;
	s18 =	simm.s32 $0x7  }
0x34: {  	s10 =	simm.s32 $0x0;
	s0 =	simm.s32 @p5 $0x1;
	p5 =	seq.s32 s17, $0x1  }
0x35: {  	[dreg:$0x1b] =	wrdreg s5;
	s5 =	sshrl.u32 s11, $0x3;
	p4 =	por @p0 !p4, !p5  }
0x36: {  	[smem:$0x7FC] =	sst s29;
	s11 =	simm.s32 $0x600;
	p5 =	por p4, !p0  }
.Ltmp0:
0x37: {  	[smem:$0x7EF] =	sst s0;
	s0 =	simm.s32 @!p5 $0x0;
	(pc) =	sbr.rel .LBB2_1-.Ltmp0, $4  }
0x38: {  	s14 =	sadd.s32 s5, s8;
	p4 =	por !p4, !p0;
	s0 =	simm.s32 @p5 $0x1  }
0x39: {  	s17 =	simm.s32 $0xB;
	[smem:$0x7F1] =	sst s0;
	s0 =	simm.s32 @!p4 $0x0  }
0x3a: {  	s8 =	simm.s32 $0x9;
	[dreg:$0x1e] =	wrdreg s14;
	s0 =	simm.s32 @p4 $0x1  }
0x3b: {  	v0 =	vimm.f32 $0.0e+00;
	p4 =	sgt.u32 s9, $0x1;
	s9 =	simm.s32 $0x5;
	[smem:$0x7F2] =	sst s0  }
.LBB2_6:
0x3c: {  	_ =	swait.ge [sflag:s2], $0x4000  }
0x3d: {  	[sflag:s2] =	ssyncset.done $0x0  }
0x3e: {  	[sflag:s2] =	ssyncadd.s32 $0xFFFFC000  }
0x3f: {  	[spmem:s3] =	stream.indirect.scatter.add.f32 [tilespmem:s12], [sflag:$0xC], $0x80, s10, s7, $0xb8;
	[tilespmem:$0x1FE80] =	vst v63  }
0x40: {  	_ =	swait.ge [sflag:s19], $0x4000  }
0x41: {  	[sflag:s19] =	ssyncset.done $0x0  }
0x42: {  	[sflag:s19] =	ssyncadd.s32 $0xFFFFC000  }
0x43: {  	_ =	swait.ge [sflag:s17], $0x4000  }
0x44: {  	[sflag:s17] =	ssyncset.done $0x0  }
0x45: {  	s0 =	simm.s32 $0xC;
	[sflag:s17] =	ssyncadd.s32 $0xFFFFC000  }
0x46: {  	_ =	swait.ge [sflag:s0], $0x4000  }
0x47: {  	s5 =	sld [smem:$0x7FC]  }
0x48: {  	[sflag:s0] =	ssyncset.done $0x0  }
0x49: {  	[sflag:s0] =	ssyncadd.s32 $0xFFFFC000;
	s0 =	simm.s32 @!p4 $0x0  }
0x4a: {  	[tilespmem:s0], [sflag:$0xD] =	stream.linear.gather @!p4 [hbm4b:s5+s0], $0x80, $0x38;
	[tilespmem:$0x1FE80] =	vst v63  }
0x4b: {  	s5 =	simm.s32 @!p4 $0xD  }
0x4c: {  	_ =	swait.ge @!p4 [sflag:s5], $0x80  }
0x4d: {  	s23 =	sld [smem:$0x7FD]  }
0x4e: {  	[sflag:s5] =	ssyncset.done @!p4 $0x0  }
0x4f: {  	s21 =	simm.s32 @!p4 $0x300;
	[sflag:s5] =	ssyncadd.s32 @!p4 $0xFFFFFF80  }
0x50: {  	[tilespmem:s21], [sflag:$0xD] =	stream.linear.gather @!p4 [hbm4b:s23+s0], $0x80, $0x38;
	[tilespmem:$0x1FE80] =	vst v63  }
0x51: {  	_ =	swait.ge @!p4 [sflag:s5], $0x80  }
0x52: {  	[sflag:s5] =	ssyncset.done @!p4 $0x0  }
0x53: {  	s29 =	simm.s32 @!p4 $0x80;
	s30 =	simm.s32 @!p4 $0x600;
	[sflag:s5] =	ssyncadd.s32 @!p4 $0xFFFFFF80  }
0x54: {  	[tilespmem:s30], [sflag:$0x1] =	stream.indirect.gather @!p4 [hbm4b:s1+s29], $0x80, s0, s29, $0xb8;
	[tilespmem:$0x1FE80] =	vst v63  }
0x55: {  	s0 =	simm.s32 @!p4 $0x1  }
0x56: {  	_ =	swait.ge @!p4 [sflag:s0], $0x4000  }
0x57: {  	[sflag:s0] =	ssyncset.done @!p4 $0x0  }
0x58: {  	[sflag:s0] =	ssyncadd.s32 @!p4 $0xFFFFC000  }
0x59: {  	[spmem:s3] =	stream.indirect.scatter.add.f32 @!p4 [tilespmem:s30], [sflag:$0xD], $0x80, s21, s29, $0xb8;
	[tilespmem:$0x1FE80] =	vst v63  }
0x5a: {  	_ =	swait.ge @!p4 [sflag:s5], $0x4000  }
0x5b: {  	[sflag:s5] =	ssyncset.done @!p4 $0x0  }
0x5c: {  	[sflag:s5] =	ssyncadd.s32 @!p4 $0xFFFFC000  }
0x5d: {  	s25 =	sld [smem:$0x7EC];
	[bflag:$0x0] =	sbarrier.arrive $0xFFFF  }
0x5e: {  	s14 =	sld [smem:$0x7F3]  }
0x5f: {  	s29 =	rddreg [dreg:$0x6]  }
0x60: {  	s10 =	rddreg [dreg:$0x19];
	s5 =	sor.u32 $0x1C0D, s29  }
0x61: {  	[hbm:s10], [sflag:s5] =	dma.local [spmem:s14], $0xC80  }
0x62: {  	s30 =	smul.u32 $0x19000, s25;
	s10 =	simm.s32 $0xD  }
0x63: {  	s26 =	smul.u32 $0x6400, s25;
	_ =	swait.ge [sflag:s10], $0xC80  }
0x64: {  	s21 =	sshrl.u32 s30, $0x2;
	s23 =	rddreg [dreg:$0xa]  }
0x65: {  	s21 =	sadd.s32 s21, s3;
	s0 =	sadd.s32 s23, s26  }
0x66: {  	[sflag:s10] =	ssyncset.done $0x0;
	s20 =	sshrl.u32 s0, $0x3;
	s0 =	rddreg [dreg:$0x5]  }
0x67: {  	s21 =	sshrl.u32 s21, $0x3;
	[sflag:s10] =	ssyncadd.s32 $0xFFFFF380;
	s29 =	sadd.s32 s0, s20  }
0x68: {  	[hbm:s29], [sflag:s5] =	dma.local [spmem:s21], $0xC80  }
0x69: {  	_ =	swait.ge [sflag:s10], $0xC80  }
0x6a: {  	s14 =	sld [smem:$0x7ED];
	_ =	sdelay $0x2  }
0x6b: {  	s22 =	smul.u32 $0x6400, s14  }
0x6c: {  	s25 =	smul.u32 $0x19000, s14;
	s14 =	sld [smem:$0x7EB]  }
0x6d: {  	[sflag:s10] =	ssyncset.done $0x0  }
0x6e: {  	[sflag:s10] =	ssyncadd.s32 $0xFFFFF380  }
0x6f: {  	s29 =	sadd.s32 s23, s22;
	s21 =	sshrl.u32 s25, $0x2;
	p6 =	sgt.u32 s14, $0x31  }
0x70: {  	s26 =	sshrl.u32 s29, $0x3;
	s21 =	sadd.s32 s21, s3;
	s20 =	smul.u32 @!p6 $0x6400, s14  }
0x71: {  	s29 =	sadd.s32 s0, s26;
	s21 =	sshrl.u32 s21, $0x3;
	s30 =	smul.u32 @!p6 $0x19000, s14  }
0x72: {  	[hbm:s29], [sflag:s5] =	dma.local [spmem:s21], $0xC80  }
0x73: {  	_ =	swait.ge [sflag:s10], $0xC80;
	s29 =	sadd.s32 @!p6 s23, s20;
	s21 =	sshrl.u32 @!p6 s30, $0x2  }
0x74: {  	[sflag:s10] =	ssyncset.done $0x0;
	s29 =	sshrl.u32 @!p6 s29, $0x3;
	s21 =	sadd.s32 @!p6 s21, s3  }
0x75: {  	[sflag:s10] =	ssyncadd.s32 $0xFFFFF380;
	s0 =	sadd.s32 @!p6 s0, s29;
	s21 =	sshrl.u32 @!p6 s21, $0x3  }
0x76: {  	[hbm:s0], [sflag:s5] =	dma.local @!p6 [spmem:s21], $0xC80  }
0x77: {  	s0 =	simm.s32 @!p6 $0xD  }
0x78: {  	_ =	swait.ge @!p6 [sflag:s0], $0xC80  }
0x79: {  	s29 =	sld [smem:$0x7EE];
	_ =	sdelay $0x2  }
0x7a: {  	s30 =	rddreg [dreg:$0xb];
	s10 =	sadd.s32 $0x1, s29  }
0x7b: {  	p5 =	sne.s32 s10, s30  }
.Ltmp1:
0x7c: {  	_ = 	snop;
	(pc) =	sbr.rel @!p5 .LBB2_7-.Ltmp1, $3  }
0x7d: {  	_ =	sdelay $0x1  }
0x7e: {  	s25 =	simm.s32 $0x400;
	[sflag:s0] =	ssyncset.done @!p6 $0x0  }
0x7f: {  	s26 =	simm.s32 $0x180;
	s20 =	simm.s32 $0x480;
	[sflag:s0] =	ssyncadd.s32 @!p6 $0xFFFFF380  }
.LBB2_1:
0x80: {  	[smem:$0x7EE] =	sst s10;
	s29 =	simm.s32 $0x0;
	s30 =	simm.s32 $0x200  }
.LBB2_2:
0x81: {  	p6 =	sne.s32 s30, $0xFE00;
	[tilespmem:s29+$0x670] =	vst v0  }
0x82: {  	[tilespmem:s29+$0x600] =	vst v0  }
0x83: {  	[tilespmem:s29+$0x610] =	vst v0  }
.Ltmp2:
0x84: {  	[tilespmem:s29+$0x620] =	vst v0;
	(pc) =	sbr.rel @p6 .LBB2_2-.Ltmp2, $4  }
0x85: {  	[tilespmem:s29+$0x630] =	vst v0  }
0x86: {  	[tilespmem:s29+$0x640] =	vst v0  }
0x87: {  	[tilespmem:s29+$0x650] =	vst v0  }
0x88: {  	[tilespmem:s29+$0x660] =	vst v0;
	s29 =	sshra.s32 s30, $0x2;
	s30 =	sadd.s32 $0x200, s30  }
0x89: {  	[tilespmem:s29+$0x670] =	vst v0  }
0x8a: {  	[tilespmem:s29+$0x600] =	vst v0  }
0x8b: {  	[tilespmem:s29+$0x610] =	vst v0  }
0x8c: {  	[tilespmem:s29+$0x620] =	vst v0  }
0x8d: {  	[tilespmem:s29+$0x630] =	vst v0  }
0x8e: {  	[tilespmem:s29+$0x640] =	vst v0;
	s0 =	stileid.u32  }
0x8f: {  	[tilespmem:s29+$0x650] =	vst v0;
	s10 =	rddreg [dreg:$0xc];
	s30 =	sshll.u32 @!p0 s0, $0x6  }
0x90: {  	[tilespmem:s29+$0x660] =	vst v0;
	s0 =	rddreg [dreg:$0xe];
	s29 =	sor.u32 @!p0 $0x1C0E, s30;
	s30 =	sshrl.u32 @!p0 s10, $0x3  }
0x91: {  	[spmem:s30], [sflag:s29] =	dma.local @!p0 [hbm:s0], $0x800  }
0x92: {  	s30 =	simm.s32 @!p0 $0xE  }
0x93: {  	_ =	swait.ge @!p0 [sflag:s30], $0x800  }
0x94: {  	[sflag:s30] =	ssyncset.done @!p0 $0x0;
	s14 =	rddreg [dreg:$0xf]  }
0x95: {  	s23 =	rddreg [dreg:$0x10];
	[sflag:s30] =	ssyncadd.s32 @!p0 $0xFFFFF800;
	s0 =	sshrl.u32 @!p0 s14, $0x3  }
0x96: {  	[spmem:s0], [sflag:s29] =	dma.local @!p0 [hbm:s23], $0x800  }
0x97: {  	_ =	swait.ge @!p0 [sflag:s30], $0x800  }
0x98: {  	[sflag:s30] =	ssyncset.done @!p0 $0x0;
	s22 =	rddreg [dreg:$0x13]  }
0x99: {  	s5 =	rddreg [dreg:$0x14];
	[sflag:s30] =	ssyncadd.s32 @!p0 $0xFFFFF800;
	s0 =	sshrl.u32 @!p0 s22, $0x3  }
0x9a: {  	[spmem:s0], [sflag:s29] =	dma.local @!p0 [hbm:s5], $0x800  }
0x9b: {  	_ =	swait.ge @!p0 [sflag:s30], $0x800  }
0x9c: {  	[sflag:s30] =	ssyncset.done @!p0 $0x0;
	s5 =	rddreg [dreg:$0x15]  }
0x9d: {  	s21 =	rddreg [dreg:$0x16];
	[sflag:s30] =	ssyncadd.s32 @!p0 $0xFFFFF800;
	s0 =	sshrl.u32 @!p0 s5, $0x3  }
0x9e: {  	[spmem:s0], [sflag:s29] =	dma.local @!p0 [hbm:s21], $0x800  }
0x9f: {  	_ =	swait.ge @!p0 [sflag:s30], $0x800  }
0xa0: {  	[sflag:s30] =	ssyncset.done @!p0 $0x0;
	s21 =	rddreg [dreg:$0x17]  }
0xa1: {  	[sflag:s30] =	ssyncadd.s32 @!p0 $0xFFFFF800;
	s0 =	sshrl.u32 @!p1 s21, $0x3;
	s30 =	rddreg [dreg:$0x18]  }
0xa2: {  	[spmem:s0], [sflag:s29] =	dma.local @!p1 [hbm:s30], $0x800  }
0xa3: {  	s0 =	simm.s32 @!p1 $0xE  }
0xa4: {  	_ =	swait.ge @!p1 [sflag:s0], $0x800  }
0xa5: {  	s30 =	sld [smem:$0x7F4]  }
0xa6: {  	s23 =	sld [smem:$0x7F5]  }
0xa7: {  	[sflag:s0] =	ssyncset.done @!p1 $0x0  }
0xa8: {  	s29 =	simm.s32 @!p3 $0x1C0D;
	[sflag:s0] =	ssyncadd.s32 @!p1 $0xFFFFF800;
	s0 =	sshrl.u32 @!p3 s30, $0x3  }
0xa9: {  	[spmem:s0], [sflag:s29] =	dma.local @!p3 [hbm:s23], $0x100  }
0xaa: {  	s0 =	simm.s32 @!p3 $0xD  }
0xab: {  	_ =	swait.ge @!p3 [sflag:s0], $0x100  }
0xac: {  	[sflag:s0] =	ssyncset.done @!p3 $0x0  }
0xad: {  	s29 =	simm.s32 @p0 $0xD;
	[sflag:s0] =	ssyncadd.s32 @!p3 $0xFFFFFF00;
	s0 =	simm.s32 @p0 $0x600  }
0xae: {  	[spmem:s10] =	stream.linear.scatter @p0 [tilespmem:s0], [sflag:$0xD], $0x4000, $0x38;
	[tilespmem:$0x1FE80] =	vst v63  }
0xaf: {  	_ =	swait.ge @p0 [sflag:s29], $0x4000  }
0xb0: {  	[sflag:s29] =	ssyncset.done @p0 $0x0  }
0xb1: {  	[sflag:s29] =	ssyncadd.s32 @p0 $0xFFFFC000  }
0xb2: {  	[spmem:s14] =	stream.linear.scatter @p0 [tilespmem:s0], [sflag:$0xD], $0x4000, $0x38;
	[tilespmem:$0x1FE80] =	vst v63  }
0xb3: {  	_ =	swait.ge @p0 [sflag:s29], $0x4000  }
0xb4: {  	[sflag:s29] =	ssyncset.done @p0 $0x0  }
0xb5: {  	[sflag:s29] =	ssyncadd.s32 @p0 $0xFFFFC000  }
0xb6: {  	[spmem:s22] =	stream.linear.scatter @p0 [tilespmem:s0], [sflag:$0xD], $0x4000, $0x38;
	[tilespmem:$0x1FE80] =	vst v63  }
0xb7: {  	_ =	swait.ge @p0 [sflag:s29], $0x4000  }
0xb8: {  	[sflag:s29] =	ssyncset.done @p0 $0x0  }
0xb9: {  	[sflag:s29] =	ssyncadd.s32 @p0 $0xFFFFC000  }
0xba: {  	[spmem:s5] =	stream.linear.scatter @p0 [tilespmem:s0], [sflag:$0xD], $0x4000, $0x38;
	[tilespmem:$0x1FE80] =	vst v63  }
0xbb: {  	_ =	swait.ge @p0 [sflag:s29], $0x4000  }
0xbc: {  	[sflag:s29] =	ssyncset.done @p0 $0x0  }
0xbd: {  	s0 =	simm.s32 @!p2 $0x600;
	[sflag:s29] =	ssyncadd.s32 @p0 $0xFFFFC000  }
0xbe: {  	[spmem:s21] =	stream.linear.scatter @!p2 [tilespmem:s0], [sflag:$0xD], $0x4000, $0x38;
	[tilespmem:$0x1FE80] =	vst v63  }
0xbf: {  	s0 =	simm.s32 @!p2 $0xD  }
0xc0: {  	_ =	swait.ge @!p2 [sflag:s0], $0x4000  }
0xc1: {  	s14 =	sld [smem:$0x7F1];
	_ =	sdelay $0x2  }
0xc2: {  	[sflag:s0] =	ssyncset.done @!p2 $0x0;
	p5 =	seq.s32 s14, $0x1  }
0xc3: {  	[sflag:s0] =	ssyncadd.s32 @!p2 $0xFFFFC000;
	s0 =	simm.s32 @!p5 $0x600  }
0xc4: {  	[spmem:s30] =	stream.linear.scatter @!p5 [tilespmem:s0], [sflag:$0xD], $0x800, $0x38;
	[tilespmem:$0x1FE80] =	vst v63  }
0xc5: {  	s0 =	simm.s32 @!p5 $0xD  }
0xc6: {  	_ =	swait.ge @!p5 [sflag:s0], $0x800  }
0xc7: {  	[sflag:s0] =	ssyncset.done @!p5 $0x0  }
0xc8: {  	[sflag:s0] =	ssyncadd.s32 @!p5 $0xFFFFF800  }
0xc9: {  	[bflag:$0x0] =	sbarrier.arrive $0xFFFF  }
0xca: {  	s21 =	rddreg [dreg:$0x8]  }
0xcb: {  	s29 =	simm.s32 $0x0;
	s22 =	rddreg [dreg:$0x9]  }
0xcc: {  	[tilespmem:s29], [sflag:$0x4] =	stream.linear.gather [hbm4b:s21+s29], $0x80, $0x38;
	[tilespmem:$0x1FE80] =	vst v63  }
0xcd: {  	s23 =	simm.s32 $0x300;
	s10 =	sld [smem:$0x7F6]  }
0xce: {  	[tilespmem:s23], [sflag:$0x4] =	stream.linear.gather [hbm4b:s22+s29], $0x80, $0x38;
	[tilespmem:$0x1FE80] =	vst v63  }
0xcf: {  	s14 =	sld [smem:$0x7F7]  }
0xd0: {  	[tilespmem:s7], [sflag:$0x5] =	stream.linear.gather [hbm4b:s10+s29], $0x80, $0x38;
	[tilespmem:$0x1FE80] =	vst v63  }
0xd1: {  	s21 =	simm.s32 $0x380;
	s22 =	sld [smem:$0x7F8]  }
0xd2: {  	[tilespmem:s21], [sflag:$0x5] =	stream.linear.gather [hbm4b:s14+s29], $0x80, $0x38;
	[tilespmem:$0x1FE80] =	vst v63  }
0xd3: {  	s23 =	simm.s32 $0x100;
	s10 =	sld [smem:$0x7F9]  }
0xd4: {  	[tilespmem:s23], [sflag:$0x6] =	stream.linear.gather [hbm4b:s22+s29], $0x80, $0x38;
	[tilespmem:$0x1FE80] =	vst v63  }
0xd5: {  	s14 =	sld [smem:$0x7FA]  }
0xd6: {  	[tilespmem:s25], [sflag:$0x6] =	stream.linear.gather [hbm4b:s10+s29], $0x80, $0x38;
	[tilespmem:$0x1FE80] =	vst v63  }
0xd7: {  	s21 =	sld [smem:$0x7FB]  }
0xd8: {  	[tilespmem:s26], [sflag:$0x7] =	stream.linear.gather [hbm4b:s14+s29], $0x80, $0x38;
	[tilespmem:$0x1FE80] =	vst v63  }
0xd9: {  	_ = 	snop  }
0xda: {  	[tilespmem:s20], [sflag:$0x7] =	stream.linear.gather [hbm4b:s21+s29], $0x80, $0x38;
	[tilespmem:$0x1FE80] =	vst v63  }
0xdb: {  	_ =	swait.ge [sflag:s31], $0x80  }
0xdc: {  	[sflag:s31] =	ssyncset.done $0x0  }
0xdd: {  	[sflag:s31] =	ssyncadd.s32 $0xFFFFFF80  }
0xde: {  	_ =	swait.ge [sflag:s31], $0x80  }
0xdf: {  	s23 =	rddreg [dreg:$0x12]  }
0xe0: {  	s22 =	sld [smem:$0x7EF]  }
0xe1: {  	s5 =	rddreg [dreg:$0xd]  }
0xe2: {  	[sflag:s31] =	ssyncset.done $0x0;
	s21 =	rddreg [dreg:$0x11]  }
0xe3: {  	[sflag:s31] =	ssyncadd.s32 $0xFFFFFF80;
	s10 =	smov.u32 s23;
	s20 =	smov.u32 s5  }
0xe4: {  	[tilespmem:s11], [sflag:$0x1] =	stream.indirect.gather [hbm4b:s1+s7], $0x80, s29, s7, $0xb8;
	[tilespmem:$0x1FE80] =	vst v63  }
0xe5: {  	s14 =	smov.u32 s21;
	s0 =	smov.u32 s23;
	_ =	swait.ge [sflag:s9], $0x80  }
0xe6: {  	p5 =	seq.s32 s22, $0x1;
	[sflag:s9] =	ssyncset.done $0x0;
	s22 =	sld [smem:$0x7F2]  }
0xe7: {  	s30 =	smov.u32 s5;
	s10 =	simm.s32 @!p5 $0x30;
	[sflag:s9] =	ssyncadd.s32 $0xFFFFFF80  }
0xe8: {  	s20 =	simm.s32 @!p5 $0x10;
	s14 =	simm.s32 @!p5 $0x20;
	_ =	swait.ge [sflag:s9], $0x80  }
0xe9: {  	s10 =	smov.u32 @p1 s23;
	p5 =	seq.s32 s22, $0x1;
	[sflag:s9] =	ssyncset.done $0x0  }
0xea: {  	s0 =	simm.s32 @p5 $0x30;
	s30 =	simm.s32 @p5 $0x10;
	[sflag:s9] =	ssyncadd.s32 $0xFFFFFF80  }
0xeb: {  	[tilespmem:s13], [sflag:$0x2] =	stream.indirect.gather [hbm4b:s1+s7], $0x80, s7, s7, $0xb8;
	[tilespmem:$0x1FE80] =	vst v63  }
0xec: {  	s20 =	smov.u32 @p1 s5;
	s0 =	smov.u32 @p2 s23;
	s30 =	smov.u32 @p2 s5  }
0xed: {  	s23 =	rddreg [dreg:$0x1a];
	s10 =	smov.u32 @p0 s0;
	s0 =	smov.u32 s21  }
0xee: {  	s20 =	smov.u32 @p0 s30;
	s30 =	rddreg [dreg:$0x1d];
	s0 =	simm.s32 @p5 $0x20  }
0xef: {  	s14 =	smov.u32 @p1 s21;
	[smem:$0x7EB] =	sst s10;
	s0 =	smov.u32 @p2 s21  }
0xf0: {  	s22 =	simm.s32 $0x480;
	[smem:$0x7EC] =	sst s20;
	s14 =	smov.u32 @p0 s0  }
0xf1: {  	s5 =	simm.s32 $0x100;
	s10 =	simm.s32 $0x580;
	[smem:$0x7ED] =	sst s14  }
.LBB2_4:
0xf2: {  	_ =	swait.ge [sflag:s16], $0x4000  }
0xf3: {  	[sflag:s16] =	ssyncset.done $0x0  }
0xf4: {  	s0 =	simm.s32 $0x300;
	s20 =	rddreg [dreg:$0x1f];
	[sflag:s16] =	ssyncadd.s32 $0xFFFFC000  }
0xf5: {  	[spmem:s3] =	stream.indirect.scatter.add.f32 [tilespmem:s11], [sflag:$0xA], $0x80, s0, s7, $0xb8;
	[tilespmem:$0x1FE80] =	vst v63  }
0xf6: {  	s0 =	sadd.s32 s29, s20;
	s11 =	simm.s32 $0x200  }
0xf7: {  	[tilespmem:s11], [sflag:$0x8] =	stream.linear.gather [hbm4b:s0+s4], $0x80, $0x38;
	[tilespmem:$0x1FE80] =	vst v63  }
0xf8: {  	s14 =	simm.s32 $0x500;
	s0 =	sadd.s32 $0x10, s0  }
0xf9: {  	[tilespmem:s14], [sflag:$0x8] =	stream.linear.gather [hbm4b:s0+s4], $0x80, $0x38;
	[tilespmem:$0x1FE80] =	vst v63  }
0xfa: {  	_ =	swait.ge [sflag:s24], $0x80  }
0xfb: {  	[sflag:s24] =	ssyncset.done $0x0  }
0xfc: {  	[sflag:s24] =	ssyncadd.s32 $0xFFFFFF80  }
0xfd: {  	_ =	swait.ge [sflag:s24], $0x80  }
0xfe: {  	p6 =	seq.s32 s29, $0x0;
	[sflag:s24] =	ssyncset.done $0x0  }
0xff: {  	s0 =	simm.s32 @!p6 $0xC;
	[sflag:s24] =	ssyncadd.s32 $0xFFFFFF80  }
0x100: {  	_ =	swait.ge @!p6 [sflag:s0], $0x4000  }
0x101: {  	[sflag:s0] =	ssyncset.done @!p6 $0x0  }
0x102: {  	[sflag:s0] =	ssyncadd.s32 @!p6 $0xFFFFC000  }
0x103: {  	[tilespmem:s12], [sflag:$0x3] =	stream.indirect.gather [hbm4b:s1+s7], $0x80, s5, s7, $0xb8;
	[tilespmem:$0x1FE80] =	vst v63  }
0x104: {  	_ =	swait.ge [sflag:s6], $0x4000  }
0x105: {  	[sflag:s6] =	ssyncset.done $0x0  }
0x106: {  	s21 =	simm.s32 $0x380;
	s5 =	rddreg [dreg:$0x1e];
	[sflag:s6] =	ssyncadd.s32 $0xFFFFC000  }
0x107: {  	[spmem:s3] =	stream.indirect.scatter.add.f32 [tilespmem:s13], [sflag:$0xB], $0x80, s21, s7, $0xb8;
	[tilespmem:$0x1FE80] =	vst v63  }
0x108: {  	s0 =	sadd.s32 s29, s5  }
0x109: {  	[tilespmem:s28], [sflag:$0x9] =	stream.linear.gather [hbm4b:s0+s4], $0x80, $0x38;
	[tilespmem:$0x1FE80] =	vst v63  }
0x10a: {  	s0 =	sadd.s32 $0x10, s0  }
0x10b: {  	[tilespmem:s10], [sflag:$0x9] =	stream.linear.gather [hbm4b:s0+s4], $0x80, $0x38;
	[tilespmem:$0x1FE80] =	vst v63  }
0x10c: {  	_ =	swait.ge [sflag:s18], $0x80  }
0x10d: {  	[sflag:s18] =	ssyncset.done $0x0  }
0x10e: {  	[sflag:s18] =	ssyncadd.s32 $0xFFFFFF80  }
0x10f: {  	_ =	swait.ge [sflag:s18], $0x80  }
0x110: {  	[sflag:s18] =	ssyncset.done $0x0  }
0x111: {  	[sflag:s18] =	ssyncadd.s32 $0xFFFFFF80  }
0x112: {  	_ =	swait.ge [sflag:s19], $0x4000  }
0x113: {  	[sflag:s19] =	ssyncset.done $0x0  }
0x114: {  	s20 =	simm.s32 $0x600;
	[sflag:s19] =	ssyncadd.s32 $0xFFFFC000  }
0x115: {  	[tilespmem:s20], [sflag:$0x1] =	stream.indirect.gather [hbm4b:s1+s7], $0x80, s26, s7, $0xb8;
	[tilespmem:$0x1FE80] =	vst v63  }
0x116: {  	_ =	swait.ge [sflag:s2], $0x4000  }
0x117: {  	[sflag:s2] =	ssyncset.done $0x0  }
0x118: {  	p6 =	seq.s32 s29, $0x12000;
	[sflag:s2] =	ssyncadd.s32 $0xFFFFC000  }
0x119: {  	[spmem:s3] =	stream.indirect.scatter.add.f32 [tilespmem:s12], [sflag:$0xC], $0x80, s25, s7, $0xb8;
	[tilespmem:$0x1FE80] =	vst v63  }
0x11a: {  	s0 =	sshrl.u32 @!p6 s30, $0x3;
	s5 =	rddreg [dreg:$0x1]  }
0x11b: {  	s21 =	simm.s32 @!p6 $0x0;
	s5 =	sadd.s32 @!p6 s5, s0  }
0x11c: {  	[tilespmem:s21], [sflag:$0x4] =	stream.linear.gather @!p6 [hbm4b:s5+s21], $0x80, $0x38;
	[tilespmem:$0x1FE80] =	vst v63  }
0x11d: {  	s5 =	rddreg [dreg:$0x7]  }
0x11e: {  	s0 =	sadd.s32 @!p6 s0, s5;
	s5 =	simm.s32 @!p6 $0x300  }
0x11f: {  	[tilespmem:s5], [sflag:$0x4] =	stream.linear.gather @!p6 [hbm4b:s0+s21], $0x80, $0x38;
	[tilespmem:$0x1FE80] =	vst v63  }
0x120: {  	_ =	swait.ge [sflag:s15], $0x80  }
0x121: {  	[sflag:s15] =	ssyncset.done $0x0  }
0x122: {  	[sflag:s15] =	ssyncadd.s32 $0xFFFFFF80  }
0x123: {  	_ =	swait.ge [sflag:s15], $0x80  }
0x124: {  	[sflag:s15] =	ssyncset.done $0x0  }
0x125: {  	[sflag:s15] =	ssyncadd.s32 $0xFFFFFF80  }
0x126: {  	_ =	swait.ge [sflag:s17], $0x4000  }
0x127: {  	[sflag:s17] =	ssyncset.done $0x0  }
0x128: {  	[sflag:s17] =	ssyncadd.s32 $0xFFFFC000  }
0x129: {  	[tilespmem:s13], [sflag:$0x2] =	stream.indirect.gather [hbm4b:s1+s7], $0x80, s11, s7, $0xb8;
	[tilespmem:$0x1FE80] =	vst v63  }
0x12a: {  	_ =	swait.ge [sflag:s16], $0x4000  }
0x12b: {  	[sflag:s16] =	ssyncset.done $0x0  }
0x12c: {  	s11 =	simm.s32 $0x600;
	s0 =	rddreg [dreg:$0x1c];
	[sflag:s16] =	ssyncadd.s32 $0xFFFFC000  }
0x12d: {  	[spmem:s3] =	stream.indirect.scatter.add.f32 [tilespmem:s11], [sflag:$0xA], $0x80, s22, s7, $0xb8;
	[tilespmem:$0x1FE80] =	vst v63  }
0x12e: {  	s5 =	simm.s32 @!p6 $0x80;
	s0 =	sadd.s32 @!p6 s29, s0  }
0x12f: {  	[tilespmem:s5], [sflag:$0x5] =	stream.linear.gather @!p6 [hbm4b:s0+s21], $0x80, $0x38;
	[tilespmem:$0x1FE80] =	vst v63  }
0x130: {  	s0 =	sadd.s32 @!p6 $0x10, s0;
	s5 =	simm.s32 @!p6 $0x380  }
0x131: {  	[tilespmem:s5], [sflag:$0x5] =	stream.linear.gather @!p6 [hbm4b:s0+s21], $0x80, $0x38;
	[tilespmem:$0x1FE80] =	vst v63  }
0x132: {  	_ =	swait.ge [sflag:s8], $0x80  }
0x133: {  	[sflag:s8] =	ssyncset.done $0x0  }
0x134: {  	[sflag:s8] =	ssyncadd.s32 $0xFFFFFF80  }
0x135: {  	_ =	swait.ge [sflag:s8], $0x80  }
0x136: {  	[sflag:s8] =	ssyncset.done $0x0  }
0x137: {  	s21 =	simm.s32 $0xC;
	[sflag:s8] =	ssyncadd.s32 $0xFFFFFF80  }
0x138: {  	_ =	swait.ge [sflag:s21], $0x4000  }
0x139: {  	[sflag:s21] =	ssyncset.done $0x0  }
0x13a: {  	[sflag:s21] =	ssyncadd.s32 $0xFFFFC000  }
0x13b: {  	[tilespmem:s12], [sflag:$0x3] =	stream.indirect.gather [hbm4b:s1+s7], $0x80, s28, s7, $0xb8;
	[tilespmem:$0x1FE80] =	vst v63  }
.Ltmp3:
0x13c: {  	_ = 	snop;
	(pc) =	sbr.rel @p6 .LBB2_6-.Ltmp3, $4  }
0x13d: {  	_ =	swait.ge [sflag:s6], $0x4000  }
0x13e: {  	s10 =	simm.s32 $0x580;
	s20 =	simm.s32 $0x180;
	[sflag:s6] =	ssyncset.done $0x0  }
0x13f: {  	s26 =	simm.s32 $0x400;
	s25 =	simm.s32 $0x100;
	[sflag:s6] =	ssyncadd.s32 $0xFFFFC000  }
0x140: {  	[spmem:s3] =	stream.indirect.scatter.add.f32 [tilespmem:s13], [sflag:$0xB], $0x80, s14, s7, $0xb8;
	[tilespmem:$0x1FE80] =	vst v63  }
0x141: {  	s0 =	rddreg [dreg:$0x1b]  }
0x142: {  	s0 =	sadd.s32 s29, s0  }
0x143: {  	[tilespmem:s25], [sflag:$0x6] =	stream.linear.gather [hbm4b:s0+s4], $0x80, $0x38;
	[tilespmem:$0x1FE80] =	vst v63  }
0x144: {  	s0 =	sadd.s32 $0x10, s0  }
0x145: {  	[tilespmem:s26], [sflag:$0x6] =	stream.linear.gather [hbm4b:s0+s4], $0x80, $0x38;
	[tilespmem:$0x1FE80] =	vst v63  }
0x146: {  	_ =	swait.ge [sflag:s31], $0x80  }
0x147: {  	[sflag:s31] =	ssyncset.done $0x0  }
0x148: {  	[sflag:s31] =	ssyncadd.s32 $0xFFFFFF80  }
0x149: {  	_ =	swait.ge [sflag:s31], $0x80  }
0x14a: {  	[sflag:s31] =	ssyncset.done $0x0  }
0x14b: {  	[sflag:s31] =	ssyncadd.s32 $0xFFFFFF80  }
0x14c: {  	_ =	swait.ge [sflag:s19], $0x4000  }
0x14d: {  	[sflag:s19] =	ssyncset.done $0x0  }
0x14e: {  	[sflag:s19] =	ssyncadd.s32 $0xFFFFC000  }
0x14f: {  	[tilespmem:s11], [sflag:$0x1] =	stream.indirect.gather [hbm4b:s1+s7], $0x80, s4, s7, $0xb8;
	[tilespmem:$0x1FE80] =	vst v63  }
0x150: {  	_ =	swait.ge [sflag:s2], $0x4000  }
0x151: {  	[sflag:s2] =	ssyncset.done $0x0  }
0x152: {  	[sflag:s2] =	ssyncadd.s32 $0xFFFFC000  }
0x153: {  	[spmem:s3] =	stream.indirect.scatter.add.f32 [tilespmem:s12], [sflag:$0xC], $0x80, s10, s7, $0xb8;
	[tilespmem:$0x1FE80] =	vst v63  }
0x154: {  	s26 =	sadd.s32 s29, s23  }
0x155: {  	[tilespmem:s20], [sflag:$0x7] =	stream.linear.gather [hbm4b:s26+s4], $0x80, $0x38;
	[tilespmem:$0x1FE80] =	vst v63  }
0x156: {  	s0 =	sadd.s32 $0x10, s26  }
0x157: {  	[tilespmem:s22], [sflag:$0x7] =	stream.linear.gather [hbm4b:s0+s4], $0x80, $0x38;
	[tilespmem:$0x1FE80] =	vst v63  }
0x158: {  	_ =	swait.ge [sflag:s9], $0x80  }
0x159: {  	[sflag:s9] =	ssyncset.done $0x0  }
0x15a: {  	[sflag:s9] =	ssyncadd.s32 $0xFFFFFF80  }
0x15b: {  	_ =	swait.ge [sflag:s9], $0x80  }
0x15c: {  	[sflag:s9] =	ssyncset.done $0x0  }
.Ltmp4:
0x15d: {  	[sflag:s9] =	ssyncadd.s32 $0xFFFFFF80;
	(pc) =	sbr.rel .LBB2_4-.Ltmp4, $4  }
0x15e: {  	s30 =	sadd.s32 $0xC000, s30;
	s5 =	simm.s32 $0x100;
	_ =	swait.ge [sflag:s17], $0x4000  }
0x15f: {  	s25 =	simm.s32 $0x400;
	s29 =	sadd.s32 $0x1800, s29;
	[sflag:s17] =	ssyncset.done $0x0  }
0x160: {  	s10 =	simm.s32 $0x580;
	s26 =	simm.s32 $0x180;
	[sflag:s17] =	ssyncadd.s32 $0xFFFFC000  }
0x161: {  	[tilespmem:s13], [sflag:$0x2] =	stream.indirect.gather [hbm4b:s1+s7], $0x80, s7, s7, $0xb8;
	[tilespmem:$0x1FE80] =	vst v63  }
.LBB2_7:
0x162: {  	_ =	sfence.sel $0x180000  }
0x163: {  	[bflag:$0x0] =	sbarrier.arrive $0xFFFF  }
0x164: {  	_ =	strace $0x90000047  }
0x165: {  	s0 =	stileid.u32;
	[bflag:$0x2] =	sbarrier.arrive $0xFFFF  }
0x166: {  	p0 =	sne.s32 s0, $0x0;
	s0 =	rddreg [dreg:$0x4]  }
0x167: {  	s0 =	sadd.s32 @!p0 $0x100000, s0  }
0x168: {  	[sflag:s0] =	ssyncadd.tile.s32 @!p0 $0x1;
	_ =	shalt  }
.Lfunc_end2:
_tile_overlayer_lowered:
.L_overlay_start_2:
0x169: {  	(tag) =	ssettag $0x2  }
0x16a: {  	s0 =	rddreg [dreg:$0x0];
	s2 =	stileid.u32  }
0x16b: {  	s1 =	rddreg [dreg:$0x1];
	p0 =	sne.s32 s2, $0x0  }
0x16c: {  	s3 =	rddreg [dreg:$0x2];
	[bflag:$0x3] =	sbarrier.arrive $0xFFFF;
	s2 =	simm.s32 @!p0 $0x1C0D  }
0x16d: {  	[timem:s3], [sflag:s2] =	dma.local @!p0 [hbm:s0], s1  }
0x16e: {  	s0 =	simm.s32 @!p0 $0xD  }
0x16f: {  	_ =	swait.ge @!p0 [sflag:s0], s1  }
0x170: {  	s1 =	ssub.s32 @!p0 $0x0, s1;
	[sflag:s0] =	ssyncset.done @!p0 $0x0  }
0x171: {  	[sflag:s0] =	ssyncadd.s32 @!p0 s1  }
0x172: {  	[bflag:$0x3] =	sbarrier.arrive $0xFFFF  }
0x173: {  	_ =	shalt  }

// kernel: kernel.9.cloned.1.call-start
scs
__scs_entry_jumppad:
0x0: {  	(pc) =	sbr.rel $0x88, $3  }
0x1: {  	(tag) =	ssettag $0x0;
	lr =	simm.s32 $0x1  }
0x2: {  	[smem:$0x3F96] =	sst lr;
	_ =	strace $0xD0000000  }
0x3: {  	_ = 	snop  }
0x4: {  	_ = 	snop  }
0x5: {  	_ = 	snop  }
0x6: {  	_ = 	snop  }
0x7: {  	_ = 	snop  }
__scs_overlays_trampoline_lowered:
0x8: {  	[smem:$0x3FA5] =	sst s0  }
0x9: {  	[smem:$0x3FA6] =	sst s1  }
0xa: {  	[smem:$0x3FA7] =	sst s2  }
0xb: {  	[smem:$0x3FA8] =	sst s3  }
0xc: {  	[smem:$0x3FA9] =	sst s4  }
0xd: {  	[smem:$0x3FAA] =	sst s5  }
0xe: {  	[smem:$0x3FAB] =	sst s6  }
0xf: {  	[smem:$0x3FAC] =	sst s7  }
0x10: {  	[smem:$0x3FAD] =	sst s8  }
0x11: {  	[smem:$0x3FAE] =	sst s9;
	s0 =	simm.s32 @!p0 $0x0  }
0x12: {  	s1 =	sld [smem:$0x3F94];
	s0 =	simm.s32 @p0 $0x1  }
0x13: {  	[smem:$0x3FAF] =	sst s0;
	s0 =	simm.s32 @!p1 $0x0  }
0x14: {  	s2 =	sld [smem:$0x3F93];
	s0 =	simm.s32 @p1 $0x1  }
0x15: {  	[smem:$0x3FB0] =	sst s0;
	s0 =	simm.s32 @!p2 $0x0  }
0x16: {  	s3 =	sld [smem:$0x3FDB];
	s0 =	simm.s32 @p2 $0x1  }
0x17: {  	s4 =	simm.s32 $0x1BF5;
	[smem:$0x3FB2] =	sst s0  }
0x18: {  	s0 =	sld [smem:$0x3F95];
	_ =	swait.ge [sflag:s4], $0x0  }
0x19: {  	s7 =	sld [smem:$0x3F96]  }
0x1a: {  	s8 =	sadd.s32 $0xFFFFE003, lr  }
0x1b: {  	s9 =	sadd.s32 $0xFFFFFEF7, lr;
	s5 =	simm.s32 $0xFFFFFFFF;
	p2 =	slt.u32 s8, $0xFFFFF086  }
0x1c: {  	p1 =	slt.u32 s9, $0xF7A;
	s5 =	simm.s32 @!p2 $0x0  }
0x1d: {  	s5 =	simm.s32 @p1 $0x1;
	p0 =	seq.s32 s7, s2  }
0x1e: {  	s7 =	smul.u32 @!p0 $0xF7A, s2;
	p2 =	seq.s32 @!p0 s5, $0x0  }
0x1f: {  	s9 =	smul.u32 $0xF7A, s1;
	s8 =	simm.s32 @!p0 $0x1BF5;
	p2 =	por !p2, p0  }
0x20: {  	[sflag:s8] =	ssyncset.s32 @!p0 $0xFFFFF086;
	s6 =	sadd.s32 @!p0 s3, s7;
	s7 =	simm.s32 @!p0 $0x108  }
0x21: {  	s3 =	sadd.s32 s3, s9;
	s6 =	sadd.s32 @!p0 $0x88, s6;
	s7 =	simm.s32 @p2 $0x1082  }
0x22: {  	[simem:s7], [sflag:s8] =	dma.local @!p0 [hbm:s6], $0xF7A  }
0x23: {  	s9 =	sor.u32 $0xD0000000, s2;
	s6 =	simm.s32 $0x108;
	_ =	swait.ge @!p0 [sflag:s8], $0x0  }
0x24: {  	s3 =	sadd.s32 $0x88, s3;
	s6 =	simm.s32 @!p1 $0x1082;
	[sflag:s4] =	ssyncset.s32 $0xFFFFF086  }
0x25: {  	[simem:s6], [sflag:s4] =	dma.local [hbm:s3], $0xF7A  }
0x26: {  	[smem:$0x3F96] =	sst s1;
	(tag) =	ssettag s2;
	_ =	strace s9  }
0x27: {  	s1 =	sld [smem:$0x3FA6]  }
0x28: {  	s2 =	sld [smem:$0x3FA7]  }
0x29: {  	s4 =	sld [smem:$0x3FA9]  }
0x2a: {  	p0 =	seq.s32 s5, $0x0;
	s5 =	sld [smem:$0x3FAA]  }
0x2b: {  	s6 =	sld [smem:$0x3FAB]  }
0x2c: {  	s7 =	sld [smem:$0x3FAC]  }
0x2d: {  	s3 =	simm.s32 $0x108;
	s8 =	sld [smem:$0x3FAD]  }
0x2e: {  	s3 =	simm.s32 @!p0 $0x1082;
	s9 =	sld [smem:$0x3FAE]  }
0x2f: {  	lr =	sadd.s32 s0, s3;
	s0 =	sld [smem:$0x3FA5]  }
0x30: {  	s3 =	sld [smem:$0x3FA8]  }
0x31: {  	[smem:$0x3FB1] =	sst s10  }
0x32: {  	s10 =	sld [smem:$0x3FAF];
	_ =	sdelay $0x3  }
0x33: {  	p0 =	seq.s32 s10, $0x1;
	s10 =	sld [smem:$0x3FB1];
	_ =	sdelay $0x3  }
0x34: {  	[smem:$0x3FB1] =	sst s10  }
0x35: {  	s10 =	sld [smem:$0x3FB0];
	_ =	sdelay $0x3  }
0x36: {  	p1 =	seq.s32 s10, $0x1;
	s10 =	sld [smem:$0x3FB1];
	_ =	sdelay $0x3  }
0x37: {  	[smem:$0x3FB1] =	sst s10  }
0x38: {  	s10 =	sld [smem:$0x3FB2]  }
0x39: {  	_ = 	snop;
	(pc) =	sbr.ind lr, $3  }
0x3a: {  	_ = 	snop  }
0x3b: {  	_ = 	snop  }
0x3c: {  	p2 =	seq.s32 s10, $0x1;
	s10 =	sld [smem:$0x3FB1]  }
0x3d: {  	_ =	shalt  }
0x3e: {  	_ =	shalt  }
0x3f: {  	_ =	shalt  }
0x40: {  	_ =	shalt  }
0x41: {  	_ =	shalt  }
0x42: {  	_ =	shalt  }
0x43: {  	_ =	shalt  }
0x44: {  	_ =	shalt  }
0x45: {  	_ =	shalt  }
0x46: {  	_ =	shalt  }
0x47: {  	_ =	shalt  }
0x48: {  	_ =	shalt  }
0x49: {  	_ =	shalt  }
0x4a: {  	_ =	shalt  }
0x4b: {  	_ =	shalt  }
0x4c: {  	_ =	shalt  }
0x4d: {  	_ =	shalt  }
0x4e: {  	_ =	shalt  }
0x4f: {  	_ =	shalt  }
0x50: {  	_ =	shalt  }
0x51: {  	_ =	shalt  }
0x52: {  	_ =	shalt  }
0x53: {  	_ =	shalt  }
0x54: {  	_ =	shalt  }
0x55: {  	_ =	shalt  }
0x56: {  	_ =	shalt  }
0x57: {  	_ =	shalt  }
0x58: {  	_ =	shalt  }
0x59: {  	_ =	shalt  }
0x5a: {  	_ =	shalt  }
0x5b: {  	_ =	shalt  }
0x5c: {  	_ =	shalt  }
0x5d: {  	_ =	shalt  }
0x5e: {  	_ =	shalt  }
0x5f: {  	_ =	shalt  }
0x60: {  	_ =	shalt  }
0x61: {  	_ =	shalt  }
0x62: {  	_ =	shalt  }
0x63: {  	_ =	shalt  }
0x64: {  	_ =	shalt  }
0x65: {  	_ =	shalt  }
0x66: {  	_ =	shalt  }
0x67: {  	_ =	shalt  }
0x68: {  	_ =	shalt  }
0x69: {  	_ =	shalt  }
0x6a: {  	_ =	shalt  }
0x6b: {  	_ =	shalt  }
0x6c: {  	_ =	shalt  }
0x6d: {  	_ =	shalt  }
0x6e: {  	_ =	shalt  }
0x6f: {  	_ =	shalt  }
0x70: {  	_ =	shalt  }
0x71: {  	_ =	shalt  }
0x72: {  	_ =	shalt  }
0x73: {  	_ =	shalt  }
0x74: {  	_ =	shalt  }
0x75: {  	_ =	shalt  }
0x76: {  	_ =	shalt  }
0x77: {  	_ =	shalt  }
0x78: {  	_ =	shalt  }
0x79: {  	_ =	shalt  }
0x7a: {  	_ =	shalt  }
0x7b: {  	_ =	shalt  }
0x7c: {  	_ =	shalt  }
0x7d: {  	_ =	shalt  }
0x7e: {  	_ =	shalt  }
0x7f: {  	_ =	shalt  }
0x80: {  	_ =	shalt  }
0x81: {  	_ =	shalt  }
0x82: {  	_ =	shalt  }
0x83: {  	_ =	shalt  }
0x84: {  	_ =	shalt  }
0x85: {  	_ =	shalt  }
0x86: {  	_ =	shalt  }
0x87: {  	_ =	shalt  }
.Lfunc_end0:
.L_simem_size_0:
called_computation.1_lowered:
.L_overlay_start_0:
0x88: {  	s2 =	sld [smem:$0x3FD9]  }
0x89: {  	s3 =	sld [smem:$0x3FFE];
	_ =	sdelay $0x1  }
0x8a: {  	s1 =	srdreg.scid  }
0x8b: {  	s0 =	sand.u32 $0x1, s1  }
0x8c: {  	s17 =	sshll.u32 s0, $0xA;
	s2 =	sadd.s32 s3, s2  }
0x8d: {  	s2 =	sadd.s32 s2, s17  }
0x8e: {  	[smem:$0x3FBD] =	sst s2  }
0x8f: {  	_ = 	snop  }
0x90: {  	s2 =	sld [smem:$0x3FC8];
	(tm) =	ssettm $0x1  }
0x91: {  	s18 =	sld [smem:$0x3FFB];
	_ =	sdelay $0x3  }
0x92: {  	_ =	strace s18  }
0x93: {  	s3 =	sld [smem:$0x3FFC];
	_ =	sdelay $0x3  }
0x94: {  	_ =	strace s3  }
0x95: {  	s3 =	sld [smem:$0x3FFD];
	_ =	sdelay $0x3  }
0x96: {  	_ =	strace s3  }
0x97: {  	_ =	strace $0x8FFFFFFF  }
0x98: {  	s19 =	sld [smem:$0x3FDB];
	_ =	sdelay $0x1  }
0x99: {  	s4 =	simm.s32 $_scs_section_size  }
0x9a: {  	s5 =	simm.s32 $_size__tile_overlayer_lowered;
	s6 =	simm.s32 $_tile_overlayer_lowered  }
0x9b: {  	s22 =	simm.s32 $0x1BFF;
	s21 =	sshll.u32 s6, $0x1;
	s3 =	sadd.s32 s4, s19  }
0x9c: {  	s7 =	simm.s32 $0x0;
	s20 =	sshll.u32 s5, $0x1;
	s5 =	sadd.s32 s21, s3  }
0x9d: {  	[timem:s7], [sflag:s22] =	dma.local [hbm:s5], s20  }
0x9e: {  	_ =	swait.ge [sflag:s22], s20  }
0x9f: {  	s4 =	ssub.s32 $0x0, s20;
	[sflag:s22] =	ssyncset.done $0x0  }
0xa0: {  	[sflag:s22] =	ssyncadd.s32 s4;
	_ =	sdelay $0x1  }
0xa1: {  	s23 =	simm.s32 $0x1B8B  }
0xa2: {  	_ =	swait.ge [sflag:s23], $0x1  }
0xa3: {  	[sflag:s23] =	ssyncset.done $0x0  }
0xa4: {  	s25 =	simm.s32 $0x1B8E;
	s24 =	sld [smem:$0x3FFE];
	[sflag:s23] =	ssyncadd.s32 $0xFFFFFFFF  }
0xa5: {  	s26 =	simm.s32 $execute0_lowered;
	[smem:$0x3FD2] =	sst s25  }
0xa6: {  	s5 =	sshll.u32 s26, $0x1;
	_ =	strace $0x80000049;
	[dreg:$0x1] =	wrdreg $0xFFFFFFFF  }
0xa7: {  	s28 =	simm.s32 $_size_execute0_lowered;
	s3 =	sadd.s32 s3, s5;
	[dreg:$0x0] =	wrdreg $0x0  }
0xa8: {  	s5 =	sshll.u32 s28, $0x1;
	[dreg:$0x2] =	wrdreg s3  }
0xa9: {  	[dreg:$0x3] =	wrdreg s5  }
0xaa: {  	[dreg:$0x4] =	wrdreg $0xC0  }
0xab: {  	_ =	task [dreg:s7], $0x5FFFF  }
0xac: {  	[dreg:$0x1] =	wrdreg $0xFFFFFFFF  }
0xad: {  	[dreg:$0x0] =	wrdreg $0x60  }
0xae: {  	[dreg:$0x2] =	wrdreg s24  }
0xaf: {  	[dreg:$0x3] =	wrdreg s2  }
0xb0: {  	[dreg:$0x4] =	wrdreg $0xC6000  }
0xb1: {  	[dreg:$0x5] =	wrdreg $0x9  }
0xb2: {  	_ =	task.clear_ibuf [dreg:s7], $0x6FFFF;
	_ =	strace $0x90000049  }
0xb3: {  	s29 =	simm.s32 $0x9;
	_ =	strace $0x8000004B  }
0xb4: {  	_ =	swait.ge [sflag:s29], $0x1  }
0xb5: {  	[sflag:s29] =	ssyncadd.s32 $0xFFFFFFFF  }
0xb6: {  	_ =	strace $0x9000004B  }
0xb7: {  	_ =	sfence  }
0xb8: {  	s30 =	sld [smem:$0x0];
	_ =	sdelay $0x2  }
0xb9: {  	s31 =	sshll.u32 s1, $0xD;
	s1 =	sshrl.u32 s1, $0x2  }
0xba: {  	s3 =	sand.u32 $0x4000, s31;
	s1 =	sadd.s32 s1, s30  }
0xbb: {  	s0 =	sor.u32 s3, s0;
	s1 =	sshll.u32 s1, $0x11  }
0xbc: {  	s0 =	sor.u32 s1, s0  }
0xbd: {  	s0 =	sadd.s32 $0x8F2B, s0  }
0xbe: {  	[sflag:s0] =	ssyncadd.remote.s32 $0x1  }
0xbf: {  	_ =	sfence.sel $0xFFFF  }
0xc0: {  	[dreg:$0x0] =	wrdreg $0xFFFFFFFF;
	(pc) =	sbr.abs _section_cstart, $3  }
0xc1: {  	[dreg:$0x1] =	wrdreg $0xFFFFFFFF  }
0xc2: {  	_ =	task.clear_ibuf [dreg:s7], $0x2FFFF;
	_ =	strace $0x9FFFFFFF  }
0xc3: {  	(tm) =	ssettm $0x7FFFFFFF  }
tec
execute0_lowered:
.L_overlay_start_1:
0x0: {  	(tag) =	ssettag $0x1  }
0x1: {  	s0 =	rddreg [dreg:$0x0]  }
0x2: {  	s8 =	rddreg [dreg:$0x1]  }
0x3: {  	s2 =	rddreg [dreg:$0x2]  }
0x4: {  	s3 =	simm.s32 $0x0;
	s1 =	srdreg.scid;
	s9 =	stileid.u32  }
0x5: {  	s28 =	simm.s32 $0x4;
	s29 =	simm.s32 $0x280;
	[smem:$0x7FF] =	sst s3  }
0x6: {  	s5 =	sadd.s32 $0x2000, s0;
	s1 =	sand.u32 $0x1, s1;
	s10 =	sadd.s32 $0x29200, s0  }
0x7: {  	s11 =	sshll.u32 s9, $0x6;
	s0 =	sadd.s32 $0x29000, s0;
	s30 =	sadd.s32 $0x10, s8  }
0x8: {  	s12 =	sor.u32 $0x10, s9;
	_ =	strace $0x8000004A;
	[dreg:$0x5] =	wrdreg s11  }
0x9: {  	s16 =	sor.u32 $0x20, s9;
	s19 =	sor.u32 $0x30, s9;
	[dreg:$0x6] =	wrdreg s0  }
0xa: {  	s21 =	sshll.u32 s9, $0x9;
	s25 =	smul.u32 $0x6400, s9;
	[dreg:$0x8] =	wrdreg s30  }
0xb: {  	s4 =	ssub.s32 $0x2, s1;
	s7 =	sshll.u32 s1, $0x5;
	[dreg:$0xc] =	wrdreg s12  }
0xc: {  	p0 =	seq.s32 s1, $0x1;
	s14 =	sshll.u32 s12, $0xE;
	[dreg:$0x10] =	wrdreg s16  }
0xd: {  	s15 =	sshll.u32 s12, $0xB;
	s17 =	sshll.u32 s16, $0xE;
	[dreg:$0x14] =	wrdreg s19  }
0xe: {  	s20 =	sshll.u32 s19, $0xE;
	s22 =	sshll.u32 s19, $0xB;
	[dreg:$0x4] =	wrdreg s10  }
0xf: {  	s6 =	sshrl.u32 s4, $0x1;
	s26 =	sor.u32 s7, s11;
	s7 =	smul.u32 $0x138800, s1  }
0x10: {  	s1 =	sshll.u32 s1, $0x8;
	s23 =	sadd.s32 s5, s22;
	s4 =	ssub.s32 s4, s6  }
0x11: {  	s11 =	sadd.s32 s8, s26;
	s0 =	sadd.s32 s26, s30;
	s6 =	sshll.u32 s9, $0xB  }
0x12: {  	s1 =	sor.u32 s1, s21;
	[dreg:$0x16] =	wrdreg s23;
	s30 =	smul.u32 $0x19000, s9  }
0x13: {  	[dreg:$0x9] =	wrdreg s0;
	s31 =	smax.u32 s4, $0x1;
	s4 =	sshll.u32 s9, $0xE  }
0x14: {  	s13 =	sadd.s32 s5, s6;
	s6 =	sor.u32 $0x40, s9;
	[dreg:$0xa] =	wrdreg s7  }
0x15: {  	s12 =	sor.u32 $0xE000, s1;
	s21 =	sadd.s32 $0x400, s11;
	[dreg:$0x7] =	wrdreg s11  }
0x16: {  	s22 =	sadd.s32 $0x410, s11;
	s23 =	sadd.s32 $0x800, s11;
	[dreg:$0xb] =	wrdreg s31  }
0x17: {  	s0 =	sadd.s32 s4, s2;
	[dreg:$0xe] =	wrdreg s13;
	s4 =	sshll.u32 s16, $0xB  }
0x18: {  	s24 =	sshll.u32 s6, $0xE;
	p3 =	slt.u32 @!p0 s6, $0x4E;
	[smem:$0x7F6] =	sst s21  }
0x19: {  	p2 =	slt.u32 @p0 s6, $0x4E;
	s26 =	sshll.u32 s6, $0xB;
	[smem:$0x7F7] =	sst s22  }
0x1a: {  	s31 =	sor.u32 $0x12000, s1;
	s6 =	sshrl.u32 s30, $0x2;
	[smem:$0x7F8] =	sst s23  }
0x1b: {  	s13 =	sor.u32 $0xA000, s1;
	s16 =	sor.u32 $0xC000, s1;
	[dreg:$0xd] =	wrdreg s0  }
0x1c: {  	s30 =	sadd.s32 $0x13800, s11;
	s22 =	simm.s32 $0xA;
	[dreg:$0x1e] =	wrdreg s16  }
0x1d: {  	s0 =	sadd.s32 s14, s2;
	s18 =	sadd.s32 s5, s4;
	[smem:$0x7FC] =	sst s30  }
0x1e: {  	s4 =	simm.s32 @!p2 $0x0;
	s6 =	sadd.s32 s6, s2;
	[dreg:$0xf] =	wrdreg s0  }
0x1f: {  	p1 =	por !p3, p0;
	s0 =	sadd.s32 s5, s15;
	[dreg:$0x13] =	wrdreg s18  }
0x20: {  	s16 =	simm.s32 $0xB;
	s4 =	simm.s32 @p2 $0x1;
	[dreg:$0x11] =	wrdreg s0  }
0x21: {  	p5 =	sne.s32 @!p1 s9, $0x0;
	s19 =	sshrl.u32 s6, $0x3;
	[smem:$0x7F0] =	sst s4  }
0x22: {  	p2 =	por !p2, !p0;
	s0 =	sadd.s32 s17, s2;
	[smem:$0x7F4] =	sst s19  }
0x23: {  	s6 =	simm.s32 $0x2;
	s4 =	sadd.s32 s5, s26;
	[dreg:$0x12] =	wrdreg s0  }
0x24: {  	p6 =	por @!p0 p5, !p3;
	p5 =	por @!p0 !p5, !p3;
	[dreg:$0x18] =	wrdreg s4  }
0x25: {  	p4 =	seq.s32 @!p2 s9, $0x0;
	s26 =	sadd.s32 $0xC10, s11;
	s18 =	sld [smem:$0x7F0]  }
0x26: {  	s0 =	sadd.s32 s20, s2;
	s4 =	sshrl.u32 s31, $0x3;
	[smem:$0x7FB] =	sst s26  }
0x27: {  	p3 =	por p6, p0;
	s20 =	sadd.s32 $0x138000, s2;
	[dreg:$0x15] =	wrdreg s0  }
0x28: {  	p5 =	por !p5, p0;
	s31 =	sadd.s32 $0x13810, s11;
	[smem:$0x7F5] =	sst s20  }
0x29: {  	s26 =	simm.s32 $0x180;
	s0 =	sadd.s32 s24, s2;
	[smem:$0x7FD] =	sst s31  }
0x2a: {  	s24 =	sadd.s32 $0x810, s11;
	s20 =	simm.s32 $0x480;
	[dreg:$0x17] =	wrdreg s0  }
0x2b: {  	s0 =	sadd.s32 s7, s25;
	s7 =	sadd.s32 s4, s8;
	s4 =	sshrl.u32 s12, $0x3  }
0x2c: {  	[smem:$0x7F9] =	sst s24;
	s25 =	sadd.s32 $0xC00, s11;
	s24 =	simm.s32 $0x400  }
0x2d: {  	s12 =	simm.s32 $0x600;
	s11 =	simm.s32 $0x8;
	s0 =	sshrl.u32 s0, $0x3  }
0x2e: {  	[dreg:$0x1a] =	wrdreg s7;
	s7 =	sshrl.u32 s13, $0x3;
	s14 =	sadd.s32 s4, s8  }
0x2f: {  	p6 =	seq.s32 s18, $0x1;
	[smem:$0x7FA] =	sst s25;
	s25 =	simm.s32 $0x6  }
0x30: {  	s13 =	simm.s32 $0x8600;
	s18 =	simm.s32 $0x7;
	s4 =	simm.s32 $0x0  }
0x31: {  	s0 =	sadd.s32 s10, s0;
	s10 =	sor.u32 $0x10000, s1;
	[dreg:$0x1c] =	wrdreg s14  }
0x32: {  	s15 =	sadd.s32 s7, s8;
	s1 =	sor.u32 $0x8000, s1;
	p4 =	por @p0 !p4, !p6  }
0x33: {  	s7 =	simm.s32 $0x80;
	[dreg:$0x19] =	wrdreg s0;
	s0 =	sshrl.u32 s10, $0x3  }
0x34: {  	[dreg:$0x1d] =	wrdreg s15;
	s1 =	sshrl.u32 s1, $0x3;
	s0 =	sadd.s32 s0, s8  }
0x35: {  	s15 =	simm.s32 $0x4600;
	[dreg:$0x1b] =	wrdreg s0;
	s0 =	simm.s32 @!p5 $0x0  }
0x36: {  	s10 =	simm.s32 $0x9;
	s0 =	simm.s32 @p5 $0x1;
	p5 =	por p4, !p0  }
.Ltmp0:
0x37: {  	[smem:$0x7F1] =	sst s0;
	s0 =	simm.s32 @!p5 $0x0;
	(pc) =	sbr.rel .LBB2_1-.Ltmp0, $4  }
0x38: {  	s17 =	sadd.s32 s1, s8;
	p4 =	por !p4, !p0;
	s0 =	simm.s32 @p5 $0x1  }
0x39: {  	s1 =	simm.s32 $0x3;
	[smem:$0x7F2] =	sst s0;
	s0 =	simm.s32 @!p4 $0x0  }
0x3a: {  	[dreg:$0x1f] =	wrdreg s17;
	s17 =	simm.s32 $0x1;
	s0 =	simm.s32 @p4 $0x1  }
0x3b: {  	v0 =	vimm.f32 $0.0e+00;
	p4 =	sgt.u32 s9, $0x1;
	s9 =	simm.s32 $0x5;
	[smem:$0x7F3] =	sst s0  }
.LBB2_6:
0x3c: {  	_ =	swait.ge [sflag:s1], $0x4000  }
0x3d: {  	[sflag:s1] =	ssyncset.done $0x0  }
0x3e: {  	[sflag:s1] =	ssyncadd.s32 $0xFFFFC000  }
0x3f: {  	[spmem:s2] =	stream.indirect.scatter.add.f32 [tilespmem:s13], [sflag:$0xC], $0x80, s4, s7, $0xb8;
	[tilespmem:$0x1FE80] =	vst v63  }
0x40: {  	_ =	swait.ge [sflag:s22], $0x4000  }
0x41: {  	[sflag:s22] =	ssyncset.done $0x0  }
0x42: {  	[sflag:s22] =	ssyncadd.s32 $0xFFFFC000  }
0x43: {  	_ =	swait.ge [sflag:s16], $0x4000  }
0x44: {  	[sflag:s16] =	ssyncset.done $0x0  }
0x45: {  	s0 =	simm.s32 $0xC;
	[sflag:s16] =	ssyncadd.s32 $0xFFFFC000  }
0x46: {  	_ =	swait.ge [sflag:s0], $0x4000  }
0x47: {  	s8 =	sld [smem:$0x7FC]  }
0x48: {  	[sflag:s0] =	ssyncset.done $0x0  }
0x49: {  	[sflag:s0] =	ssyncadd.s32 $0xFFFFC000;
	s0 =	simm.s32 @!p4 $0x0  }
0x4a: {  	[tilespmem:s0], [sflag:$0xD] =	stream.linear.gather @!p4 [hbm4b:s8+s0], $0x80, $0x38;
	[tilespmem:$0x1FE80] =	vst v63  }
0x4b: {  	s8 =	simm.s32 @!p4 $0xD  }
0x4c: {  	_ =	swait.ge @!p4 [sflag:s8], $0x80  }
0x4d: {  	s21 =	sld [smem:$0x7FD]  }
0x4e: {  	[sflag:s8] =	ssyncset.done @!p4 $0x0  }
0x4f: {  	s19 =	simm.s32 @!p4 $0x300;
	[sflag:s8] =	ssyncadd.s32 @!p4 $0xFFFFFF80  }
0x50: {  	[tilespmem:s19], [sflag:$0xD] =	stream.linear.gather @!p4 [hbm4b:s21+s0], $0x80, $0x38;
	[tilespmem:$0x1FE80] =	vst v63  }
0x51: {  	_ =	swait.ge @!p4 [sflag:s8], $0x80  }
0x52: {  	[sflag:s8] =	ssyncset.done @!p4 $0x0  }
0x53: {  	s30 =	simm.s32 @!p4 $0x80;
	s31 =	simm.s32 @!p4 $0x600;
	[sflag:s8] =	ssyncadd.s32 @!p4 $0xFFFFFF80  }
0x54: {  	[tilespmem:s31], [sflag:$0x1] =	stream.indirect.gather @!p4 [hbm4b:s5+s30], $0x80, s0, s30, $0xb8;
	[tilespmem:$0x1FE80] =	vst v63  }
0x55: {  	s0 =	simm.s32 @!p4 $0x1  }
0x56: {  	_ =	swait.ge @!p4 [sflag:s0], $0x4000  }
0x57: {  	[sflag:s0] =	ssyncset.done @!p4 $0x0  }
0x58: {  	[sflag:s0] =	ssyncadd.s32 @!p4 $0xFFFFC000  }
0x59: {  	[spmem:s2] =	stream.indirect.scatter.add.f32 @!p4 [tilespmem:s31], [sflag:$0xD], $0x80, s19, s30, $0xb8;
	[tilespmem:$0x1FE80] =	vst v63  }
0x5a: {  	_ =	swait.ge @!p4 [sflag:s8], $0x4000  }
0x5b: {  	[sflag:s8] =	ssyncset.done @!p4 $0x0  }
0x5c: {  	[sflag:s8] =	ssyncadd.s32 @!p4 $0xFFFFC000  }
0x5d: {  	s24 =	sld [smem:$0x7ED];
	[bflag:$0x0] =	sbarrier.arrive $0xFFFF  }
0x5e: {  	s14 =	sld [smem:$0x7F4]  }
0x5f: {  	s30 =	rddreg [dreg:$0x5]  }
0x60: {  	s4 =	rddreg [dreg:$0x19];
	s8 =	sor.u32 $0x1C0D, s30  }
0x61: {  	[hbm:s4], [sflag:s8] =	dma.local [spmem:s14], $0xC80  }
0x62: {  	s31 =	smul.u32 $0x19000, s24;
	s4 =	simm.s32 $0xD  }
0x63: {  	s26 =	smul.u32 $0x6400, s24;
	_ =	swait.ge [sflag:s4], $0xC80  }
0x64: {  	s19 =	sshrl.u32 s31, $0x2;
	s21 =	rddreg [dreg:$0xa]  }
0x65: {  	s19 =	sadd.s32 s19, s2;
	s0 =	sadd.s32 s21, s26  }
0x66: {  	[sflag:s4] =	ssyncset.done $0x0;
	s20 =	sshrl.u32 s0, $0x3;
	s0 =	rddreg [dreg:$0x4]  }
0x67: {  	s19 =	sshrl.u32 s19, $0x3;
	[sflag:s4] =	ssyncadd.s32 $0xFFFFF380;
	s30 =	sadd.s32 s0, s20  }
0x68: {  	[hbm:s30], [sflag:s8] =	dma.local [spmem:s19], $0xC80  }
0x69: {  	_ =	swait.ge [sflag:s4], $0xC80  }
0x6a: {  	s14 =	sld [smem:$0x7EE];
	_ =	sdelay $0x2  }
0x6b: {  	s23 =	smul.u32 $0x6400, s14  }
0x6c: {  	s24 =	smul.u32 $0x19000, s14;
	s14 =	sld [smem:$0x7EC]  }
0x6d: {  	[sflag:s4] =	ssyncset.done $0x0  }
0x6e: {  	[sflag:s4] =	ssyncadd.s32 $0xFFFFF380  }
0x6f: {  	s30 =	sadd.s32 s21, s23;
	s19 =	sshrl.u32 s24, $0x2;
	p6 =	sgt.u32 s14, $0x31  }
0x70: {  	s26 =	sshrl.u32 s30, $0x3;
	s19 =	sadd.s32 s19, s2;
	s20 =	smul.u32 @!p6 $0x6400, s14  }
0x71: {  	s30 =	sadd.s32 s0, s26;
	s19 =	sshrl.u32 s19, $0x3;
	s31 =	smul.u32 @!p6 $0x19000, s14  }
0x72: {  	[hbm:s30], [sflag:s8] =	dma.local [spmem:s19], $0xC80  }
0x73: {  	_ =	swait.ge [sflag:s4], $0xC80;
	s30 =	sadd.s32 @!p6 s21, s20;
	s19 =	sshrl.u32 @!p6 s31, $0x2  }
0x74: {  	[sflag:s4] =	ssyncset.done $0x0;
	s30 =	sshrl.u32 @!p6 s30, $0x3;
	s19 =	sadd.s32 @!p6 s19, s2  }
0x75: {  	[sflag:s4] =	ssyncadd.s32 $0xFFFFF380;
	s0 =	sadd.s32 @!p6 s0, s30;
	s19 =	sshrl.u32 @!p6 s19, $0x3  }
0x76: {  	[hbm:s0], [sflag:s8] =	dma.local @!p6 [spmem:s19], $0xC80  }
0x77: {  	s0 =	simm.s32 @!p6 $0xD  }
0x78: {  	_ =	swait.ge @!p6 [sflag:s0], $0xC80  }
0x79: {  	s30 =	sld [smem:$0x7EF];
	_ =	sdelay $0x2  }
0x7a: {  	s31 =	rddreg [dreg:$0xb];
	s4 =	sadd.s32 $0x1, s30  }
0x7b: {  	p5 =	sne.s32 s4, s31  }
.Ltmp1:
0x7c: {  	_ = 	snop;
	(pc) =	sbr.rel @!p5 .LBB2_7-.Ltmp1, $3  }
0x7d: {  	_ =	sdelay $0x1  }
0x7e: {  	s24 =	simm.s32 $0x400;
	[sflag:s0] =	ssyncset.done @!p6 $0x0  }
0x7f: {  	s26 =	simm.s32 $0x180;
	s20 =	simm.s32 $0x480;
	[sflag:s0] =	ssyncadd.s32 @!p6 $0xFFFFF380  }
.LBB2_1:
0x80: {  	[smem:$0x7EF] =	sst s4;
	s30 =	simm.s32 $0x0;
	s31 =	simm.s32 $0x200  }
.LBB2_2:
0x81: {  	p6 =	sne.s32 s31, $0xFE00;
	[tilespmem:s30+$0x670] =	vst v0  }
0x82: {  	[tilespmem:s30+$0x600] =	vst v0  }
0x83: {  	[tilespmem:s30+$0x610] =	vst v0  }
.Ltmp2:
0x84: {  	[tilespmem:s30+$0x620] =	vst v0;
	(pc) =	sbr.rel @p6 .LBB2_2-.Ltmp2, $4  }
0x85: {  	[tilespmem:s30+$0x630] =	vst v0  }
0x86: {  	[tilespmem:s30+$0x640] =	vst v0  }
0x87: {  	[tilespmem:s30+$0x650] =	vst v0  }
0x88: {  	[tilespmem:s30+$0x660] =	vst v0;
	s30 =	sshra.s32 s31, $0x2;
	s31 =	sadd.s32 $0x200, s31  }
0x89: {  	[tilespmem:s30+$0x670] =	vst v0  }
0x8a: {  	[tilespmem:s30+$0x600] =	vst v0  }
0x8b: {  	[tilespmem:s30+$0x610] =	vst v0  }
0x8c: {  	[tilespmem:s30+$0x620] =	vst v0  }
0x8d: {  	[tilespmem:s30+$0x630] =	vst v0  }
0x8e: {  	[tilespmem:s30+$0x640] =	vst v0;
	s0 =	stileid.u32  }
0x8f: {  	[tilespmem:s30+$0x650] =	vst v0;
	s4 =	rddreg [dreg:$0xd];
	s31 =	sshll.u32 @!p0 s0, $0x6  }
0x90: {  	[tilespmem:s30+$0x660] =	vst v0;
	s0 =	rddreg [dreg:$0xe];
	s30 =	sor.u32 @!p0 $0x1C0E, s31;
	s31 =	sshrl.u32 @!p0 s4, $0x3  }
0x91: {  	[spmem:s31], [sflag:s30] =	dma.local @!p0 [hbm:s0], $0x800  }
0x92: {  	s31 =	simm.s32 @!p0 $0xE  }
0x93: {  	_ =	swait.ge @!p0 [sflag:s31], $0x800  }
0x94: {  	[sflag:s31] =	ssyncset.done @!p0 $0x0;
	s14 =	rddreg [dreg:$0xf]  }
0x95: {  	s8 =	rddreg [dreg:$0x11];
	[sflag:s31] =	ssyncadd.s32 @!p0 $0xFFFFF800;
	s0 =	sshrl.u32 @!p0 s14, $0x3  }
0x96: {  	[spmem:s0], [sflag:s30] =	dma.local @!p0 [hbm:s8], $0x800  }
0x97: {  	_ =	swait.ge @!p0 [sflag:s31], $0x800  }
0x98: {  	[sflag:s31] =	ssyncset.done @!p0 $0x0;
	s23 =	rddreg [dreg:$0x12]  }
0x99: {  	s8 =	rddreg [dreg:$0x13];
	[sflag:s31] =	ssyncadd.s32 @!p0 $0xFFFFF800;
	s0 =	sshrl.u32 @!p0 s23, $0x3  }
0x9a: {  	[spmem:s0], [sflag:s30] =	dma.local @!p0 [hbm:s8], $0x800  }
0x9b: {  	_ =	swait.ge @!p0 [sflag:s31], $0x800  }
0x9c: {  	[sflag:s31] =	ssyncset.done @!p0 $0x0;
	s19 =	rddreg [dreg:$0x15]  }
0x9d: {  	s8 =	rddreg [dreg:$0x16];
	[sflag:s31] =	ssyncadd.s32 @!p0 $0xFFFFF800;
	s0 =	sshrl.u32 @!p0 s19, $0x3  }
0x9e: {  	[spmem:s0], [sflag:s30] =	dma.local @!p0 [hbm:s8], $0x800  }
0x9f: {  	_ =	swait.ge @!p0 [sflag:s31], $0x800  }
0xa0: {  	[sflag:s31] =	ssyncset.done @!p0 $0x0  }
0xa1: {  	[sflag:s31] =	ssyncadd.s32 @!p0 $0xFFFFF800;
	s31 =	rddreg [dreg:$0x17]  }
0xa2: {  	s8 =	rddreg [dreg:$0x18];
	s0 =	sshrl.u32 @!p1 s31, $0x3  }
0xa3: {  	[spmem:s0], [sflag:s30] =	dma.local @!p1 [hbm:s8], $0x800  }
0xa4: {  	s0 =	simm.s32 @!p1 $0xE  }
0xa5: {  	_ =	swait.ge @!p1 [sflag:s0], $0x800  }
0xa6: {  	s21 =	sld [smem:$0x7F5];
	_ =	sdelay $0x1  }
0xa7: {  	s30 =	simm.s32 @!p3 $0x1C0D;
	[sflag:s0] =	ssyncset.done @!p1 $0x0  }
0xa8: {  	s8 =	rddreg [dreg:$0x6];
	[sflag:s0] =	ssyncadd.s32 @!p1 $0xFFFFF800;
	s0 =	sshrl.u32 @!p3 s21, $0x3  }
0xa9: {  	[spmem:s0], [sflag:s30] =	dma.local @!p3 [hbm:s8], $0x100  }
0xaa: {  	s0 =	simm.s32 @!p3 $0xD  }
0xab: {  	_ =	swait.ge @!p3 [sflag:s0], $0x100  }
0xac: {  	[sflag:s0] =	ssyncset.done @!p3 $0x0  }
0xad: {  	s30 =	simm.s32 @p0 $0xD;
	[sflag:s0] =	ssyncadd.s32 @!p3 $0xFFFFFF00;
	s0 =	simm.s32 @p0 $0x600  }
0xae: {  	[spmem:s4] =	stream.linear.scatter @p0 [tilespmem:s0], [sflag:$0xD], $0x4000, $0x38;
	[tilespmem:$0x1FE80] =	vst v63  }
0xaf: {  	_ =	swait.ge @p0 [sflag:s30], $0x4000  }
0xb0: {  	[sflag:s30] =	ssyncset.done @p0 $0x0  }
0xb1: {  	[sflag:s30] =	ssyncadd.s32 @p0 $0xFFFFC000  }
0xb2: {  	[spmem:s14] =	stream.linear.scatter @p0 [tilespmem:s0], [sflag:$0xD], $0x4000, $0x38;
	[tilespmem:$0x1FE80] =	vst v63  }
0xb3: {  	_ =	swait.ge @p0 [sflag:s30], $0x4000  }
0xb4: {  	[sflag:s30] =	ssyncset.done @p0 $0x0  }
0xb5: {  	[sflag:s30] =	ssyncadd.s32 @p0 $0xFFFFC000  }
0xb6: {  	[spmem:s23] =	stream.linear.scatter @p0 [tilespmem:s0], [sflag:$0xD], $0x4000, $0x38;
	[tilespmem:$0x1FE80] =	vst v63  }
0xb7: {  	_ =	swait.ge @p0 [sflag:s30], $0x4000  }
0xb8: {  	[sflag:s30] =	ssyncset.done @p0 $0x0  }
0xb9: {  	[sflag:s30] =	ssyncadd.s32 @p0 $0xFFFFC000  }
0xba: {  	[spmem:s19] =	stream.linear.scatter @p0 [tilespmem:s0], [sflag:$0xD], $0x4000, $0x38;
	[tilespmem:$0x1FE80] =	vst v63  }
0xbb: {  	_ =	swait.ge @p0 [sflag:s30], $0x4000  }
0xbc: {  	[sflag:s30] =	ssyncset.done @p0 $0x0  }
0xbd: {  	s0 =	simm.s32 @!p2 $0x600;
	[sflag:s30] =	ssyncadd.s32 @p0 $0xFFFFC000  }
0xbe: {  	[spmem:s31] =	stream.linear.scatter @!p2 [tilespmem:s0], [sflag:$0xD], $0x4000, $0x38;
	[tilespmem:$0x1FE80] =	vst v63  }
0xbf: {  	s0 =	simm.s32 @!p2 $0xD  }
0xc0: {  	_ =	swait.ge @!p2 [sflag:s0], $0x4000  }
0xc1: {  	s19 =	sld [smem:$0x7F2];
	_ =	sdelay $0x2  }
0xc2: {  	[sflag:s0] =	ssyncset.done @!p2 $0x0;
	p5 =	seq.s32 s19, $0x1  }
0xc3: {  	[sflag:s0] =	ssyncadd.s32 @!p2 $0xFFFFC000;
	s0 =	simm.s32 @!p5 $0x600  }
0xc4: {  	[spmem:s21] =	stream.linear.scatter @!p5 [tilespmem:s0], [sflag:$0xD], $0x800, $0x38;
	[tilespmem:$0x1FE80] =	vst v63  }
0xc5: {  	s0 =	simm.s32 @!p5 $0xD  }
0xc6: {  	_ =	swait.ge @!p5 [sflag:s0], $0x800  }
0xc7: {  	[sflag:s0] =	ssyncset.done @!p5 $0x0  }
0xc8: {  	[sflag:s0] =	ssyncadd.s32 @!p5 $0xFFFFF800  }
0xc9: {  	[bflag:$0x0] =	sbarrier.arrive $0xFFFF  }
0xca: {  	s21 =	rddreg [dreg:$0x7]  }
0xcb: {  	s30 =	simm.s32 $0x0;
	s23 =	rddreg [dreg:$0x9]  }
0xcc: {  	[tilespmem:s30], [sflag:$0x4] =	stream.linear.gather [hbm4b:s21+s30], $0x80, $0x38;
	[tilespmem:$0x1FE80] =	vst v63  }
0xcd: {  	s4 =	simm.s32 $0x300;
	s14 =	sld [smem:$0x7F6]  }
0xce: {  	[tilespmem:s4], [sflag:$0x4] =	stream.linear.gather [hbm4b:s23+s30], $0x80, $0x38;
	[tilespmem:$0x1FE80] =	vst v63  }
0xcf: {  	s19 =	sld [smem:$0x7F7]  }
0xd0: {  	[tilespmem:s7], [sflag:$0x5] =	stream.linear.gather [hbm4b:s14+s30], $0x80, $0x38;
	[tilespmem:$0x1FE80] =	vst v63  }
0xd1: {  	s21 =	simm.s32 $0x380;
	s23 =	sld [smem:$0x7F8]  }
0xd2: {  	[tilespmem:s21], [sflag:$0x5] =	stream.linear.gather [hbm4b:s19+s30], $0x80, $0x38;
	[tilespmem:$0x1FE80] =	vst v63  }
0xd3: {  	s4 =	simm.s32 $0x100;
	s14 =	sld [smem:$0x7F9]  }
0xd4: {  	[tilespmem:s4], [sflag:$0x6] =	stream.linear.gather [hbm4b:s23+s30], $0x80, $0x38;
	[tilespmem:$0x1FE80] =	vst v63  }
0xd5: {  	s19 =	sld [smem:$0x7FA]  }
0xd6: {  	[tilespmem:s24], [sflag:$0x6] =	stream.linear.gather [hbm4b:s14+s30], $0x80, $0x38;
	[tilespmem:$0x1FE80] =	vst v63  }
0xd7: {  	s21 =	sld [smem:$0x7FB]  }
0xd8: {  	[tilespmem:s26], [sflag:$0x7] =	stream.linear.gather [hbm4b:s19+s30], $0x80, $0x38;
	[tilespmem:$0x1FE80] =	vst v63  }
0xd9: {  	_ = 	snop  }
0xda: {  	[tilespmem:s20], [sflag:$0x7] =	stream.linear.gather [hbm4b:s21+s30], $0x80, $0x38;
	[tilespmem:$0x1FE80] =	vst v63  }
0xdb: {  	_ =	swait.ge [sflag:s28], $0x80  }
0xdc: {  	[sflag:s28] =	ssyncset.done $0x0  }
0xdd: {  	[sflag:s28] =	ssyncadd.s32 $0xFFFFFF80  }
0xde: {  	_ =	swait.ge [sflag:s28], $0x80  }
0xdf: {  	s21 =	rddreg [dreg:$0x14]  }
0xe0: {  	s23 =	sld [smem:$0x7F1]  }
0xe1: {  	s8 =	rddreg [dreg:$0xc]  }
0xe2: {  	[sflag:s28] =	ssyncset.done $0x0;
	s19 =	rddreg [dreg:$0x10]  }
0xe3: {  	[sflag:s28] =	ssyncadd.s32 $0xFFFFFF80;
	s4 =	smov.u32 s21;
	s20 =	smov.u32 s8  }
0xe4: {  	[tilespmem:s12], [sflag:$0x1] =	stream.indirect.gather [hbm4b:s5+s7], $0x80, s30, s7, $0xb8;
	[tilespmem:$0x1FE80] =	vst v63  }
0xe5: {  	s14 =	smov.u32 s19;
	s0 =	smov.u32 s21;
	_ =	swait.ge [sflag:s9], $0x80  }
0xe6: {  	p5 =	seq.s32 s23, $0x1;
	[sflag:s9] =	ssyncset.done $0x0;
	s23 =	sld [smem:$0x7F3]  }
0xe7: {  	s31 =	smov.u32 s8;
	s4 =	simm.s32 @!p5 $0x30;
	[sflag:s9] =	ssyncadd.s32 $0xFFFFFF80  }
0xe8: {  	s20 =	simm.s32 @!p5 $0x10;
	s14 =	simm.s32 @!p5 $0x20;
	_ =	swait.ge [sflag:s9], $0x80  }
0xe9: {  	s4 =	smov.u32 @p1 s21;
	p5 =	seq.s32 s23, $0x1;
	[sflag:s9] =	ssyncset.done $0x0  }
0xea: {  	s0 =	simm.s32 @p5 $0x30;
	s31 =	simm.s32 @p5 $0x10;
	[sflag:s9] =	ssyncadd.s32 $0xFFFFFF80  }
0xeb: {  	[tilespmem:s15], [sflag:$0x2] =	stream.indirect.gather [hbm4b:s5+s7], $0x80, s7, s7, $0xb8;
	[tilespmem:$0x1FE80] =	vst v63  }
0xec: {  	s20 =	smov.u32 @p1 s8;
	s0 =	smov.u32 @p2 s21;
	s31 =	smov.u32 @p2 s8  }
0xed: {  	s21 =	rddreg [dreg:$0x1a];
	s4 =	smov.u32 @p0 s0;
	s0 =	smov.u32 s19  }
0xee: {  	s20 =	smov.u32 @p0 s31;
	s31 =	rddreg [dreg:$0x1e];
	s0 =	simm.s32 @p5 $0x20  }
0xef: {  	s14 =	smov.u32 @p1 s19;
	[smem:$0x7EC] =	sst s4;
	s0 =	smov.u32 @p2 s19  }
0xf0: {  	s23 =	simm.s32 $0x480;
	[smem:$0x7ED] =	sst s20;
	s14 =	smov.u32 @p0 s0  }
0xf1: {  	s8 =	simm.s32 $0x100;
	s4 =	simm.s32 $0x580;
	[smem:$0x7EE] =	sst s14  }
.LBB2_4:
0xf2: {  	_ =	swait.ge [sflag:s17], $0x4000  }
0xf3: {  	[sflag:s17] =	ssyncset.done $0x0  }
0xf4: {  	s0 =	simm.s32 $0x300;
	s19 =	rddreg [dreg:$0x1f];
	[sflag:s17] =	ssyncadd.s32 $0xFFFFC000  }
0xf5: {  	[spmem:s2] =	stream.indirect.scatter.add.f32 [tilespmem:s12], [sflag:$0xA], $0x80, s0, s7, $0xb8;
	[tilespmem:$0x1FE80] =	vst v63  }
0xf6: {  	s0 =	sadd.s32 s30, s19;
	s12 =	simm.s32 $0x200  }
0xf7: {  	[tilespmem:s12], [sflag:$0x8] =	stream.linear.gather [hbm4b:s0+s3], $0x80, $0x38;
	[tilespmem:$0x1FE80] =	vst v63  }
0xf8: {  	s14 =	simm.s32 $0x500;
	s0 =	sadd.s32 $0x10, s0  }
0xf9: {  	[tilespmem:s14], [sflag:$0x8] =	stream.linear.gather [hbm4b:s0+s3], $0x80, $0x38;
	[tilespmem:$0x1FE80] =	vst v63  }
0xfa: {  	_ =	swait.ge [sflag:s25], $0x80  }
0xfb: {  	[sflag:s25] =	ssyncset.done $0x0  }
0xfc: {  	[sflag:s25] =	ssyncadd.s32 $0xFFFFFF80  }
0xfd: {  	_ =	swait.ge [sflag:s25], $0x80  }
0xfe: {  	p6 =	seq.s32 s30, $0x0;
	[sflag:s25] =	ssyncset.done $0x0  }
0xff: {  	s0 =	simm.s32 @!p6 $0xC;
	[sflag:s25] =	ssyncadd.s32 $0xFFFFFF80  }
0x100: {  	_ =	swait.ge @!p6 [sflag:s0], $0x4000  }
0x101: {  	[sflag:s0] =	ssyncset.done @!p6 $0x0  }
0x102: {  	[sflag:s0] =	ssyncadd.s32 @!p6 $0xFFFFC000  }
0x103: {  	[tilespmem:s13], [sflag:$0x3] =	stream.indirect.gather [hbm4b:s5+s7], $0x80, s8, s7, $0xb8;
	[tilespmem:$0x1FE80] =	vst v63  }
0x104: {  	_ =	swait.ge [sflag:s6], $0x4000  }
0x105: {  	[sflag:s6] =	ssyncset.done $0x0  }
0x106: {  	s20 =	simm.s32 $0x380;
	s8 =	rddreg [dreg:$0x1d];
	[sflag:s6] =	ssyncadd.s32 $0xFFFFC000  }
0x107: {  	[spmem:s2] =	stream.indirect.scatter.add.f32 [tilespmem:s15], [sflag:$0xB], $0x80, s20, s7, $0xb8;
	[tilespmem:$0x1FE80] =	vst v63  }
0x108: {  	s0 =	sadd.s32 s30, s8  }
0x109: {  	[tilespmem:s29], [sflag:$0x9] =	stream.linear.gather [hbm4b:s0+s3], $0x80, $0x38;
	[tilespmem:$0x1FE80] =	vst v63  }
0x10a: {  	s0 =	sadd.s32 $0x10, s0  }
0x10b: {  	[tilespmem:s4], [sflag:$0x9] =	stream.linear.gather [hbm4b:s0+s3], $0x80, $0x38;
	[tilespmem:$0x1FE80] =	vst v63  }
0x10c: {  	_ =	swait.ge [sflag:s18], $0x80  }
0x10d: {  	[sflag:s18] =	ssyncset.done $0x0  }
0x10e: {  	[sflag:s18] =	ssyncadd.s32 $0xFFFFFF80  }
0x10f: {  	_ =	swait.ge [sflag:s18], $0x80  }
0x110: {  	[sflag:s18] =	ssyncset.done $0x0  }
0x111: {  	[sflag:s18] =	ssyncadd.s32 $0xFFFFFF80  }
0x112: {  	_ =	swait.ge [sflag:s22], $0x4000  }
0x113: {  	[sflag:s22] =	ssyncset.done $0x0  }
0x114: {  	s19 =	simm.s32 $0x600;
	[sflag:s22] =	ssyncadd.s32 $0xFFFFC000  }
0x115: {  	[tilespmem:s19], [sflag:$0x1] =	stream.indirect.gather [hbm4b:s5+s7], $0x80, s26, s7, $0xb8;
	[tilespmem:$0x1FE80] =	vst v63  }
0x116: {  	_ =	swait.ge [sflag:s1], $0x4000  }
0x117: {  	[sflag:s1] =	ssyncset.done $0x0  }
0x118: {  	p6 =	seq.s32 s30, $0x12000;
	[sflag:s1] =	ssyncadd.s32 $0xFFFFC000  }
0x119: {  	[spmem:s2] =	stream.indirect.scatter.add.f32 [tilespmem:s13], [sflag:$0xC], $0x80, s24, s7, $0xb8;
	[tilespmem:$0x1FE80] =	vst v63  }
0x11a: {  	s0 =	sshrl.u32 @!p6 s31, $0x3;
	s8 =	rddreg [dreg:$0x1]  }
0x11b: {  	s19 =	simm.s32 @!p6 $0x0;
	s8 =	sadd.s32 @!p6 s8, s0  }
0x11c: {  	[tilespmem:s19], [sflag:$0x4] =	stream.linear.gather @!p6 [hbm4b:s8+s19], $0x80, $0x38;
	[tilespmem:$0x1FE80] =	vst v63  }
0x11d: {  	s8 =	rddreg [dreg:$0x8]  }
0x11e: {  	s0 =	sadd.s32 @!p6 s0, s8;
	s8 =	simm.s32 @!p6 $0x300  }
0x11f: {  	[tilespmem:s8], [sflag:$0x4] =	stream.linear.gather @!p6 [hbm4b:s0+s19], $0x80, $0x38;
	[tilespmem:$0x1FE80] =	vst v63  }
0x120: {  	_ =	swait.ge [sflag:s11], $0x80  }
0x121: {  	[sflag:s11] =	ssyncset.done $0x0  }
0x122: {  	[sflag:s11] =	ssyncadd.s32 $0xFFFFFF80  }
0x123: {  	_ =	swait.ge [sflag:s11], $0x80  }
0x124: {  	[sflag:s11] =	ssyncset.done $0x0  }
0x125: {  	[sflag:s11] =	ssyncadd.s32 $0xFFFFFF80  }
0x126: {  	_ =	swait.ge [sflag:s16], $0x4000  }
0x127: {  	[sflag:s16] =	ssyncset.done $0x0  }
0x128: {  	[sflag:s16] =	ssyncadd.s32 $0xFFFFC000  }
0x129: {  	[tilespmem:s15], [sflag:$0x2] =	stream.indirect.gather [hbm4b:s5+s7], $0x80, s12, s7, $0xb8;
	[tilespmem:$0x1FE80] =	vst v63  }
0x12a: {  	_ =	swait.ge [sflag:s17], $0x4000  }
0x12b: {  	[sflag:s17] =	ssyncset.done $0x0  }
0x12c: {  	s12 =	simm.s32 $0x600;
	s0 =	rddreg [dreg:$0x1c];
	[sflag:s17] =	ssyncadd.s32 $0xFFFFC000  }
0x12d: {  	[spmem:s2] =	stream.indirect.scatter.add.f32 [tilespmem:s12], [sflag:$0xA], $0x80, s23, s7, $0xb8;
	[tilespmem:$0x1FE80] =	vst v63  }
0x12e: {  	s8 =	simm.s32 @!p6 $0x80;
	s0 =	sadd.s32 @!p6 s30, s0  }
0x12f: {  	[tilespmem:s8], [sflag:$0x5] =	stream.linear.gather @!p6 [hbm4b:s0+s19], $0x80, $0x38;
	[tilespmem:$0x1FE80] =	vst v63  }
0x130: {  	s0 =	sadd.s32 @!p6 $0x10, s0;
	s8 =	simm.s32 @!p6 $0x380  }
0x131: {  	[tilespmem:s8], [sflag:$0x5] =	stream.linear.gather @!p6 [hbm4b:s0+s19], $0x80, $0x38;
	[tilespmem:$0x1FE80] =	vst v63  }
0x132: {  	_ =	swait.ge [sflag:s10], $0x80  }
0x133: {  	[sflag:s10] =	ssyncset.done $0x0  }
0x134: {  	[sflag:s10] =	ssyncadd.s32 $0xFFFFFF80  }
0x135: {  	_ =	swait.ge [sflag:s10], $0x80  }
0x136: {  	[sflag:s10] =	ssyncset.done $0x0  }
0x137: {  	s19 =	simm.s32 $0xC;
	[sflag:s10] =	ssyncadd.s32 $0xFFFFFF80  }
0x138: {  	_ =	swait.ge [sflag:s19], $0x4000  }
0x139: {  	[sflag:s19] =	ssyncset.done $0x0  }
0x13a: {  	[sflag:s19] =	ssyncadd.s32 $0xFFFFC000  }
0x13b: {  	[tilespmem:s13], [sflag:$0x3] =	stream.indirect.gather [hbm4b:s5+s7], $0x80, s29, s7, $0xb8;
	[tilespmem:$0x1FE80] =	vst v63  }
.Ltmp3:
0x13c: {  	_ = 	snop;
	(pc) =	sbr.rel @p6 .LBB2_6-.Ltmp3, $4  }
0x13d: {  	_ =	swait.ge [sflag:s6], $0x4000  }
0x13e: {  	s20 =	simm.s32 $0x180;
	s4 =	simm.s32 $0x580;
	[sflag:s6] =	ssyncset.done $0x0  }
0x13f: {  	s26 =	simm.s32 $0x400;
	s24 =	simm.s32 $0x100;
	[sflag:s6] =	ssyncadd.s32 $0xFFFFC000  }
0x140: {  	[spmem:s2] =	stream.indirect.scatter.add.f32 [tilespmem:s15], [sflag:$0xB], $0x80, s14, s7, $0xb8;
	[tilespmem:$0x1FE80] =	vst v63  }
0x141: {  	s0 =	rddreg [dreg:$0x1b]  }
0x142: {  	s0 =	sadd.s32 s30, s0  }
0x143: {  	[tilespmem:s24], [sflag:$0x6] =	stream.linear.gather [hbm4b:s0+s3], $0x80, $0x38;
	[tilespmem:$0x1FE80] =	vst v63  }
0x144: {  	s0 =	sadd.s32 $0x10, s0  }
0x145: {  	[tilespmem:s26], [sflag:$0x6] =	stream.linear.gather [hbm4b:s0+s3], $0x80, $0x38;
	[tilespmem:$0x1FE80] =	vst v63  }
0x146: {  	_ =	swait.ge [sflag:s28], $0x80  }
0x147: {  	[sflag:s28] =	ssyncset.done $0x0  }
0x148: {  	[sflag:s28] =	ssyncadd.s32 $0xFFFFFF80  }
0x149: {  	_ =	swait.ge [sflag:s28], $0x80  }
0x14a: {  	[sflag:s28] =	ssyncset.done $0x0  }
0x14b: {  	[sflag:s28] =	ssyncadd.s32 $0xFFFFFF80  }
0x14c: {  	_ =	swait.ge [sflag:s22], $0x4000  }
0x14d: {  	[sflag:s22] =	ssyncset.done $0x0  }
0x14e: {  	[sflag:s22] =	ssyncadd.s32 $0xFFFFC000  }
0x14f: {  	[tilespmem:s12], [sflag:$0x1] =	stream.indirect.gather [hbm4b:s5+s7], $0x80, s3, s7, $0xb8;
	[tilespmem:$0x1FE80] =	vst v63  }
0x150: {  	_ =	swait.ge [sflag:s1], $0x4000  }
0x151: {  	[sflag:s1] =	ssyncset.done $0x0  }
0x152: {  	[sflag:s1] =	ssyncadd.s32 $0xFFFFC000  }
0x153: {  	[spmem:s2] =	stream.indirect.scatter.add.f32 [tilespmem:s13], [sflag:$0xC], $0x80, s4, s7, $0xb8;
	[tilespmem:$0x1FE80] =	vst v63  }
0x154: {  	s26 =	sadd.s32 s30, s21  }
0x155: {  	[tilespmem:s20], [sflag:$0x7] =	stream.linear.gather [hbm4b:s26+s3], $0x80, $0x38;
	[tilespmem:$0x1FE80] =	vst v63  }
0x156: {  	s0 =	sadd.s32 $0x10, s26  }
0x157: {  	[tilespmem:s23], [sflag:$0x7] =	stream.linear.gather [hbm4b:s0+s3], $0x80, $0x38;
	[tilespmem:$0x1FE80] =	vst v63  }
0x158: {  	_ =	swait.ge [sflag:s9], $0x80  }
0x159: {  	[sflag:s9] =	ssyncset.done $0x0  }
0x15a: {  	[sflag:s9] =	ssyncadd.s32 $0xFFFFFF80  }
0x15b: {  	_ =	swait.ge [sflag:s9], $0x80  }
0x15c: {  	[sflag:s9] =	ssyncset.done $0x0  }
.Ltmp4:
0x15d: {  	[sflag:s9] =	ssyncadd.s32 $0xFFFFFF80;
	(pc) =	sbr.rel .LBB2_4-.Ltmp4, $4  }
0x15e: {  	s31 =	sadd.s32 $0xC000, s31;
	s8 =	simm.s32 $0x100;
	_ =	swait.ge [sflag:s16], $0x4000  }
0x15f: {  	s24 =	simm.s32 $0x400;
	s30 =	sadd.s32 $0x1800, s30;
	[sflag:s16] =	ssyncset.done $0x0  }
0x160: {  	s4 =	simm.s32 $0x580;
	s26 =	simm.s32 $0x180;
	[sflag:s16] =	ssyncadd.s32 $0xFFFFC000  }
0x161: {  	[tilespmem:s15], [sflag:$0x2] =	stream.indirect.gather [hbm4b:s5+s7], $0x80, s7, s7, $0xb8;
	[tilespmem:$0x1FE80] =	vst v63  }
.LBB2_7:
0x162: {  	_ =	sfence.sel $0x180000  }
0x163: {  	[bflag:$0x0] =	sbarrier.arrive $0xFFFF  }
0x164: {  	_ =	strace $0x9000004A  }
0x165: {  	s0 =	stileid.u32;
	[bflag:$0x2] =	sbarrier.arrive $0xFFFF  }
0x166: {  	p0 =	sne.s32 s0, $0x0;
	s0 =	rddreg [dreg:$0x3]  }
0x167: {  	s0 =	sadd.s32 @!p0 $0x100000, s0  }
0x168: {  	[sflag:s0] =	ssyncadd.tile.s32 @!p0 $0x1;
	_ =	shalt  }
.Lfunc_end2:
_tile_overlayer_lowered:
.L_overlay_start_2:
0x169: {  	(tag) =	ssettag $0x2  }
0x16a: {  	s0 =	rddreg [dreg:$0x0];
	s2 =	stileid.u32  }
0x16b: {  	s1 =	rddreg [dreg:$0x1];
	p0 =	sne.s32 s2, $0x0  }
0x16c: {  	s3 =	rddreg [dreg:$0x2];
	[bflag:$0x3] =	sbarrier.arrive $0xFFFF;
	s2 =	simm.s32 @!p0 $0x1C0D  }
0x16d: {  	[timem:s3], [sflag:s2] =	dma.local @!p0 [hbm:s0], s1  }
0x16e: {  	s0 =	simm.s32 @!p0 $0xD  }
0x16f: {  	_ =	swait.ge @!p0 [sflag:s0], s1  }
0x170: {  	s1 =	ssub.s32 @!p0 $0x0, s1;
	[sflag:s0] =	ssyncset.done @!p0 $0x0  }
0x171: {  	[sflag:s0] =	ssyncadd.s32 @!p0 s1  }
0x172: {  	[bflag:$0x3] =	sbarrier.arrive $0xFFFF  }
0x173: {  	_ =	shalt  }

</sc_bundles>
